<compile_context>
chip_gen: v7x
topology: tpu7x:2x2x1
jax: 0.10.2.dev20260603
libtpu: 0.0.44.dev20260713+nightly
codegen_flags: <defaults>
</compile_context>

<pallas_src>
import functools

import jax
import jax.numpy as jnp
from jax import lax
from jax.experimental import pallas as pl
from jax.experimental.pallas import tpu as pltpu
from jax.experimental.pallas import tpu_sc as plsc

D = 64
T = 4
E = 128
LANES = 16
W = 32
PLANE = 14 * E
HIMASK = -65536


def _sc_kernel_body(nc, nb, ids_packed,
                    token_table, feature_table, type_table, seq_table,
                    pos_table, out_hbm,
                    idx0, idx1, w0, w1, rows0, rows1, ps0, ps1, outt,
                    sem_idx, sem_g0, sem_g1):
    idxb = [idx0, idx1]
    wb = [w0, w1]
    rowsb = [rows0, rows1]
    psb = [ps0, ps1]
    sem_g = [sem_g0, sem_g1]

    assert nb & (nb - 1) == 0
    shift_nb = nb.bit_length() - 1
    wid = lax.axis_index("s") * 2 + lax.axis_index("c")
    g0 = wid * nc

    def zero_rows(p):
        z16 = jnp.zeros((LANES,), jnp.float32)

        def zr(e, _):
            for dc in range(D // LANES):
                sl = pl.ds(dc * LANES, LANES)
                for t in range(T):
                    rowsb[p][t, e, sl] = z16
                psb[p][e, sl] = z16
            return 0
        lax.fori_loop(0, E, zr, 0)

    def fire_gathers(p):
        for k, table in enumerate((token_table, feature_table, type_table)):
            for t in range(T):
                pltpu.async_copy(
                    table.at[idxb[p].at[pl.ds((k * T + t) * E, E)]],
                    rowsb[p].at[t], sem_g[p], add=True)
        pltpu.async_copy(
            pos_table.at[idxb[p].at[pl.ds(3 * T * E, E)]],
            psb[p], sem_g[p], add=True)
        pltpu.async_copy(
            seq_table.at[idxb[p].at[pl.ds(3 * T * E + E, E)]],
            psb[p], sem_g[p], add=True)

    def wait_gathers(p):
        for k, table in enumerate((token_table, feature_table, type_table)):
            for t in range(T):
                pltpu.make_async_copy(
                    table.at[idxb[p].at[pl.ds((k * T + t) * E, E)]],
                    rowsb[p].at[t], sem_g[p]).wait()
        pltpu.make_async_copy(
            pos_table.at[idxb[p].at[pl.ds(3 * T * E, E)]],
            psb[p], sem_g[p]).wait()
        pltpu.make_async_copy(
            seq_table.at[idxb[p].at[pl.ds(3 * T * E + E, E)]],
            psb[p], sem_g[p]).wait()

    def weights(p):
        ilane = lax.iota(jnp.int32, LANES)

        def grp(i, _):
            cnt = jnp.zeros((LANES,), jnp.float32)
            ms = []
            for t in range(T):
                ids = idxb[p][pl.ds(t * E + i * LANES, LANES)]
                m = jnp.where(ids != 0, 1.0, 0.0).astype(jnp.float32)
                ms.append(m)
                cnt = cnt + m
            rv = 1.0 / jnp.maximum(cnt, 1.0)
            widx = (ilane + i * LANES) * T
            for t in range(T):
                plsc.store_scatter(wb[p], [widx + t], ms[t] * rv)
            return 0
        lax.fori_loop(0, E // LANES, grp, 0)

    def compute_and_store(p, c):
        ilane = lax.iota(jnp.int32, LANES)

        def event_body(e, _):
            wv = wb[p][pl.ds(e * T, LANES)]
            ev = jnp.zeros((LANES,), jnp.int32) + e
            for dc in range(D // LANES):
                sl = pl.ds(dc * LANES, LANES)
                acc = psb[p][e, sl]
                for t in range(T):
                    acc = acc + rowsb[p][t, e, sl] * wv[t]
                plsc.store_scatter(outt, [ilane + dc * LANES, ev], acc)
            return 0
        lax.fori_loop(0, E, event_body, 0)

        g = g0 + c
        sl_ix = lax.shift_right_logical(g, shift_nb)
        bb = lax.bitwise_and(g, nb - 1)
        pltpu.sync_copy(
            outt, out_hbm.at[sl_ix, :, pl.ds(bb * E, E)])

    pltpu.sync_copy(ids_packed.at[g0], idx0)
    weights(0)
    zero_rows(0)
    fire_gathers(0)
    pltpu.make_async_copy(ids_packed.at[g0 + 1], idx1, sem_idx).start()

    def step(i, _):
        for p in (0, 1):
            c = i * 2 + p
            q = 1 - p

            @pl.when(c + 1 < nc)
            def _prefetch():
                pltpu.make_async_copy(
                    ids_packed.at[g0 + c + 1], idxb[q], sem_idx).wait()
                weights(q)
                zero_rows(q)
                fire_gathers(q)

            wait_gathers(p)

            @pl.when(c + 2 < nc)
            def _next_idx():
                pltpu.make_async_copy(
                    ids_packed.at[g0 + c + 2], idxb[p], sem_idx).start()

            compute_and_store(p, c)
        return 0

    lax.fori_loop(0, nc // 2, step, 0)


@functools.partial(jax.jit, static_argnums=())
def kernel(token_ids, feature_ids, type_ids, pos_ids, seq_name_ids,
           token_table, feature_table, type_table, seq_table, pos_table):
    B, S, L, Tt = token_ids.shape
    assert Tt == T and token_table.shape[1] == D
    SL = S * L
    N = B * SL
    nb = B // E
    NCHUNKS = SL * nb
    assert NCHUNKS % W == 0
    nc = NCHUNKS // W
    assert nc % 2 == 0

    def plane3(x):
        return (x.astype(jnp.int32).transpose(1, 2, 3, 0)
                .reshape(SL, T, nb, E).transpose(0, 2, 1, 3))

    def plane1(x):
        return (x.astype(jnp.int32).transpose(1, 2, 0)
                .reshape(SL, nb, 1, E))

    ids_packed = jnp.concatenate(
        [plane3(token_ids), plane3(feature_ids), plane3(type_ids),
         plane1(pos_ids), plane1(seq_name_ids)],
        axis=2).reshape(NCHUNKS, PLANE)

    mesh = plsc.VectorSubcoreMesh(core_axis_name="c", subcore_axis_name="s",
                                  num_cores=2, num_subcores=16)
    kfn = pl.kernel(
        functools.partial(_sc_kernel_body, nc, nb),
        out_type=jax.ShapeDtypeStruct((SL, D, B), jnp.float32),
        mesh=mesh,
        compiler_params=pltpu.CompilerParams(use_tc_tiling_on_sc=False,
                                             needs_layout_passes=False),
        scratch_types=[
            pltpu.VMEM((PLANE,), jnp.int32),
            pltpu.VMEM((PLANE,), jnp.int32),
            pltpu.VMEM((T * E + LANES,), jnp.float32),
            pltpu.VMEM((T * E + LANES,), jnp.float32),
            pltpu.VMEM((T, E, D), jnp.float32),
            pltpu.VMEM((T, E, D), jnp.float32),
            pltpu.VMEM((E, D), jnp.float32),
            pltpu.VMEM((E, D), jnp.float32),
            pltpu.VMEM((D, E), jnp.float32),
            pltpu.SemaphoreType.DMA,
            pltpu.SemaphoreType.DMA,
            pltpu.SemaphoreType.DMA,
        ],
    )
    out = kfn(ids_packed, token_table, feature_table, type_table,
              seq_table, pos_table)
    return out.reshape(S, L, D, B).transpose(3, 0, 1, 2)

# --- scband reference (transcript-rebuilt; emitter-appended) ---
"""Pipeline reference for scband-unified-tokenizer-17059610100304 (READ-ONLY COPY).

The authoritative reference and input builder live on the scoring server;
editing this copy changes nothing except your own understanding.
"""

import jax, jax.numpy as jnp
import numpy as np

HASH_SIZE = 1000000
FEATURE_VOCAB = 100000
TYPE_VOCAB = 1000
SEQ_VOCAB = 1000
MAX_POSITION = 2048
D_MODEL = 64


def setup_inputs(seed: int = 0) -> dict:
    key = jax.random.key(seed)
    ks = jax.random.split(key, 10)
    token_ids = jax.random.randint(ks[0], (1024, 4, 50, 4), 0, HASH_SIZE + 1, dtype=jnp.int32).astype(jnp.int64) if False else jax.random.randint(ks[0], (1024, 4, 50, 4), 0, HASH_SIZE + 1)
    feature_ids = jax.random.randint(ks[1], (1024, 4, 50, 4), 0, FEATURE_VOCAB)
    type_ids = jax.random.randint(ks[2], (1024, 4, 50, 4), 0, TYPE_VOCAB)
    pos_ids = jax.random.randint(ks[3], (1024, 4, 50), 0, MAX_POSITION)
    seq_name_ids = jax.random.randint(ks[4], (1024, 4, 50), 0, SEQ_VOCAB)
    token_table = jax.random.normal(ks[5], (HASH_SIZE + 1, D_MODEL), dtype=jnp.float32) * 0.02
    token_table = token_table.at[0].set(0.0)  # padding_idx=0
    feature_table = jax.random.normal(ks[6], (FEATURE_VOCAB, D_MODEL), dtype=jnp.float32) * 0.02
    feature_table = feature_table.at[0].set(0.0)
    type_table = jax.random.normal(ks[7], (TYPE_VOCAB, D_MODEL), dtype=jnp.float32) * 0.02
    type_table = type_table.at[0].set(0.0)
    seq_table = jax.random.normal(ks[8], (SEQ_VOCAB, D_MODEL), dtype=jnp.float32) * 0.02
    seq_table = seq_table.at[0].set(0.0)
    pos_table = jax.random.normal(ks[9], (MAX_POSITION, D_MODEL), dtype=jnp.float32) * 0.02
    return {
        "token_ids": token_ids,
        "feature_ids": feature_ids,
        "type_ids": type_ids,
        "pos_ids": pos_ids,
        "seq_name_ids": seq_name_ids,
        "token_table": token_table,
        "feature_table": feature_table,
        "type_table": type_table,
        "seq_table": seq_table,
        "pos_table": pos_table,
    }


def reference(token_ids, feature_ids, type_ids, pos_ids, seq_name_ids,
              token_table, feature_table, type_table, seq_table, pos_table):
    # encode_sequence_events path (dropout=0 -> identity)
    token = (jnp.take(token_table, token_ids, axis=0)
             + jnp.take(feature_table, jnp.maximum(feature_ids, 0), axis=0)
             + jnp.take(type_table, jnp.maximum(type_ids, 0), axis=0))
    mask = (token_ids != 0).astype(jnp.float32)[..., None]  # [B,S,L,T,1]
    event = (token * mask).sum(axis=3) / jnp.maximum(mask.sum(axis=3), 1.0)  # [B,S,L,D]
    event = event + jnp.take(pos_table, pos_ids, axis=0) + jnp.take(seq_table, seq_name_ids, axis=0)
    return event

if __name__ == "__main__":
    import jax
    _d = setup_inputs()
    print(jax.jit(kernel)(*tuple(_d.values())))

</pallas_src>

<mosaic_0001>
#map = affine_map<(d0, d1) -> (0, 0)>
#map1 = affine_map<(d0, d1) -> (0, 0, 0)>
module attributes {stable_mosaic.version = 14 : i64} {
  func.func @_sc_kernel_body(%arg0: i32, %arg1: i32, %arg2: memref<1600x1792xi32, #tpu.memory_space<hbm>>, %arg3: memref<1000001x64xf32, #tpu.memory_space<hbm>>, %arg4: memref<100000x64xf32, #tpu.memory_space<hbm>>, %arg5: memref<1000x64xf32, #tpu.memory_space<hbm>>, %arg6: memref<1000x64xf32, #tpu.memory_space<hbm>>, %arg7: memref<2048x64xf32, #tpu.memory_space<hbm>>, %arg8: memref<200x64x1024xf32, #tpu.memory_space<hbm>>, %arg9: memref<1792xi32, #tpu.memory_space<vmem>>, %arg10: memref<1792xi32, #tpu.memory_space<vmem>>, %arg11: memref<528xf32, #tpu.memory_space<vmem>>, %arg12: memref<528xf32, #tpu.memory_space<vmem>>, %arg13: memref<4x128x64xf32, #tpu.memory_space<vmem>>, %arg14: memref<4x128x64xf32, #tpu.memory_space<vmem>>, %arg15: memref<128x64xf32, #tpu.memory_space<vmem>>, %arg16: memref<128x64xf32, #tpu.memory_space<vmem>>, %arg17: memref<64x128xf32, #tpu.memory_space<vmem>>, %arg18: memref<!tpu.dma_semaphore, #tpu.memory_space<semaphore_mem>>, %arg19: memref<!tpu.dma_semaphore, #tpu.memory_space<semaphore_mem>>, %arg20: memref<!tpu.dma_semaphore, #tpu.memory_space<semaphore_mem>>) attributes {dimension_semantics = [#tpu.dimension_semantics<core_parallel>, #tpu.dimension_semantics<subcore_parallel>], iteration_bounds = array<i64: 2, 16>, scalar_prefetch = 0 : i64, scratch_operands = 12 : i64, tpu.core_type = #tpu.core_type<sc_vector_subcore>, window_params = [{transform_indices = #map}, {transform_indices = #map}, {transform_indices = #map}, {transform_indices = #map}, {transform_indices = #map}, {transform_indices = #map}, {transform_indices = #map1}]} {
    %mul3A = arith.constant 2 : i32
    %mul3A_0 = arith.muli %arg1, %mul3A : i32
    %add3A = arith.addi %mul3A_0, %arg0 : i32
    %mul3A_1 = arith.constant 50 : i32
    %mul3A_2 = arith.muli %add3A, %mul3A_1 : i32
    "tpu.region"() ({
      %run_scoped3A = tpu.sem_alloc : memref<!tpu.dma_semaphore, #tpu.memory_space<semaphore_mem>>
      %dma_start3A_161 = arith.constant 0 : i32
      %dma_start3A_162 = tpu.memref_slice %arg2[%mul3A_2, %dma_start3A_161] : memref<1600x1792xi32, #tpu.memory_space<hbm>> -> memref<1x1792xi32, #tpu.memory_space<hbm>>
      %dma_start3A_163 = tpu.memref_squeeze %dma_start3A_162 : memref<1x1792xi32, #tpu.memory_space<hbm>> -> memref<1792xi32, #tpu.memory_space<hbm>>
      %dma_start3A_164 = arith.constant 0 : i32
      %dma_start3A_165 = tpu.memref_slice %arg2[%mul3A_2, %dma_start3A_164] : memref<1600x1792xi32, #tpu.memory_space<hbm>> -> memref<1x1792xi32, #tpu.memory_space<hbm>>
      %dma_start3A_166 = tpu.memref_squeeze %dma_start3A_165 : memref<1x1792xi32, #tpu.memory_space<hbm>> -> memref<1792xi32, #tpu.memory_space<hbm>>
      tpu.enqueue_dma source(%dma_start3A_166 : memref<1792xi32, #tpu.memory_space<hbm>>) target(%arg9 : memref<1792xi32, #tpu.memory_space<vmem>>) target_semaphore(%run_scoped3A : memref<!tpu.dma_semaphore, #tpu.memory_space<semaphore_mem>>)
      %dma_wait3A = arith.constant 0 : i32
      %dma_wait3A_167 = tpu.memref_slice %arg2[%mul3A_2, %dma_wait3A] : memref<1600x1792xi32, #tpu.memory_space<hbm>> -> memref<1x1792xi32, #tpu.memory_space<hbm>>
      %dma_wait3A_168 = tpu.memref_squeeze %dma_wait3A_167 : memref<1x1792xi32, #tpu.memory_space<hbm>> -> memref<1792xi32, #tpu.memory_space<hbm>>
      %dma_wait3A_169 = arith.constant 0 : i32
      %dma_wait3A_170 = tpu.memref_slice %arg2[%mul3A_2, %dma_wait3A_169] : memref<1600x1792xi32, #tpu.memory_space<hbm>> -> memref<1x1792xi32, #tpu.memory_space<hbm>>
      %dma_wait3A_171 = tpu.memref_squeeze %dma_wait3A_170 : memref<1x1792xi32, #tpu.memory_space<hbm>> -> memref<1792xi32, #tpu.memory_space<hbm>>
      tpu.wait_dma2 semaphore(%run_scoped3A : memref<!tpu.dma_semaphore, #tpu.memory_space<semaphore_mem>>) src(%dma_wait3A_171 : memref<1792xi32, #tpu.memory_space<hbm>>) dst(%arg9 : memref<1792xi32, #tpu.memory_space<vmem>>)
      tpu.yield
    }) : () -> ()
    %iota3A = tpu.iota {dimensions = array<i32: 0>} : vector<16xi32>
    %scan3A = arith.constant 0 : i32
    %scan3A_3 = arith.constant 0 : i32
    %scan3A_4 = arith.constant 8 : i32
    %scan3A_5 = arith.addi %scan3A_3, %scan3A_4 : i32
    %scan3A_6 = arith.constant 1 : i32
    %scan3A_7 = scf.for %scan3A_161 = %scan3A_3 to %scan3A_5 step %scan3A_6 iter_args(%scan3A_162 = %scan3A) -> (i32)  : i32 {
      %broadcast_in_dim3A_163 = arith.constant 0.000000e+00 : f32
      %broadcast_in_dim3A_164 = vector.broadcast %broadcast_in_dim3A_163 : f32 to vector<16xf32>
      %mul3A_165 = arith.constant 16 : i32
      %mul3A_166 = arith.muli %scan3A_161, %mul3A_165 : i32
      %add3A_167 = arith.constant 0 : i32
      %add3A_168 = arith.addi %add3A_167, %mul3A_166 : i32
      %get3A = arith.index_cast %add3A_168 : i32 to index
      %get3A_169 = tpu.vector_load %arg9[%get3A] {strides = array<i32>} : memref<1792xi32, #tpu.memory_space<vmem>>, vector<16xi32>,
      %ne3A = arith.constant 0 : i32
      %ne3A_170 = vector.broadcast %ne3A : i32 to vector<16xi32>
      %ne3A_171 = arith.cmpi ne, %get3A_169, %ne3A_170 : vector<16xi32>
      %jit3A = arith.constant 1.000000e+00 : f32
      %jit3A_172 = arith.constant 0.000000e+00 : f32
      %broadcast_in_dim3A_173 = vector.broadcast %jit3A : f32 to vector<16xf32>
      %broadcast_in_dim3A_174 = vector.broadcast %jit3A_172 : f32 to vector<16xf32>
      %select_n3A = arith.select %ne3A_171, %broadcast_in_dim3A_173, %broadcast_in_dim3A_174 : vector<16xi1>, vector<16xf32>
      %add3A_175 = arith.addf %broadcast_in_dim3A_164, %select_n3A : vector<16xf32>
      %mul3A_176 = arith.constant 16 : i32
      %mul3A_177 = arith.muli %scan3A_161, %mul3A_176 : i32
      %add3A_178 = arith.constant 128 : i32
      %add3A_179 = arith.addi %add3A_178, %mul3A_177 : i32
      %get3A_180 = arith.index_cast %add3A_179 : i32 to index
      %get3A_181 = tpu.vector_load %arg9[%get3A_180] {strides = array<i32>} : memref<1792xi32, #tpu.memory_space<vmem>>, vector<16xi32>,
      %ne3A_182 = arith.constant 0 : i32
      %ne3A_183 = vector.broadcast %ne3A_182 : i32 to vector<16xi32>
      %ne3A_184 = arith.cmpi ne, %get3A_181, %ne3A_183 : vector<16xi32>
      %jit3A_185 = arith.constant 1.000000e+00 : f32
      %jit3A_186 = arith.constant 0.000000e+00 : f32
      %broadcast_in_dim3A_187 = vector.broadcast %jit3A_185 : f32 to vector<16xf32>
      %broadcast_in_dim3A_188 = vector.broadcast %jit3A_186 : f32 to vector<16xf32>
      %select_n3A_189 = arith.select %ne3A_184, %broadcast_in_dim3A_187, %broadcast_in_dim3A_188 : vector<16xi1>, vector<16xf32>
      %add3A_190 = arith.addf %add3A_175, %select_n3A_189 : vector<16xf32>
      %mul3A_191 = arith.constant 16 : i32
      %mul3A_192 = arith.muli %scan3A_161, %mul3A_191 : i32
      %add3A_193 = arith.constant 256 : i32
      %add3A_194 = arith.addi %add3A_193, %mul3A_192 : i32
      %get3A_195 = arith.index_cast %add3A_194 : i32 to index
      %get3A_196 = tpu.vector_load %arg9[%get3A_195] {strides = array<i32>} : memref<1792xi32, #tpu.memory_space<vmem>>, vector<16xi32>,
      %ne3A_197 = arith.constant 0 : i32
      %ne3A_198 = vector.broadcast %ne3A_197 : i32 to vector<16xi32>
      %ne3A_199 = arith.cmpi ne, %get3A_196, %ne3A_198 : vector<16xi32>
      %jit3A_200 = arith.constant 1.000000e+00 : f32
      %jit3A_201 = arith.constant 0.000000e+00 : f32
      %broadcast_in_dim3A_202 = vector.broadcast %jit3A_200 : f32 to vector<16xf32>
      %broadcast_in_dim3A_203 = vector.broadcast %jit3A_201 : f32 to vector<16xf32>
      %select_n3A_204 = arith.select %ne3A_199, %broadcast_in_dim3A_202, %broadcast_in_dim3A_203 : vector<16xi1>, vector<16xf32>
      %add3A_205 = arith.addf %add3A_190, %select_n3A_204 : vector<16xf32>
      %mul3A_206 = arith.constant 16 : i32
      %mul3A_207 = arith.muli %scan3A_161, %mul3A_206 : i32
      %add3A_208 = arith.constant 384 : i32
      %add3A_209 = arith.addi %add3A_208, %mul3A_207 : i32
      %get3A_210 = arith.index_cast %add3A_209 : i32 to index
      %get3A_211 = tpu.vector_load %arg9[%get3A_210] {strides = array<i32>} : memref<1792xi32, #tpu.memory_space<vmem>>, vector<16xi32>,
      %ne3A_212 = arith.constant 0 : i32
      %ne3A_213 = vector.broadcast %ne3A_212 : i32 to vector<16xi32>
      %ne3A_214 = arith.cmpi ne, %get3A_211, %ne3A_213 : vector<16xi32>
      %jit3A_215 = arith.constant 1.000000e+00 : f32
      %jit3A_216 = arith.constant 0.000000e+00 : f32
      %broadcast_in_dim3A_217 = vector.broadcast %jit3A_215 : f32 to vector<16xf32>
      %broadcast_in_dim3A_218 = vector.broadcast %jit3A_216 : f32 to vector<16xf32>
      %select_n3A_219 = arith.select %ne3A_214, %broadcast_in_dim3A_217, %broadcast_in_dim3A_218 : vector<16xi1>, vector<16xf32>
      %add3A_220 = arith.addf %add3A_205, %select_n3A_219 : vector<16xf32>
      %max3A = arith.constant 1.000000e+00 : f32
      %max3A_221 = vector.broadcast %max3A : f32 to vector<16xf32>
      %max3A_222 = arith.maximumf %add3A_220, %max3A_221 : vector<16xf32>
      %div3A = arith.constant 1.000000e+00 : f32
      %div3A_223 = vector.broadcast %div3A : f32 to vector<16xf32>
      %div3A_224 = arith.divf %div3A_223, %max3A_222 : vector<16xf32>
      %mul3A_225 = arith.constant 16 : i32
      %mul3A_226 = arith.muli %scan3A_161, %mul3A_225 : i32
      %add3A_227 = vector.broadcast %mul3A_226 : i32 to vector<16xi32>
      %add3A_228 = arith.addi %iota3A, %add3A_227 : vector<16xi32>
      %mul3A_229 = arith.constant 4 : i32
      %mul3A_230 = vector.broadcast %mul3A_229 : i32 to vector<16xi32>
      %mul3A_231 = arith.muli %add3A_228, %mul3A_230 : vector<16xi32>
      %add3A_232 = arith.constant 0 : i32
      %add3A_233 = vector.broadcast %add3A_232 : i32 to vector<16xi32>
      %add3A_234 = arith.addi %mul3A_231, %add3A_233 : vector<16xi32>
      %mul3A_235 = arith.mulf %select_n3A, %div3A_224 : vector<16xf32>
      tpu.vector_store_idx %arg11[%add3A_234], %mul3A_235 : memref<528xf32, #tpu.memory_space<vmem>>[vector<16xi32>], vector<16xf32>,
      %add3A_236 = arith.constant 1 : i32
      %add3A_237 = vector.broadcast %add3A_236 : i32 to vector<16xi32>
      %add3A_238 = arith.addi %mul3A_231, %add3A_237 : vector<16xi32>
      %mul3A_239 = arith.mulf %select_n3A_189, %div3A_224 : vector<16xf32>
      tpu.vector_store_idx %arg11[%add3A_238], %mul3A_239 : memref<528xf32, #tpu.memory_space<vmem>>[vector<16xi32>], vector<16xf32>,
      %add3A_240 = arith.constant 2 : i32
      %add3A_241 = vector.broadcast %add3A_240 : i32 to vector<16xi32>
      %add3A_242 = arith.addi %mul3A_231, %add3A_241 : vector<16xi32>
      %mul3A_243 = arith.mulf %select_n3A_204, %div3A_224 : vector<16xf32>
      tpu.vector_store_idx %arg11[%add3A_242], %mul3A_243 : memref<528xf32, #tpu.memory_space<vmem>>[vector<16xi32>], vector<16xf32>,
      %add3A_244 = arith.constant 3 : i32
      %add3A_245 = vector.broadcast %add3A_244 : i32 to vector<16xi32>
      %add3A_246 = arith.addi %mul3A_231, %add3A_245 : vector<16xi32>
      %mul3A_247 = arith.mulf %select_n3A_219, %div3A_224 : vector<16xf32>
      tpu.vector_store_idx %arg11[%add3A_246], %mul3A_247 : memref<528xf32, #tpu.memory_space<vmem>>[vector<16xi32>], vector<16xf32>,
      %scan3A_248 = arith.constant 0 : i32
      scf.yield %scan3A_248 : i32
    }
    %scan3A_8 = arith.constant 8 : i32
    %broadcast_in_dim3A = arith.constant 0.000000e+00 : f32
    %broadcast_in_dim3A_9 = vector.broadcast %broadcast_in_dim3A : f32 to vector<16xf32>
    %scan3A_10 = arith.constant 0 : i32
    %scan3A_11 = arith.constant 0 : i32
    %scan3A_12 = arith.constant 128 : i32
    %scan3A_13 = arith.addi %scan3A_11, %scan3A_12 : i32
    %scan3A_14 = arith.constant 1 : i32
    %scan3A_15 = scf.for %scan3A_161 = %scan3A_11 to %scan3A_13 step %scan3A_14 iter_args(%scan3A_162 = %scan3A_10) -> (i32)  : i32 {
      %swap3A = arith.constant 0 : i32
      %swap3A_163 = arith.index_cast %swap3A : i32 to index
      %swap3A_164 = arith.index_cast %scan3A_161 : i32 to index
      %swap3A_165 = arith.constant 0 : index
      %swap3A_166 = tpu.vector_load %arg13[%swap3A_163, %swap3A_164, %swap3A_165] {strides = array<i32>} : memref<4x128x64xf32, #tpu.memory_space<vmem>>, vector<16xf32>,
      tpu.vector_store %arg13[%swap3A_163, %swap3A_164, %swap3A_165], %broadcast_in_dim3A_9 {strides = array<i32>} : memref<4x128x64xf32, #tpu.memory_space<vmem>>, vector<16xf32>,
      %swap3A_167 = arith.constant 1 : i32
      %swap3A_168 = arith.index_cast %swap3A_167 : i32 to index
      %swap3A_169 = arith.index_cast %scan3A_161 : i32 to index
      %swap3A_170 = arith.constant 0 : index
      %swap3A_171 = tpu.vector_load %arg13[%swap3A_168, %swap3A_169, %swap3A_170] {strides = array<i32>} : memref<4x128x64xf32, #tpu.memory_space<vmem>>, vector<16xf32>,
      tpu.vector_store %arg13[%swap3A_168, %swap3A_169, %swap3A_170], %broadcast_in_dim3A_9 {strides = array<i32>} : memref<4x128x64xf32, #tpu.memory_space<vmem>>, vector<16xf32>,
      %swap3A_172 = arith.constant 2 : i32
      %swap3A_173 = arith.index_cast %swap3A_172 : i32 to index
      %swap3A_174 = arith.index_cast %scan3A_161 : i32 to index
      %swap3A_175 = arith.constant 0 : index
      %swap3A_176 = tpu.vector_load %arg13[%swap3A_173, %swap3A_174, %swap3A_175] {strides = array<i32>} : memref<4x128x64xf32, #tpu.memory_space<vmem>>, vector<16xf32>,
      tpu.vector_store %arg13[%swap3A_173, %swap3A_174, %swap3A_175], %broadcast_in_dim3A_9 {strides = array<i32>} : memref<4x128x64xf32, #tpu.memory_space<vmem>>, vector<16xf32>,
      %swap3A_177 = arith.constant 3 : i32
      %swap3A_178 = arith.index_cast %swap3A_177 : i32 to index
      %swap3A_179 = arith.index_cast %scan3A_161 : i32 to index
      %swap3A_180 = arith.constant 0 : index
      %swap3A_181 = tpu.vector_load %arg13[%swap3A_178, %swap3A_179, %swap3A_180] {strides = array<i32>} : memref<4x128x64xf32, #tpu.memory_space<vmem>>, vector<16xf32>,
      tpu.vector_store %arg13[%swap3A_178, %swap3A_179, %swap3A_180], %broadcast_in_dim3A_9 {strides = array<i32>} : memref<4x128x64xf32, #tpu.memory_space<vmem>>, vector<16xf32>,
      %swap3A_182 = arith.index_cast %scan3A_161 : i32 to index
      %swap3A_183 = arith.constant 0 : index
      %swap3A_184 = tpu.vector_load %arg15[%swap3A_182, %swap3A_183] {strides = array<i32>} : memref<128x64xf32, #tpu.memory_space<vmem>>, vector<16xf32>,
      tpu.vector_store %arg15[%swap3A_182, %swap3A_183], %broadcast_in_dim3A_9 {strides = array<i32>} : memref<128x64xf32, #tpu.memory_space<vmem>>, vector<16xf32>,
      %swap3A_185 = arith.constant 0 : i32
      %swap3A_186 = arith.index_cast %swap3A_185 : i32 to index
      %swap3A_187 = arith.index_cast %scan3A_161 : i32 to index
      %swap3A_188 = arith.constant 16 : index
      %swap3A_189 = tpu.vector_load %arg13[%swap3A_186, %swap3A_187, %swap3A_188] {strides = array<i32>} : memref<4x128x64xf32, #tpu.memory_space<vmem>>, vector<16xf32>,
      tpu.vector_store %arg13[%swap3A_186, %swap3A_187, %swap3A_188], %broadcast_in_dim3A_9 {strides = array<i32>} : memref<4x128x64xf32, #tpu.memory_space<vmem>>, vector<16xf32>,
      %swap3A_190 = arith.constant 1 : i32
      %swap3A_191 = arith.index_cast %swap3A_190 : i32 to index
      %swap3A_192 = arith.index_cast %scan3A_161 : i32 to index
      %swap3A_193 = arith.constant 16 : index
      %swap3A_194 = tpu.vector_load %arg13[%swap3A_191, %swap3A_192, %swap3A_193] {strides = array<i32>} : memref<4x128x64xf32, #tpu.memory_space<vmem>>, vector<16xf32>,
      tpu.vector_store %arg13[%swap3A_191, %swap3A_192, %swap3A_193], %broadcast_in_dim3A_9 {strides = array<i32>} : memref<4x128x64xf32, #tpu.memory_space<vmem>>, vector<16xf32>,
      %swap3A_195 = arith.constant 2 : i32
      %swap3A_196 = arith.index_cast %swap3A_195 : i32 to index
      %swap3A_197 = arith.index_cast %scan3A_161 : i32 to index
      %swap3A_198 = arith.constant 16 : index
      %swap3A_199 = tpu.vector_load %arg13[%swap3A_196, %swap3A_197, %swap3A_198] {strides = array<i32>} : memref<4x128x64xf32, #tpu.memory_space<vmem>>, vector<16xf32>,
      tpu.vector_store %arg13[%swap3A_196, %swap3A_197, %swap3A_198], %broadcast_in_dim3A_9 {strides = array<i32>} : memref<4x128x64xf32, #tpu.memory_space<vmem>>, vector<16xf32>,
      %swap3A_200 = arith.constant 3 : i32
      %swap3A_201 = arith.index_cast %swap3A_200 : i32 to index
      %swap3A_202 = arith.index_cast %scan3A_161 : i32 to index
      %swap3A_203 = arith.constant 16 : index
      %swap3A_204 = tpu.vector_load %arg13[%swap3A_201, %swap3A_202, %swap3A_203] {strides = array<i32>} : memref<4x128x64xf32, #tpu.memory_space<vmem>>, vector<16xf32>,
      tpu.vector_store %arg13[%swap3A_201, %swap3A_202, %swap3A_203], %broadcast_in_dim3A_9 {strides = array<i32>} : memref<4x128x64xf32, #tpu.memory_space<vmem>>, vector<16xf32>,
      %swap3A_205 = arith.index_cast %scan3A_161 : i32 to index
      %swap3A_206 = arith.constant 16 : index
      %swap3A_207 = tpu.vector_load %arg15[%swap3A_205, %swap3A_206] {strides = array<i32>} : memref<128x64xf32, #tpu.memory_space<vmem>>, vector<16xf32>,
      tpu.vector_store %arg15[%swap3A_205, %swap3A_206], %broadcast_in_dim3A_9 {strides = array<i32>} : memref<128x64xf32, #tpu.memory_space<vmem>>, vector<16xf32>,
      %swap3A_208 = arith.constant 0 : i32
      %swap3A_209 = arith.index_cast %swap3A_208 : i32 to index
      %swap3A_210 = arith.index_cast %scan3A_161 : i32 to index
      %swap3A_211 = arith.constant 32 : index
      %swap3A_212 = tpu.vector_load %arg13[%swap3A_209, %swap3A_210, %swap3A_211] {strides = array<i32>} : memref<4x128x64xf32, #tpu.memory_space<vmem>>, vector<16xf32>,
      tpu.vector_store %arg13[%swap3A_209, %swap3A_210, %swap3A_211], %broadcast_in_dim3A_9 {strides = array<i32>} : memref<4x128x64xf32, #tpu.memory_space<vmem>>, vector<16xf32>,
      %swap3A_213 = arith.constant 1 : i32
      %swap3A_214 = arith.index_cast %swap3A_213 : i32 to index
      %swap3A_215 = arith.index_cast %scan3A_161 : i32 to index
      %swap3A_216 = arith.constant 32 : index
      %swap3A_217 = tpu.vector_load %arg13[%swap3A_214, %swap3A_215, %swap3A_216] {strides = array<i32>} : memref<4x128x64xf32, #tpu.memory_space<vmem>>, vector<16xf32>,
      tpu.vector_store %arg13[%swap3A_214, %swap3A_215, %swap3A_216], %broadcast_in_dim3A_9 {strides = array<i32>} : memref<4x128x64xf32, #tpu.memory_space<vmem>>, vector<16xf32>,
      %swap3A_218 = arith.constant 2 : i32
      %swap3A_219 = arith.index_cast %swap3A_218 : i32 to index
      %swap3A_220 = arith.index_cast %scan3A_161 : i32 to index
      %swap3A_221 = arith.constant 32 : index
      %swap3A_222 = tpu.vector_load %arg13[%swap3A_219, %swap3A_220, %swap3A_221] {strides = array<i32>} : memref<4x128x64xf32, #tpu.memory_space<vmem>>, vector<16xf32>,
      tpu.vector_store %arg13[%swap3A_219, %swap3A_220, %swap3A_221], %broadcast_in_dim3A_9 {strides = array<i32>} : memref<4x128x64xf32, #tpu.memory_space<vmem>>, vector<16xf32>,
      %swap3A_223 = arith.constant 3 : i32
      %swap3A_224 = arith.index_cast %swap3A_223 : i32 to index
      %swap3A_225 = arith.index_cast %scan3A_161 : i32 to index
      %swap3A_226 = arith.constant 32 : index
      %swap3A_227 = tpu.vector_load %arg13[%swap3A_224, %swap3A_225, %swap3A_226] {strides = array<i32>} : memref<4x128x64xf32, #tpu.memory_space<vmem>>, vector<16xf32>,
      tpu.vector_store %arg13[%swap3A_224, %swap3A_225, %swap3A_226], %broadcast_in_dim3A_9 {strides = array<i32>} : memref<4x128x64xf32, #tpu.memory_space<vmem>>, vector<16xf32>,
      %swap3A_228 = arith.index_cast %scan3A_161 : i32 to index
      %swap3A_229 = arith.constant 32 : index
      %swap3A_230 = tpu.vector_load %arg15[%swap3A_228, %swap3A_229] {strides = array<i32>} : memref<128x64xf32, #tpu.memory_space<vmem>>, vector<16xf32>,
      tpu.vector_store %arg15[%swap3A_228, %swap3A_229], %broadcast_in_dim3A_9 {strides = array<i32>} : memref<128x64xf32, #tpu.memory_space<vmem>>, vector<16xf32>,
      %swap3A_231 = arith.constant 0 : i32
      %swap3A_232 = arith.index_cast %swap3A_231 : i32 to index
      %swap3A_233 = arith.index_cast %scan3A_161 : i32 to index
      %swap3A_234 = arith.constant 48 : index
      %swap3A_235 = tpu.vector_load %arg13[%swap3A_232, %swap3A_233, %swap3A_234] {strides = array<i32>} : memref<4x128x64xf32, #tpu.memory_space<vmem>>, vector<16xf32>,
      tpu.vector_store %arg13[%swap3A_232, %swap3A_233, %swap3A_234], %broadcast_in_dim3A_9 {strides = array<i32>} : memref<4x128x64xf32, #tpu.memory_space<vmem>>, vector<16xf32>,
      %swap3A_236 = arith.constant 1 : i32
      %swap3A_237 = arith.index_cast %swap3A_236 : i32 to index
      %swap3A_238 = arith.index_cast %scan3A_161 : i32 to index
      %swap3A_239 = arith.constant 48 : index
      %swap3A_240 = tpu.vector_load %arg13[%swap3A_237, %swap3A_238, %swap3A_239] {strides = array<i32>} : memref<4x128x64xf32, #tpu.memory_space<vmem>>, vector<16xf32>,
      tpu.vector_store %arg13[%swap3A_237, %swap3A_238, %swap3A_239], %broadcast_in_dim3A_9 {strides = array<i32>} : memref<4x128x64xf32, #tpu.memory_space<vmem>>, vector<16xf32>,
      %swap3A_241 = arith.constant 2 : i32
      %swap3A_242 = arith.index_cast %swap3A_241 : i32 to index
      %swap3A_243 = arith.index_cast %scan3A_161 : i32 to index
      %swap3A_244 = arith.constant 48 : index
      %swap3A_245 = tpu.vector_load %arg13[%swap3A_242, %swap3A_243, %swap3A_244] {strides = array<i32>} : memref<4x128x64xf32, #tpu.memory_space<vmem>>, vector<16xf32>,
      tpu.vector_store %arg13[%swap3A_242, %swap3A_243, %swap3A_244], %broadcast_in_dim3A_9 {strides = array<i32>} : memref<4x128x64xf32, #tpu.memory_space<vmem>>, vector<16xf32>,
      %swap3A_246 = arith.constant 3 : i32
      %swap3A_247 = arith.index_cast %swap3A_246 : i32 to index
      %swap3A_248 = arith.index_cast %scan3A_161 : i32 to index
      %swap3A_249 = arith.constant 48 : index
      %swap3A_250 = tpu.vector_load %arg13[%swap3A_247, %swap3A_248, %swap3A_249] {strides = array<i32>} : memref<4x128x64xf32, #tpu.memory_space<vmem>>, vector<16xf32>,
      tpu.vector_store %arg13[%swap3A_247, %swap3A_248, %swap3A_249], %broadcast_in_dim3A_9 {strides = array<i32>} : memref<4x128x64xf32, #tpu.memory_space<vmem>>, vector<16xf32>,
      %swap3A_251 = arith.index_cast %scan3A_161 : i32 to index
      %swap3A_252 = arith.constant 48 : index
      %swap3A_253 = tpu.vector_load %arg15[%swap3A_251, %swap3A_252] {strides = array<i32>} : memref<128x64xf32, #tpu.memory_space<vmem>>, vector<16xf32>,
      tpu.vector_store %arg15[%swap3A_251, %swap3A_252], %broadcast_in_dim3A_9 {strides = array<i32>} : memref<128x64xf32, #tpu.memory_space<vmem>>, vector<16xf32>,
      %scan3A_254 = arith.constant 0 : i32
      scf.yield %scan3A_254 : i32
    }
    %scan3A_16 = arith.constant 128 : i32
    %dma_start3A = arith.constant 0 : i32
    %dma_start3A_17 = arith.constant 0 : i32
    %dma_start3A_18 = arith.constant 0 : i32
    %dma_start3A_19 = tpu.memref_slice %arg13[%dma_start3A, %dma_start3A_17, %dma_start3A_18] : memref<4x128x64xf32, #tpu.memory_space<vmem>> -> memref<1x128x64xf32, #tpu.memory_space<vmem>>
    %dma_start3A_20 = tpu.memref_squeeze %dma_start3A_19 : memref<1x128x64xf32, #tpu.memory_space<vmem>> -> memref<128x64xf32, #tpu.memory_space<vmem>>
    %dma_start3A_21 = arith.constant 0 : i32
    %dma_start3A_22 = tpu.memref_slice %arg9[%dma_start3A_21] : memref<1792xi32, #tpu.memory_space<vmem>> -> memref<128xi32, #tpu.memory_space<vmem>>
    %dma_start3A_23 = arith.constant 0 : i32
    %dma_start3A_24 = arith.constant 0 : i32
    %dma_start3A_25 = tpu.memref_slice %arg3[%dma_start3A_23, %dma_start3A_24] : memref<1000001x64xf32, #tpu.memory_space<hbm>> -> memref<1000001x64xf32, #tpu.memory_space<hbm>>
    tpu.enqueue_indirect_dma source(%dma_start3A_25 : memref<1000001x64xf32, #tpu.memory_space<hbm>>) target(%dma_start3A_20 : memref<128x64xf32, #tpu.memory_space<vmem>>) offsets(%dma_start3A_22 : memref<128xi32, #tpu.memory_space<vmem>>) semaphore(%arg19 : memref<!tpu.dma_semaphore, #tpu.memory_space<semaphore_mem>>) {add = true}
    %dma_start3A_26 = arith.constant 1 : i32
    %dma_start3A_27 = arith.constant 0 : i32
    %dma_start3A_28 = arith.constant 0 : i32
    %dma_start3A_29 = tpu.memref_slice %arg13[%dma_start3A_26, %dma_start3A_27, %dma_start3A_28] : memref<4x128x64xf32, #tpu.memory_space<vmem>> -> memref<1x128x64xf32, #tpu.memory_space<vmem>>
    %dma_start3A_30 = tpu.memref_squeeze %dma_start3A_29 : memref<1x128x64xf32, #tpu.memory_space<vmem>> -> memref<128x64xf32, #tpu.memory_space<vmem>>
    %dma_start3A_31 = arith.constant 128 : i32
    %dma_start3A_32 = tpu.memref_slice %arg9[%dma_start3A_31] : memref<1792xi32, #tpu.memory_space<vmem>> -> memref<128xi32, #tpu.memory_space<vmem>>
    %dma_start3A_33 = arith.constant 0 : i32
    %dma_start3A_34 = arith.constant 0 : i32
    %dma_start3A_35 = tpu.memref_slice %arg3[%dma_start3A_33, %dma_start3A_34] : memref<1000001x64xf32, #tpu.memory_space<hbm>> -> memref<1000001x64xf32, #tpu.memory_space<hbm>>
    tpu.enqueue_indirect_dma source(%dma_start3A_35 : memref<1000001x64xf32, #tpu.memory_space<hbm>>) target(%dma_start3A_30 : memref<128x64xf32, #tpu.memory_space<vmem>>) offsets(%dma_start3A_32 : memref<128xi32, #tpu.memory_space<vmem>>) semaphore(%arg19 : memref<!tpu.dma_semaphore, #tpu.memory_space<semaphore_mem>>) {add = true}
    %dma_start3A_36 = arith.constant 2 : i32
    %dma_start3A_37 = arith.constant 0 : i32
    %dma_start3A_38 = arith.constant 0 : i32
    %dma_start3A_39 = tpu.memref_slice %arg13[%dma_start3A_36, %dma_start3A_37, %dma_start3A_38] : memref<4x128x64xf32, #tpu.memory_space<vmem>> -> memref<1x128x64xf32, #tpu.memory_space<vmem>>
    %dma_start3A_40 = tpu.memref_squeeze %dma_start3A_39 : memref<1x128x64xf32, #tpu.memory_space<vmem>> -> memref<128x64xf32, #tpu.memory_space<vmem>>
    %dma_start3A_41 = arith.constant 256 : i32
    %dma_start3A_42 = tpu.memref_slice %arg9[%dma_start3A_41] : memref<1792xi32, #tpu.memory_space<vmem>> -> memref<128xi32, #tpu.memory_space<vmem>>
    %dma_start3A_43 = arith.constant 0 : i32
    %dma_start3A_44 = arith.constant 0 : i32
    %dma_start3A_45 = tpu.memref_slice %arg3[%dma_start3A_43, %dma_start3A_44] : memref<1000001x64xf32, #tpu.memory_space<hbm>> -> memref<1000001x64xf32, #tpu.memory_space<hbm>>
    tpu.enqueue_indirect_dma source(%dma_start3A_45 : memref<1000001x64xf32, #tpu.memory_space<hbm>>) target(%dma_start3A_40 : memref<128x64xf32, #tpu.memory_space<vmem>>) offsets(%dma_start3A_42 : memref<128xi32, #tpu.memory_space<vmem>>) semaphore(%arg19 : memref<!tpu.dma_semaphore, #tpu.memory_space<semaphore_mem>>) {add = true}
    %dma_start3A_46 = arith.constant 3 : i32
    %dma_start3A_47 = arith.constant 0 : i32
    %dma_start3A_48 = arith.constant 0 : i32
    %dma_start3A_49 = tpu.memref_slice %arg13[%dma_start3A_46, %dma_start3A_47, %dma_start3A_48] : memref<4x128x64xf32, #tpu.memory_space<vmem>> -> memref<1x128x64xf32, #tpu.memory_space<vmem>>
    %dma_start3A_50 = tpu.memref_squeeze %dma_start3A_49 : memref<1x128x64xf32, #tpu.memory_space<vmem>> -> memref<128x64xf32, #tpu.memory_space<vmem>>
    %dma_start3A_51 = arith.constant 384 : i32
    %dma_start3A_52 = tpu.memref_slice %arg9[%dma_start3A_51] : memref<1792xi32, #tpu.memory_space<vmem>> -> memref<128xi32, #tpu.memory_space<vmem>>
    %dma_start3A_53 = arith.constant 0 : i32
    %dma_start3A_54 = arith.constant 0 : i32
    %dma_start3A_55 = tpu.memref_slice %arg3[%dma_start3A_53, %dma_start3A_54] : memref<1000001x64xf32, #tpu.memory_space<hbm>> -> memref<1000001x64xf32, #tpu.memory_space<hbm>>
    tpu.enqueue_indirect_dma source(%dma_start3A_55 : memref<1000001x64xf32, #tpu.memory_space<hbm>>) target(%dma_start3A_50 : memref<128x64xf32, #tpu.memory_space<vmem>>) offsets(%dma_start3A_52 : memref<128xi32, #tpu.memory_space<vmem>>) semaphore(%arg19 : memref<!tpu.dma_semaphore, #tpu.memory_space<semaphore_mem>>) {add = true}
    %dma_start3A_56 = arith.constant 0 : i32
    %dma_start3A_57 = arith.constant 0 : i32
    %dma_start3A_58 = arith.constant 0 : i32
    %dma_start3A_59 = tpu.memref_slice %arg13[%dma_start3A_56, %dma_start3A_57, %dma_start3A_58] : memref<4x128x64xf32, #tpu.memory_space<vmem>> -> memref<1x128x64xf32, #tpu.memory_space<vmem>>
    %dma_start3A_60 = tpu.memref_squeeze %dma_start3A_59 : memref<1x128x64xf32, #tpu.memory_space<vmem>> -> memref<128x64xf32, #tpu.memory_space<vmem>>
    %dma_start3A_61 = arith.constant 512 : i32
    %dma_start3A_62 = tpu.memref_slice %arg9[%dma_start3A_61] : memref<1792xi32, #tpu.memory_space<vmem>> -> memref<128xi32, #tpu.memory_space<vmem>>
    %dma_start3A_63 = arith.constant 0 : i32
    %dma_start3A_64 = arith.constant 0 : i32
    %dma_start3A_65 = tpu.memref_slice %arg4[%dma_start3A_63, %dma_start3A_64] : memref<100000x64xf32, #tpu.memory_space<hbm>> -> memref<100000x64xf32, #tpu.memory_space<hbm>>
    tpu.enqueue_indirect_dma source(%dma_start3A_65 : memref<100000x64xf32, #tpu.memory_space<hbm>>) target(%dma_start3A_60 : memref<128x64xf32, #tpu.memory_space<vmem>>) offsets(%dma_start3A_62 : memref<128xi32, #tpu.memory_space<vmem>>) semaphore(%arg19 : memref<!tpu.dma_semaphore, #tpu.memory_space<semaphore_mem>>) {add = true}
    %dma_start3A_66 = arith.constant 1 : i32
    %dma_start3A_67 = arith.constant 0 : i32
    %dma_start3A_68 = arith.constant 0 : i32
    %dma_start3A_69 = tpu.memref_slice %arg13[%dma_start3A_66, %dma_start3A_67, %dma_start3A_68] : memref<4x128x64xf32, #tpu.memory_space<vmem>> -> memref<1x128x64xf32, #tpu.memory_space<vmem>>
    %dma_start3A_70 = tpu.memref_squeeze %dma_start3A_69 : memref<1x128x64xf32, #tpu.memory_space<vmem>> -> memref<128x64xf32, #tpu.memory_space<vmem>>
    %dma_start3A_71 = arith.constant 640 : i32
    %dma_start3A_72 = tpu.memref_slice %arg9[%dma_start3A_71] : memref<1792xi32, #tpu.memory_space<vmem>> -> memref<128xi32, #tpu.memory_space<vmem>>
    %dma_start3A_73 = arith.constant 0 : i32
    %dma_start3A_74 = arith.constant 0 : i32
    %dma_start3A_75 = tpu.memref_slice %arg4[%dma_start3A_73, %dma_start3A_74] : memref<100000x64xf32, #tpu.memory_space<hbm>> -> memref<100000x64xf32, #tpu.memory_space<hbm>>
    tpu.enqueue_indirect_dma source(%dma_start3A_75 : memref<100000x64xf32, #tpu.memory_space<hbm>>) target(%dma_start3A_70 : memref<128x64xf32, #tpu.memory_space<vmem>>) offsets(%dma_start3A_72 : memref<128xi32, #tpu.memory_space<vmem>>) semaphore(%arg19 : memref<!tpu.dma_semaphore, #tpu.memory_space<semaphore_mem>>) {add = true}
    %dma_start3A_76 = arith.constant 2 : i32
    %dma_start3A_77 = arith.constant 0 : i32
    %dma_start3A_78 = arith.constant 0 : i32
    %dma_start3A_79 = tpu.memref_slice %arg13[%dma_start3A_76, %dma_start3A_77, %dma_start3A_78] : memref<4x128x64xf32, #tpu.memory_space<vmem>> -> memref<1x128x64xf32, #tpu.memory_space<vmem>>
    %dma_start3A_80 = tpu.memref_squeeze %dma_start3A_79 : memref<1x128x64xf32, #tpu.memory_space<vmem>> -> memref<128x64xf32, #tpu.memory_space<vmem>>
    %dma_start3A_81 = arith.constant 768 : i32
    %dma_start3A_82 = tpu.memref_slice %arg9[%dma_start3A_81] : memref<1792xi32, #tpu.memory_space<vmem>> -> memref<128xi32, #tpu.memory_space<vmem>>
    %dma_start3A_83 = arith.constant 0 : i32
    %dma_start3A_84 = arith.constant 0 : i32
    %dma_start3A_85 = tpu.memref_slice %arg4[%dma_start3A_83, %dma_start3A_84] : memref<100000x64xf32, #tpu.memory_space<hbm>> -> memref<100000x64xf32, #tpu.memory_space<hbm>>
    tpu.enqueue_indirect_dma source(%dma_start3A_85 : memref<100000x64xf32, #tpu.memory_space<hbm>>) target(%dma_start3A_80 : memref<128x64xf32, #tpu.memory_space<vmem>>) offsets(%dma_start3A_82 : memref<128xi32, #tpu.memory_space<vmem>>) semaphore(%arg19 : memref<!tpu.dma_semaphore, #tpu.memory_space<semaphore_mem>>) {add = true}
    %dma_start3A_86 = arith.constant 3 : i32
    %dma_start3A_87 = arith.constant 0 : i32
    %dma_start3A_88 = arith.constant 0 : i32
    %dma_start3A_89 = tpu.memref_slice %arg13[%dma_start3A_86, %dma_start3A_87, %dma_start3A_88] : memref<4x128x64xf32, #tpu.memory_space<vmem>> -> memref<1x128x64xf32, #tpu.memory_space<vmem>>
    %dma_start3A_90 = tpu.memref_squeeze %dma_start3A_89 : memref<1x128x64xf32, #tpu.memory_space<vmem>> -> memref<128x64xf32, #tpu.memory_space<vmem>>
    %dma_start3A_91 = arith.constant 896 : i32
    %dma_start3A_92 = tpu.memref_slice %arg9[%dma_start3A_91] : memref<1792xi32, #tpu.memory_space<vmem>> -> memref<128xi32, #tpu.memory_space<vmem>>
    %dma_start3A_93 = arith.constant 0 : i32
    %dma_start3A_94 = arith.constant 0 : i32
    %dma_start3A_95 = tpu.memref_slice %arg4[%dma_start3A_93, %dma_start3A_94] : memref<100000x64xf32, #tpu.memory_space<hbm>> -> memref<100000x64xf32, #tpu.memory_space<hbm>>
    tpu.enqueue_indirect_dma source(%dma_start3A_95 : memref<100000x64xf32, #tpu.memory_space<hbm>>) target(%dma_start3A_90 : memref<128x64xf32, #tpu.memory_space<vmem>>) offsets(%dma_start3A_92 : memref<128xi32, #tpu.memory_space<vmem>>) semaphore(%arg19 : memref<!tpu.dma_semaphore, #tpu.memory_space<semaphore_mem>>) {add = true}
    %dma_start3A_96 = arith.constant 0 : i32
    %dma_start3A_97 = arith.constant 0 : i32
    %dma_start3A_98 = arith.constant 0 : i32
    %dma_start3A_99 = tpu.memref_slice %arg13[%dma_start3A_96, %dma_start3A_97, %dma_start3A_98] : memref<4x128x64xf32, #tpu.memory_space<vmem>> -> memref<1x128x64xf32, #tpu.memory_space<vmem>>
    %dma_start3A_100 = tpu.memref_squeeze %dma_start3A_99 : memref<1x128x64xf32, #tpu.memory_space<vmem>> -> memref<128x64xf32, #tpu.memory_space<vmem>>
    %dma_start3A_101 = arith.constant 1024 : i32
    %dma_start3A_102 = tpu.memref_slice %arg9[%dma_start3A_101] : memref<1792xi32, #tpu.memory_space<vmem>> -> memref<128xi32, #tpu.memory_space<vmem>>
    %dma_start3A_103 = arith.constant 0 : i32
    %dma_start3A_104 = arith.constant 0 : i32
    %dma_start3A_105 = tpu.memref_slice %arg5[%dma_start3A_103, %dma_start3A_104] : memref<1000x64xf32, #tpu.memory_space<hbm>> -> memref<1000x64xf32, #tpu.memory_space<hbm>>
    tpu.enqueue_indirect_dma source(%dma_start3A_105 : memref<1000x64xf32, #tpu.memory_space<hbm>>) target(%dma_start3A_100 : memref<128x64xf32, #tpu.memory_space<vmem>>) offsets(%dma_start3A_102 : memref<128xi32, #tpu.memory_space<vmem>>) semaphore(%arg19 : memref<!tpu.dma_semaphore, #tpu.memory_space<semaphore_mem>>) {add = true}
    %dma_start3A_106 = arith.constant 1 : i32
    %dma_start3A_107 = arith.constant 0 : i32
    %dma_start3A_108 = arith.constant 0 : i32
    %dma_start3A_109 = tpu.memref_slice %arg13[%dma_start3A_106, %dma_start3A_107, %dma_start3A_108] : memref<4x128x64xf32, #tpu.memory_space<vmem>> -> memref<1x128x64xf32, #tpu.memory_space<vmem>>
    %dma_start3A_110 = tpu.memref_squeeze %dma_start3A_109 : memref<1x128x64xf32, #tpu.memory_space<vmem>> -> memref<128x64xf32, #tpu.memory_space<vmem>>
    %dma_start3A_111 = arith.constant 1152 : i32
    %dma_start3A_112 = tpu.memref_slice %arg9[%dma_start3A_111] : memref<1792xi32, #tpu.memory_space<vmem>> -> memref<128xi32, #tpu.memory_space<vmem>>
    %dma_start3A_113 = arith.constant 0 : i32
    %dma_start3A_114 = arith.constant 0 : i32
    %dma_start3A_115 = tpu.memref_slice %arg5[%dma_start3A_113, %dma_start3A_114] : memref<1000x64xf32, #tpu.memory_space<hbm>> -> memref<1000x64xf32, #tpu.memory_space<hbm>>
    tpu.enqueue_indirect_dma source(%dma_start3A_115 : memref<1000x64xf32, #tpu.memory_space<hbm>>) target(%dma_start3A_110 : memref<128x64xf32, #tpu.memory_space<vmem>>) offsets(%dma_start3A_112 : memref<128xi32, #tpu.memory_space<vmem>>) semaphore(%arg19 : memref<!tpu.dma_semaphore, #tpu.memory_space<semaphore_mem>>) {add = true}
    %dma_start3A_116 = arith.constant 2 : i32
    %dma_start3A_117 = arith.constant 0 : i32
    %dma_start3A_118 = arith.constant 0 : i32
    %dma_start3A_119 = tpu.memref_slice %arg13[%dma_start3A_116, %dma_start3A_117, %dma_start3A_118] : memref<4x128x64xf32, #tpu.memory_space<vmem>> -> memref<1x128x64xf32, #tpu.memory_space<vmem>>
    %dma_start3A_120 = tpu.memref_squeeze %dma_start3A_119 : memref<1x128x64xf32, #tpu.memory_space<vmem>> -> memref<128x64xf32, #tpu.memory_space<vmem>>
    %dma_start3A_121 = arith.constant 1280 : i32
    %dma_start3A_122 = tpu.memref_slice %arg9[%dma_start3A_121] : memref<1792xi32, #tpu.memory_space<vmem>> -> memref<128xi32, #tpu.memory_space<vmem>>
    %dma_start3A_123 = arith.constant 0 : i32
    %dma_start3A_124 = arith.constant 0 : i32
    %dma_start3A_125 = tpu.memref_slice %arg5[%dma_start3A_123, %dma_start3A_124] : memref<1000x64xf32, #tpu.memory_space<hbm>> -> memref<1000x64xf32, #tpu.memory_space<hbm>>
    tpu.enqueue_indirect_dma source(%dma_start3A_125 : memref<1000x64xf32, #tpu.memory_space<hbm>>) target(%dma_start3A_120 : memref<128x64xf32, #tpu.memory_space<vmem>>) offsets(%dma_start3A_122 : memref<128xi32, #tpu.memory_space<vmem>>) semaphore(%arg19 : memref<!tpu.dma_semaphore, #tpu.memory_space<semaphore_mem>>) {add = true}
    %dma_start3A_126 = arith.constant 3 : i32
    %dma_start3A_127 = arith.constant 0 : i32
    %dma_start3A_128 = arith.constant 0 : i32
    %dma_start3A_129 = tpu.memref_slice %arg13[%dma_start3A_126, %dma_start3A_127, %dma_start3A_128] : memref<4x128x64xf32, #tpu.memory_space<vmem>> -> memref<1x128x64xf32, #tpu.memory_space<vmem>>
    %dma_start3A_130 = tpu.memref_squeeze %dma_start3A_129 : memref<1x128x64xf32, #tpu.memory_space<vmem>> -> memref<128x64xf32, #tpu.memory_space<vmem>>
    %dma_start3A_131 = arith.constant 1408 : i32
    %dma_start3A_132 = tpu.memref_slice %arg9[%dma_start3A_131] : memref<1792xi32, #tpu.memory_space<vmem>> -> memref<128xi32, #tpu.memory_space<vmem>>
    %dma_start3A_133 = arith.constant 0 : i32
    %dma_start3A_134 = arith.constant 0 : i32
    %dma_start3A_135 = tpu.memref_slice %arg5[%dma_start3A_133, %dma_start3A_134] : memref<1000x64xf32, #tpu.memory_space<hbm>> -> memref<1000x64xf32, #tpu.memory_space<hbm>>
    tpu.enqueue_indirect_dma source(%dma_start3A_135 : memref<1000x64xf32, #tpu.memory_space<hbm>>) target(%dma_start3A_130 : memref<128x64xf32, #tpu.memory_space<vmem>>) offsets(%dma_start3A_132 : memref<128xi32, #tpu.memory_space<vmem>>) semaphore(%arg19 : memref<!tpu.dma_semaphore, #tpu.memory_space<semaphore_mem>>) {add = true}
    %dma_start3A_136 = arith.constant 1536 : i32
    %dma_start3A_137 = tpu.memref_slice %arg9[%dma_start3A_136] : memref<1792xi32, #tpu.memory_space<vmem>> -> memref<128xi32, #tpu.memory_space<vmem>>
    %dma_start3A_138 = arith.constant 0 : i32
    %dma_start3A_139 = arith.constant 0 : i32
    %dma_start3A_140 = tpu.memref_slice %arg7[%dma_start3A_138, %dma_start3A_139] : memref<2048x64xf32, #tpu.memory_space<hbm>> -> memref<2048x64xf32, #tpu.memory_space<hbm>>
    tpu.enqueue_indirect_dma source(%dma_start3A_140 : memref<2048x64xf32, #tpu.memory_space<hbm>>) target(%arg15 : memref<128x64xf32, #tpu.memory_space<vmem>>) offsets(%dma_start3A_137 : memref<128xi32, #tpu.memory_space<vmem>>) semaphore(%arg19 : memref<!tpu.dma_semaphore, #tpu.memory_space<semaphore_mem>>) {add = true}
    %dma_start3A_141 = arith.constant 1664 : i32
    %dma_start3A_142 = tpu.memref_slice %arg9[%dma_start3A_141] : memref<1792xi32, #tpu.memory_space<vmem>> -> memref<128xi32, #tpu.memory_space<vmem>>
    %dma_start3A_143 = arith.constant 0 : i32
    %dma_start3A_144 = arith.constant 0 : i32
    %dma_start3A_145 = tpu.memref_slice %arg6[%dma_start3A_143, %dma_start3A_144] : memref<1000x64xf32, #tpu.memory_space<hbm>> -> memref<1000x64xf32, #tpu.memory_space<hbm>>
    tpu.enqueue_indirect_dma source(%dma_start3A_145 : memref<1000x64xf32, #tpu.memory_space<hbm>>) target(%arg15 : memref<128x64xf32, #tpu.memory_space<vmem>>) offsets(%dma_start3A_142 : memref<128xi32, #tpu.memory_space<vmem>>) semaphore(%arg19 : memref<!tpu.dma_semaphore, #tpu.memory_space<semaphore_mem>>) {add = true}
    %add3A_146 = arith.constant 1 : i32
    %add3A_147 = arith.addi %mul3A_2, %add3A_146 : i32
    %dma_start3A_148 = arith.constant 0 : i32
    %dma_start3A_149 = tpu.memref_slice %arg2[%add3A_147, %dma_start3A_148] : memref<1600x1792xi32, #tpu.memory_space<hbm>> -> memref<1x1792xi32, #tpu.memory_space<hbm>>
    %dma_start3A_150 = tpu.memref_squeeze %dma_start3A_149 : memref<1x1792xi32, #tpu.memory_space<hbm>> -> memref<1792xi32, #tpu.memory_space<hbm>>
    %dma_start3A_151 = arith.constant 0 : i32
    %dma_start3A_152 = tpu.memref_slice %arg2[%add3A_147, %dma_start3A_151] : memref<1600x1792xi32, #tpu.memory_space<hbm>> -> memref<1x1792xi32, #tpu.memory_space<hbm>>
    %dma_start3A_153 = tpu.memref_squeeze %dma_start3A_152 : memref<1x1792xi32, #tpu.memory_space<hbm>> -> memref<1792xi32, #tpu.memory_space<hbm>>
    tpu.enqueue_dma source(%dma_start3A_153 : memref<1792xi32, #tpu.memory_space<hbm>>) target(%arg10 : memref<1792xi32, #tpu.memory_space<vmem>>) target_semaphore(%arg18 : memref<!tpu.dma_semaphore, #tpu.memory_space<semaphore_mem>>)
    %scan3A_154 = arith.constant 0 : i32
    %scan3A_155 = arith.constant 0 : i32
    %scan3A_156 = arith.constant 25 : i32
    %scan3A_157 = arith.addi %scan3A_155, %scan3A_156 : i32
    %scan3A_158 = arith.constant 1 : i32
    %scan3A_159 = scf.for %scan3A_161 = %scan3A_155 to %scan3A_157 step %scan3A_158 iter_args(%scan3A_162 = %scan3A_154) -> (i32)  : i32 {
      %mul3A_163 = arith.constant 2 : i32
      %mul3A_164 = arith.muli %scan3A_161, %mul3A_163 : i32
      %add3A_165 = arith.constant 0 : i32
      %add3A_166 = arith.addi %mul3A_164, %add3A_165 : i32
      %add3A_167 = arith.constant 1 : i32
      %add3A_168 = arith.addi %add3A_166, %add3A_167 : i32
      %lt3A = arith.constant 50 : i32
      %lt3A_169 = arith.cmpi slt, %add3A_168, %lt3A : i32
      %convert_element_type3A = arith.extui %lt3A_169 : i1 to i32
      %cond3A = arith.constant 0 : i32
      %cond3A_170 = arith.cmpi ne, %convert_element_type3A, %cond3A : i32
      scf.if %cond3A_170 {
        %add3A_484 = arith.addi %mul3A_2, %add3A_166 : i32
        %add3A_485 = arith.constant 1 : i32
        %add3A_486 = arith.addi %add3A_484, %add3A_485 : i32
        %dma_wait3A_487 = arith.constant 0 : i32
        %dma_wait3A_488 = tpu.memref_slice %arg2[%add3A_486, %dma_wait3A_487] : memref<1600x1792xi32, #tpu.memory_space<hbm>> -> memref<1x1792xi32, #tpu.memory_space<hbm>>
        %dma_wait3A_489 = tpu.memref_squeeze %dma_wait3A_488 : memref<1x1792xi32, #tpu.memory_space<hbm>> -> memref<1792xi32, #tpu.memory_space<hbm>>
        %dma_wait3A_490 = arith.constant 0 : i32
        %dma_wait3A_491 = tpu.memref_slice %arg2[%add3A_486, %dma_wait3A_490] : memref<1600x1792xi32, #tpu.memory_space<hbm>> -> memref<1x1792xi32, #tpu.memory_space<hbm>>
        %dma_wait3A_492 = tpu.memref_squeeze %dma_wait3A_491 : memref<1x1792xi32, #tpu.memory_space<hbm>> -> memref<1792xi32, #tpu.memory_space<hbm>>
        tpu.wait_dma2 semaphore(%arg18 : memref<!tpu.dma_semaphore, #tpu.memory_space<semaphore_mem>>) src(%dma_wait3A_492 : memref<1792xi32, #tpu.memory_space<hbm>>) dst(%arg10 : memref<1792xi32, #tpu.memory_space<vmem>>)
        %iota3A_493 = tpu.iota {dimensions = array<i32: 0>} : vector<16xi32>
        %scan3A_494 = arith.constant 0 : i32
        %scan3A_495 = arith.constant 0 : i32
        %scan3A_496 = arith.constant 8 : i32
        %scan3A_497 = arith.addi %scan3A_495, %scan3A_496 : i32
        %scan3A_498 = arith.constant 1 : i32
        %scan3A_499 = scf.for %scan3A_640 = %scan3A_495 to %scan3A_497 step %scan3A_498 iter_args(%scan3A_641 = %scan3A_494) -> (i32)  : i32 {
          %broadcast_in_dim3A_642 = arith.constant 0.000000e+00 : f32
          %broadcast_in_dim3A_643 = vector.broadcast %broadcast_in_dim3A_642 : f32 to vector<16xf32>
          %mul3A_644 = arith.constant 16 : i32
          %mul3A_645 = arith.muli %scan3A_640, %mul3A_644 : i32
          %add3A_646 = arith.constant 0 : i32
          %add3A_647 = arith.addi %add3A_646, %mul3A_645 : i32
          %get3A = arith.index_cast %add3A_647 : i32 to index
          %get3A_648 = tpu.vector_load %arg10[%get3A] {strides = array<i32>} : memref<1792xi32, #tpu.memory_space<vmem>>, vector<16xi32>,
          %ne3A = arith.constant 0 : i32
          %ne3A_649 = vector.broadcast %ne3A : i32 to vector<16xi32>
          %ne3A_650 = arith.cmpi ne, %get3A_648, %ne3A_649 : vector<16xi32>
          %jit3A = arith.constant 1.000000e+00 : f32
          %jit3A_651 = arith.constant 0.000000e+00 : f32
          %broadcast_in_dim3A_652 = vector.broadcast %jit3A : f32 to vector<16xf32>
          %broadcast_in_dim3A_653 = vector.broadcast %jit3A_651 : f32 to vector<16xf32>
          %select_n3A = arith.select %ne3A_650, %broadcast_in_dim3A_652, %broadcast_in_dim3A_653 : vector<16xi1>, vector<16xf32>
          %add3A_654 = arith.addf %broadcast_in_dim3A_643, %select_n3A : vector<16xf32>
          %mul3A_655 = arith.constant 16 : i32
          %mul3A_656 = arith.muli %scan3A_640, %mul3A_655 : i32
          %add3A_657 = arith.constant 128 : i32
          %add3A_658 = arith.addi %add3A_657, %mul3A_656 : i32
          %get3A_659 = arith.index_cast %add3A_658 : i32 to index
          %get3A_660 = tpu.vector_load %arg10[%get3A_659] {strides = array<i32>} : memref<1792xi32, #tpu.memory_space<vmem>>, vector<16xi32>,
          %ne3A_661 = arith.constant 0 : i32
          %ne3A_662 = vector.broadcast %ne3A_661 : i32 to vector<16xi32>
          %ne3A_663 = arith.cmpi ne, %get3A_660, %ne3A_662 : vector<16xi32>
          %jit3A_664 = arith.constant 1.000000e+00 : f32
          %jit3A_665 = arith.constant 0.000000e+00 : f32
          %broadcast_in_dim3A_666 = vector.broadcast %jit3A_664 : f32 to vector<16xf32>
          %broadcast_in_dim3A_667 = vector.broadcast %jit3A_665 : f32 to vector<16xf32>
          %select_n3A_668 = arith.select %ne3A_663, %broadcast_in_dim3A_666, %broadcast_in_dim3A_667 : vector<16xi1>, vector<16xf32>
          %add3A_669 = arith.addf %add3A_654, %select_n3A_668 : vector<16xf32>
          %mul3A_670 = arith.constant 16 : i32
          %mul3A_671 = arith.muli %scan3A_640, %mul3A_670 : i32
          %add3A_672 = arith.constant 256 : i32
          %add3A_673 = arith.addi %add3A_672, %mul3A_671 : i32
          %get3A_674 = arith.index_cast %add3A_673 : i32 to index
          %get3A_675 = tpu.vector_load %arg10[%get3A_674] {strides = array<i32>} : memref<1792xi32, #tpu.memory_space<vmem>>, vector<16xi32>,
          %ne3A_676 = arith.constant 0 : i32
          %ne3A_677 = vector.broadcast %ne3A_676 : i32 to vector<16xi32>
          %ne3A_678 = arith.cmpi ne, %get3A_675, %ne3A_677 : vector<16xi32>
          %jit3A_679 = arith.constant 1.000000e+00 : f32
          %jit3A_680 = arith.constant 0.000000e+00 : f32
          %broadcast_in_dim3A_681 = vector.broadcast %jit3A_679 : f32 to vector<16xf32>
          %broadcast_in_dim3A_682 = vector.broadcast %jit3A_680 : f32 to vector<16xf32>
          %select_n3A_683 = arith.select %ne3A_678, %broadcast_in_dim3A_681, %broadcast_in_dim3A_682 : vector<16xi1>, vector<16xf32>
          %add3A_684 = arith.addf %add3A_669, %select_n3A_683 : vector<16xf32>
          %mul3A_685 = arith.constant 16 : i32
          %mul3A_686 = arith.muli %scan3A_640, %mul3A_685 : i32
          %add3A_687 = arith.constant 384 : i32
          %add3A_688 = arith.addi %add3A_687, %mul3A_686 : i32
          %get3A_689 = arith.index_cast %add3A_688 : i32 to index
          %get3A_690 = tpu.vector_load %arg10[%get3A_689] {strides = array<i32>} : memref<1792xi32, #tpu.memory_space<vmem>>, vector<16xi32>,
          %ne3A_691 = arith.constant 0 : i32
          %ne3A_692 = vector.broadcast %ne3A_691 : i32 to vector<16xi32>
          %ne3A_693 = arith.cmpi ne, %get3A_690, %ne3A_692 : vector<16xi32>
          %jit3A_694 = arith.constant 1.000000e+00 : f32
          %jit3A_695 = arith.constant 0.000000e+00 : f32
          %broadcast_in_dim3A_696 = vector.broadcast %jit3A_694 : f32 to vector<16xf32>
          %broadcast_in_dim3A_697 = vector.broadcast %jit3A_695 : f32 to vector<16xf32>
          %select_n3A_698 = arith.select %ne3A_693, %broadcast_in_dim3A_696, %broadcast_in_dim3A_697 : vector<16xi1>, vector<16xf32>
          %add3A_699 = arith.addf %add3A_684, %select_n3A_698 : vector<16xf32>
          %max3A = arith.constant 1.000000e+00 : f32
          %max3A_700 = vector.broadcast %max3A : f32 to vector<16xf32>
          %max3A_701 = arith.maximumf %add3A_699, %max3A_700 : vector<16xf32>
          %div3A = arith.constant 1.000000e+00 : f32
          %div3A_702 = vector.broadcast %div3A : f32 to vector<16xf32>
          %div3A_703 = arith.divf %div3A_702, %max3A_701 : vector<16xf32>
          %mul3A_704 = arith.constant 16 : i32
          %mul3A_705 = arith.muli %scan3A_640, %mul3A_704 : i32
          %add3A_706 = vector.broadcast %mul3A_705 : i32 to vector<16xi32>
          %add3A_707 = arith.addi %iota3A_493, %add3A_706 : vector<16xi32>
          %mul3A_708 = arith.constant 4 : i32
          %mul3A_709 = vector.broadcast %mul3A_708 : i32 to vector<16xi32>
          %mul3A_710 = arith.muli %add3A_707, %mul3A_709 : vector<16xi32>
          %add3A_711 = arith.constant 0 : i32
          %add3A_712 = vector.broadcast %add3A_711 : i32 to vector<16xi32>
          %add3A_713 = arith.addi %mul3A_710, %add3A_712 : vector<16xi32>
          %mul3A_714 = arith.mulf %select_n3A, %div3A_703 : vector<16xf32>
          tpu.vector_store_idx %arg12[%add3A_713], %mul3A_714 : memref<528xf32, #tpu.memory_space<vmem>>[vector<16xi32>], vector<16xf32>,
          %add3A_715 = arith.constant 1 : i32
          %add3A_716 = vector.broadcast %add3A_715 : i32 to vector<16xi32>
          %add3A_717 = arith.addi %mul3A_710, %add3A_716 : vector<16xi32>
          %mul3A_718 = arith.mulf %select_n3A_668, %div3A_703 : vector<16xf32>
          tpu.vector_store_idx %arg12[%add3A_717], %mul3A_718 : memref<528xf32, #tpu.memory_space<vmem>>[vector<16xi32>], vector<16xf32>,
          %add3A_719 = arith.constant 2 : i32
          %add3A_720 = vector.broadcast %add3A_719 : i32 to vector<16xi32>
          %add3A_721 = arith.addi %mul3A_710, %add3A_720 : vector<16xi32>
          %mul3A_722 = arith.mulf %select_n3A_683, %div3A_703 : vector<16xf32>
          tpu.vector_store_idx %arg12[%add3A_721], %mul3A_722 : memref<528xf32, #tpu.memory_space<vmem>>[vector<16xi32>], vector<16xf32>,
          %add3A_723 = arith.constant 3 : i32
          %add3A_724 = vector.broadcast %add3A_723 : i32 to vector<16xi32>
          %add3A_725 = arith.addi %mul3A_710, %add3A_724 : vector<16xi32>
          %mul3A_726 = arith.mulf %select_n3A_698, %div3A_703 : vector<16xf32>
          tpu.vector_store_idx %arg12[%add3A_725], %mul3A_726 : memref<528xf32, #tpu.memory_space<vmem>>[vector<16xi32>], vector<16xf32>,
          %scan3A_727 = arith.constant 0 : i32
          scf.yield %scan3A_727 : i32
        }
        %scan3A_500 = arith.constant 8 : i32
        %broadcast_in_dim3A_501 = arith.constant 0.000000e+00 : f32
        %broadcast_in_dim3A_502 = vector.broadcast %broadcast_in_dim3A_501 : f32 to vector<16xf32>
        %scan3A_503 = arith.constant 0 : i32
        %scan3A_504 = arith.constant 0 : i32
        %scan3A_505 = arith.constant 128 : i32
        %scan3A_506 = arith.addi %scan3A_504, %scan3A_505 : i32
        %scan3A_507 = arith.constant 1 : i32
        %scan3A_508 = scf.for %scan3A_640 = %scan3A_504 to %scan3A_506 step %scan3A_507 iter_args(%scan3A_641 = %scan3A_503) -> (i32)  : i32 {
          %swap3A = arith.constant 0 : i32
          %swap3A_642 = arith.index_cast %swap3A : i32 to index
          %swap3A_643 = arith.index_cast %scan3A_640 : i32 to index
          %swap3A_644 = arith.constant 0 : index
          %swap3A_645 = tpu.vector_load %arg14[%swap3A_642, %swap3A_643, %swap3A_644] {strides = array<i32>} : memref<4x128x64xf32, #tpu.memory_space<vmem>>, vector<16xf32>,
          tpu.vector_store %arg14[%swap3A_642, %swap3A_643, %swap3A_644], %broadcast_in_dim3A_502 {strides = array<i32>} : memref<4x128x64xf32, #tpu.memory_space<vmem>>, vector<16xf32>,
          %swap3A_646 = arith.constant 1 : i32
          %swap3A_647 = arith.index_cast %swap3A_646 : i32 to index
          %swap3A_648 = arith.index_cast %scan3A_640 : i32 to index
          %swap3A_649 = arith.constant 0 : index
          %swap3A_650 = tpu.vector_load %arg14[%swap3A_647, %swap3A_648, %swap3A_649] {strides = array<i32>} : memref<4x128x64xf32, #tpu.memory_space<vmem>>, vector<16xf32>,
          tpu.vector_store %arg14[%swap3A_647, %swap3A_648, %swap3A_649], %broadcast_in_dim3A_502 {strides = array<i32>} : memref<4x128x64xf32, #tpu.memory_space<vmem>>, vector<16xf32>,
          %swap3A_651 = arith.constant 2 : i32
          %swap3A_652 = arith.index_cast %swap3A_651 : i32 to index
          %swap3A_653 = arith.index_cast %scan3A_640 : i32 to index
          %swap3A_654 = arith.constant 0 : index
          %swap3A_655 = tpu.vector_load %arg14[%swap3A_652, %swap3A_653, %swap3A_654] {strides = array<i32>} : memref<4x128x64xf32, #tpu.memory_space<vmem>>, vector<16xf32>,
          tpu.vector_store %arg14[%swap3A_652, %swap3A_653, %swap3A_654], %broadcast_in_dim3A_502 {strides = array<i32>} : memref<4x128x64xf32, #tpu.memory_space<vmem>>, vector<16xf32>,
          %swap3A_656 = arith.constant 3 : i32
          %swap3A_657 = arith.index_cast %swap3A_656 : i32 to index
          %swap3A_658 = arith.index_cast %scan3A_640 : i32 to index
          %swap3A_659 = arith.constant 0 : index
          %swap3A_660 = tpu.vector_load %arg14[%swap3A_657, %swap3A_658, %swap3A_659] {strides = array<i32>} : memref<4x128x64xf32, #tpu.memory_space<vmem>>, vector<16xf32>,
          tpu.vector_store %arg14[%swap3A_657, %swap3A_658, %swap3A_659], %broadcast_in_dim3A_502 {strides = array<i32>} : memref<4x128x64xf32, #tpu.memory_space<vmem>>, vector<16xf32>,
          %swap3A_661 = arith.index_cast %scan3A_640 : i32 to index
          %swap3A_662 = arith.constant 0 : index
          %swap3A_663 = tpu.vector_load %arg16[%swap3A_661, %swap3A_662] {strides = array<i32>} : memref<128x64xf32, #tpu.memory_space<vmem>>, vector<16xf32>,
          tpu.vector_store %arg16[%swap3A_661, %swap3A_662], %broadcast_in_dim3A_502 {strides = array<i32>} : memref<128x64xf32, #tpu.memory_space<vmem>>, vector<16xf32>,
          %swap3A_664 = arith.constant 0 : i32
          %swap3A_665 = arith.index_cast %swap3A_664 : i32 to index
          %swap3A_666 = arith.index_cast %scan3A_640 : i32 to index
          %swap3A_667 = arith.constant 16 : index
          %swap3A_668 = tpu.vector_load %arg14[%swap3A_665, %swap3A_666, %swap3A_667] {strides = array<i32>} : memref<4x128x64xf32, #tpu.memory_space<vmem>>, vector<16xf32>,
          tpu.vector_store %arg14[%swap3A_665, %swap3A_666, %swap3A_667], %broadcast_in_dim3A_502 {strides = array<i32>} : memref<4x128x64xf32, #tpu.memory_space<vmem>>, vector<16xf32>,
          %swap3A_669 = arith.constant 1 : i32
          %swap3A_670 = arith.index_cast %swap3A_669 : i32 to index
          %swap3A_671 = arith.index_cast %scan3A_640 : i32 to index
          %swap3A_672 = arith.constant 16 : index
          %swap3A_673 = tpu.vector_load %arg14[%swap3A_670, %swap3A_671, %swap3A_672] {strides = array<i32>} : memref<4x128x64xf32, #tpu.memory_space<vmem>>, vector<16xf32>,
          tpu.vector_store %arg14[%swap3A_670, %swap3A_671, %swap3A_672], %broadcast_in_dim3A_502 {strides = array<i32>} : memref<4x128x64xf32, #tpu.memory_space<vmem>>, vector<16xf32>,
          %swap3A_674 = arith.constant 2 : i32
          %swap3A_675 = arith.index_cast %swap3A_674 : i32 to index
          %swap3A_676 = arith.index_cast %scan3A_640 : i32 to index
          %swap3A_677 = arith.constant 16 : index
          %swap3A_678 = tpu.vector_load %arg14[%swap3A_675, %swap3A_676, %swap3A_677] {strides = array<i32>} : memref<4x128x64xf32, #tpu.memory_space<vmem>>, vector<16xf32>,
          tpu.vector_store %arg14[%swap3A_675, %swap3A_676, %swap3A_677], %broadcast_in_dim3A_502 {strides = array<i32>} : memref<4x128x64xf32, #tpu.memory_space<vmem>>, vector<16xf32>,
          %swap3A_679 = arith.constant 3 : i32
          %swap3A_680 = arith.index_cast %swap3A_679 : i32 to index
          %swap3A_681 = arith.index_cast %scan3A_640 : i32 to index
          %swap3A_682 = arith.constant 16 : index
          %swap3A_683 = tpu.vector_load %arg14[%swap3A_680, %swap3A_681, %swap3A_682] {strides = array<i32>} : memref<4x128x64xf32, #tpu.memory_space<vmem>>, vector<16xf32>,
          tpu.vector_store %arg14[%swap3A_680, %swap3A_681, %swap3A_682], %broadcast_in_dim3A_502 {strides = array<i32>} : memref<4x128x64xf32, #tpu.memory_space<vmem>>, vector<16xf32>,
          %swap3A_684 = arith.index_cast %scan3A_640 : i32 to index
          %swap3A_685 = arith.constant 16 : index
          %swap3A_686 = tpu.vector_load %arg16[%swap3A_684, %swap3A_685] {strides = array<i32>} : memref<128x64xf32, #tpu.memory_space<vmem>>, vector<16xf32>,
          tpu.vector_store %arg16[%swap3A_684, %swap3A_685], %broadcast_in_dim3A_502 {strides = array<i32>} : memref<128x64xf32, #tpu.memory_space<vmem>>, vector<16xf32>,
          %swap3A_687 = arith.constant 0 : i32
          %swap3A_688 = arith.index_cast %swap3A_687 : i32 to index
          %swap3A_689 = arith.index_cast %scan3A_640 : i32 to index
          %swap3A_690 = arith.constant 32 : index
          %swap3A_691 = tpu.vector_load %arg14[%swap3A_688, %swap3A_689, %swap3A_690] {strides = array<i32>} : memref<4x128x64xf32, #tpu.memory_space<vmem>>, vector<16xf32>,
          tpu.vector_store %arg14[%swap3A_688, %swap3A_689, %swap3A_690], %broadcast_in_dim3A_502 {strides = array<i32>} : memref<4x128x64xf32, #tpu.memory_space<vmem>>, vector<16xf32>,
          %swap3A_692 = arith.constant 1 : i32
          %swap3A_693 = arith.index_cast %swap3A_692 : i32 to index
          %swap3A_694 = arith.index_cast %scan3A_640 : i32 to index
          %swap3A_695 = arith.constant 32 : index
          %swap3A_696 = tpu.vector_load %arg14[%swap3A_693, %swap3A_694, %swap3A_695] {strides = array<i32>} : memref<4x128x64xf32, #tpu.memory_space<vmem>>, vector<16xf32>,
          tpu.vector_store %arg14[%swap3A_693, %swap3A_694, %swap3A_695], %broadcast_in_dim3A_502 {strides = array<i32>} : memref<4x128x64xf32, #tpu.memory_space<vmem>>, vector<16xf32>,
          %swap3A_697 = arith.constant 2 : i32
          %swap3A_698 = arith.index_cast %swap3A_697 : i32 to index
          %swap3A_699 = arith.index_cast %scan3A_640 : i32 to index
          %swap3A_700 = arith.constant 32 : index
          %swap3A_701 = tpu.vector_load %arg14[%swap3A_698, %swap3A_699, %swap3A_700] {strides = array<i32>} : memref<4x128x64xf32, #tpu.memory_space<vmem>>, vector<16xf32>,
          tpu.vector_store %arg14[%swap3A_698, %swap3A_699, %swap3A_700], %broadcast_in_dim3A_502 {strides = array<i32>} : memref<4x128x64xf32, #tpu.memory_space<vmem>>, vector<16xf32>,
          %swap3A_702 = arith.constant 3 : i32
          %swap3A_703 = arith.index_cast %swap3A_702 : i32 to index
          %swap3A_704 = arith.index_cast %scan3A_640 : i32 to index
          %swap3A_705 = arith.constant 32 : index
          %swap3A_706 = tpu.vector_load %arg14[%swap3A_703, %swap3A_704, %swap3A_705] {strides = array<i32>} : memref<4x128x64xf32, #tpu.memory_space<vmem>>, vector<16xf32>,
          tpu.vector_store %arg14[%swap3A_703, %swap3A_704, %swap3A_705], %broadcast_in_dim3A_502 {strides = array<i32>} : memref<4x128x64xf32, #tpu.memory_space<vmem>>, vector<16xf32>,
          %swap3A_707 = arith.index_cast %scan3A_640 : i32 to index
          %swap3A_708 = arith.constant 32 : index
          %swap3A_709 = tpu.vector_load %arg16[%swap3A_707, %swap3A_708] {strides = array<i32>} : memref<128x64xf32, #tpu.memory_space<vmem>>, vector<16xf32>,
          tpu.vector_store %arg16[%swap3A_707, %swap3A_708], %broadcast_in_dim3A_502 {strides = array<i32>} : memref<128x64xf32, #tpu.memory_space<vmem>>, vector<16xf32>,
          %swap3A_710 = arith.constant 0 : i32
          %swap3A_711 = arith.index_cast %swap3A_710 : i32 to index
          %swap3A_712 = arith.index_cast %scan3A_640 : i32 to index
          %swap3A_713 = arith.constant 48 : index
          %swap3A_714 = tpu.vector_load %arg14[%swap3A_711, %swap3A_712, %swap3A_713] {strides = array<i32>} : memref<4x128x64xf32, #tpu.memory_space<vmem>>, vector<16xf32>,
          tpu.vector_store %arg14[%swap3A_711, %swap3A_712, %swap3A_713], %broadcast_in_dim3A_502 {strides = array<i32>} : memref<4x128x64xf32, #tpu.memory_space<vmem>>, vector<16xf32>,
          %swap3A_715 = arith.constant 1 : i32
          %swap3A_716 = arith.index_cast %swap3A_715 : i32 to index
          %swap3A_717 = arith.index_cast %scan3A_640 : i32 to index
          %swap3A_718 = arith.constant 48 : index
          %swap3A_719 = tpu.vector_load %arg14[%swap3A_716, %swap3A_717, %swap3A_718] {strides = array<i32>} : memref<4x128x64xf32, #tpu.memory_space<vmem>>, vector<16xf32>,
          tpu.vector_store %arg14[%swap3A_716, %swap3A_717, %swap3A_718], %broadcast_in_dim3A_502 {strides = array<i32>} : memref<4x128x64xf32, #tpu.memory_space<vmem>>, vector<16xf32>,
          %swap3A_720 = arith.constant 2 : i32
          %swap3A_721 = arith.index_cast %swap3A_720 : i32 to index
          %swap3A_722 = arith.index_cast %scan3A_640 : i32 to index
          %swap3A_723 = arith.constant 48 : index
          %swap3A_724 = tpu.vector_load %arg14[%swap3A_721, %swap3A_722, %swap3A_723] {strides = array<i32>} : memref<4x128x64xf32, #tpu.memory_space<vmem>>, vector<16xf32>,
          tpu.vector_store %arg14[%swap3A_721, %swap3A_722, %swap3A_723], %broadcast_in_dim3A_502 {strides = array<i32>} : memref<4x128x64xf32, #tpu.memory_space<vmem>>, vector<16xf32>,
          %swap3A_725 = arith.constant 3 : i32
          %swap3A_726 = arith.index_cast %swap3A_725 : i32 to index
          %swap3A_727 = arith.index_cast %scan3A_640 : i32 to index
          %swap3A_728 = arith.constant 48 : index
          %swap3A_729 = tpu.vector_load %arg14[%swap3A_726, %swap3A_727, %swap3A_728] {strides = array<i32>} : memref<4x128x64xf32, #tpu.memory_space<vmem>>, vector<16xf32>,
          tpu.vector_store %arg14[%swap3A_726, %swap3A_727, %swap3A_728], %broadcast_in_dim3A_502 {strides = array<i32>} : memref<4x128x64xf32, #tpu.memory_space<vmem>>, vector<16xf32>,
          %swap3A_730 = arith.index_cast %scan3A_640 : i32 to index
          %swap3A_731 = arith.constant 48 : index
          %swap3A_732 = tpu.vector_load %arg16[%swap3A_730, %swap3A_731] {strides = array<i32>} : memref<128x64xf32, #tpu.memory_space<vmem>>, vector<16xf32>,
          tpu.vector_store %arg16[%swap3A_730, %swap3A_731], %broadcast_in_dim3A_502 {strides = array<i32>} : memref<128x64xf32, #tpu.memory_space<vmem>>, vector<16xf32>,
          %scan3A_733 = arith.constant 0 : i32
          scf.yield %scan3A_733 : i32
        }
        %scan3A_509 = arith.constant 128 : i32
        %dma_start3A_510 = arith.constant 0 : i32
        %dma_start3A_511 = arith.constant 0 : i32
        %dma_start3A_512 = arith.constant 0 : i32
        %dma_start3A_513 = tpu.memref_slice %arg14[%dma_start3A_510, %dma_start3A_511, %dma_start3A_512] : memref<4x128x64xf32, #tpu.memory_space<vmem>> -> memref<1x128x64xf32, #tpu.memory_space<vmem>>
        %dma_start3A_514 = tpu.memref_squeeze %dma_start3A_513 : memref<1x128x64xf32, #tpu.memory_space<vmem>> -> memref<128x64xf32, #tpu.memory_space<vmem>>
        %dma_start3A_515 = arith.constant 0 : i32
        %dma_start3A_516 = tpu.memref_slice %arg10[%dma_start3A_515] : memref<1792xi32, #tpu.memory_space<vmem>> -> memref<128xi32, #tpu.memory_space<vmem>>
        %dma_start3A_517 = arith.constant 0 : i32
        %dma_start3A_518 = arith.constant 0 : i32
        %dma_start3A_519 = tpu.memref_slice %arg3[%dma_start3A_517, %dma_start3A_518] : memref<1000001x64xf32, #tpu.memory_space<hbm>> -> memref<1000001x64xf32, #tpu.memory_space<hbm>>
        tpu.enqueue_indirect_dma source(%dma_start3A_519 : memref<1000001x64xf32, #tpu.memory_space<hbm>>) target(%dma_start3A_514 : memref<128x64xf32, #tpu.memory_space<vmem>>) offsets(%dma_start3A_516 : memref<128xi32, #tpu.memory_space<vmem>>) semaphore(%arg20 : memref<!tpu.dma_semaphore, #tpu.memory_space<semaphore_mem>>) {add = true}
        %dma_start3A_520 = arith.constant 1 : i32
        %dma_start3A_521 = arith.constant 0 : i32
        %dma_start3A_522 = arith.constant 0 : i32
        %dma_start3A_523 = tpu.memref_slice %arg14[%dma_start3A_520, %dma_start3A_521, %dma_start3A_522] : memref<4x128x64xf32, #tpu.memory_space<vmem>> -> memref<1x128x64xf32, #tpu.memory_space<vmem>>
        %dma_start3A_524 = tpu.memref_squeeze %dma_start3A_523 : memref<1x128x64xf32, #tpu.memory_space<vmem>> -> memref<128x64xf32, #tpu.memory_space<vmem>>
        %dma_start3A_525 = arith.constant 128 : i32
        %dma_start3A_526 = tpu.memref_slice %arg10[%dma_start3A_525] : memref<1792xi32, #tpu.memory_space<vmem>> -> memref<128xi32, #tpu.memory_space<vmem>>
        %dma_start3A_527 = arith.constant 0 : i32
        %dma_start3A_528 = arith.constant 0 : i32
        %dma_start3A_529 = tpu.memref_slice %arg3[%dma_start3A_527, %dma_start3A_528] : memref<1000001x64xf32, #tpu.memory_space<hbm>> -> memref<1000001x64xf32, #tpu.memory_space<hbm>>
        tpu.enqueue_indirect_dma source(%dma_start3A_529 : memref<1000001x64xf32, #tpu.memory_space<hbm>>) target(%dma_start3A_524 : memref<128x64xf32, #tpu.memory_space<vmem>>) offsets(%dma_start3A_526 : memref<128xi32, #tpu.memory_space<vmem>>) semaphore(%arg20 : memref<!tpu.dma_semaphore, #tpu.memory_space<semaphore_mem>>) {add = true}
        %dma_start3A_530 = arith.constant 2 : i32
        %dma_start3A_531 = arith.constant 0 : i32
        %dma_start3A_532 = arith.constant 0 : i32
        %dma_start3A_533 = tpu.memref_slice %arg14[%dma_start3A_530, %dma_start3A_531, %dma_start3A_532] : memref<4x128x64xf32, #tpu.memory_space<vmem>> -> memref<1x128x64xf32, #tpu.memory_space<vmem>>
        %dma_start3A_534 = tpu.memref_squeeze %dma_start3A_533 : memref<1x128x64xf32, #tpu.memory_space<vmem>> -> memref<128x64xf32, #tpu.memory_space<vmem>>
        %dma_start3A_535 = arith.constant 256 : i32
        %dma_start3A_536 = tpu.memref_slice %arg10[%dma_start3A_535] : memref<1792xi32, #tpu.memory_space<vmem>> -> memref<128xi32, #tpu.memory_space<vmem>>
        %dma_start3A_537 = arith.constant 0 : i32
        %dma_start3A_538 = arith.constant 0 : i32
        %dma_start3A_539 = tpu.memref_slice %arg3[%dma_start3A_537, %dma_start3A_538] : memref<1000001x64xf32, #tpu.memory_space<hbm>> -> memref<1000001x64xf32, #tpu.memory_space<hbm>>
        tpu.enqueue_indirect_dma source(%dma_start3A_539 : memref<1000001x64xf32, #tpu.memory_space<hbm>>) target(%dma_start3A_534 : memref<128x64xf32, #tpu.memory_space<vmem>>) offsets(%dma_start3A_536 : memref<128xi32, #tpu.memory_space<vmem>>) semaphore(%arg20 : memref<!tpu.dma_semaphore, #tpu.memory_space<semaphore_mem>>) {add = true}
        %dma_start3A_540 = arith.constant 3 : i32
        %dma_start3A_541 = arith.constant 0 : i32
        %dma_start3A_542 = arith.constant 0 : i32
        %dma_start3A_543 = tpu.memref_slice %arg14[%dma_start3A_540, %dma_start3A_541, %dma_start3A_542] : memref<4x128x64xf32, #tpu.memory_space<vmem>> -> memref<1x128x64xf32, #tpu.memory_space<vmem>>
        %dma_start3A_544 = tpu.memref_squeeze %dma_start3A_543 : memref<1x128x64xf32, #tpu.memory_space<vmem>> -> memref<128x64xf32, #tpu.memory_space<vmem>>
        %dma_start3A_545 = arith.constant 384 : i32
        %dma_start3A_546 = tpu.memref_slice %arg10[%dma_start3A_545] : memref<1792xi32, #tpu.memory_space<vmem>> -> memref<128xi32, #tpu.memory_space<vmem>>
        %dma_start3A_547 = arith.constant 0 : i32
        %dma_start3A_548 = arith.constant 0 : i32
        %dma_start3A_549 = tpu.memref_slice %arg3[%dma_start3A_547, %dma_start3A_548] : memref<1000001x64xf32, #tpu.memory_space<hbm>> -> memref<1000001x64xf32, #tpu.memory_space<hbm>>
        tpu.enqueue_indirect_dma source(%dma_start3A_549 : memref<1000001x64xf32, #tpu.memory_space<hbm>>) target(%dma_start3A_544 : memref<128x64xf32, #tpu.memory_space<vmem>>) offsets(%dma_start3A_546 : memref<128xi32, #tpu.memory_space<vmem>>) semaphore(%arg20 : memref<!tpu.dma_semaphore, #tpu.memory_space<semaphore_mem>>) {add = true}
        %dma_start3A_550 = arith.constant 0 : i32
        %dma_start3A_551 = arith.constant 0 : i32
        %dma_start3A_552 = arith.constant 0 : i32
        %dma_start3A_553 = tpu.memref_slice %arg14[%dma_start3A_550, %dma_start3A_551, %dma_start3A_552] : memref<4x128x64xf32, #tpu.memory_space<vmem>> -> memref<1x128x64xf32, #tpu.memory_space<vmem>>
        %dma_start3A_554 = tpu.memref_squeeze %dma_start3A_553 : memref<1x128x64xf32, #tpu.memory_space<vmem>> -> memref<128x64xf32, #tpu.memory_space<vmem>>
        %dma_start3A_555 = arith.constant 512 : i32
        %dma_start3A_556 = tpu.memref_slice %arg10[%dma_start3A_555] : memref<1792xi32, #tpu.memory_space<vmem>> -> memref<128xi32, #tpu.memory_space<vmem>>
        %dma_start3A_557 = arith.constant 0 : i32
        %dma_start3A_558 = arith.constant 0 : i32
        %dma_start3A_559 = tpu.memref_slice %arg4[%dma_start3A_557, %dma_start3A_558] : memref<100000x64xf32, #tpu.memory_space<hbm>> -> memref<100000x64xf32, #tpu.memory_space<hbm>>
        tpu.enqueue_indirect_dma source(%dma_start3A_559 : memref<100000x64xf32, #tpu.memory_space<hbm>>) target(%dma_start3A_554 : memref<128x64xf32, #tpu.memory_space<vmem>>) offsets(%dma_start3A_556 : memref<128xi32, #tpu.memory_space<vmem>>) semaphore(%arg20 : memref<!tpu.dma_semaphore, #tpu.memory_space<semaphore_mem>>) {add = true}
        %dma_start3A_560 = arith.constant 1 : i32
        %dma_start3A_561 = arith.constant 0 : i32
        %dma_start3A_562 = arith.constant 0 : i32
        %dma_start3A_563 = tpu.memref_slice %arg14[%dma_start3A_560, %dma_start3A_561, %dma_start3A_562] : memref<4x128x64xf32, #tpu.memory_space<vmem>> -> memref<1x128x64xf32, #tpu.memory_space<vmem>>
        %dma_start3A_564 = tpu.memref_squeeze %dma_start3A_563 : memref<1x128x64xf32, #tpu.memory_space<vmem>> -> memref<128x64xf32, #tpu.memory_space<vmem>>
        %dma_start3A_565 = arith.constant 640 : i32
        %dma_start3A_566 = tpu.memref_slice %arg10[%dma_start3A_565] : memref<1792xi32, #tpu.memory_space<vmem>> -> memref<128xi32, #tpu.memory_space<vmem>>
        %dma_start3A_567 = arith.constant 0 : i32
        %dma_start3A_568 = arith.constant 0 : i32
        %dma_start3A_569 = tpu.memref_slice %arg4[%dma_start3A_567, %dma_start3A_568] : memref<100000x64xf32, #tpu.memory_space<hbm>> -> memref<100000x64xf32, #tpu.memory_space<hbm>>
        tpu.enqueue_indirect_dma source(%dma_start3A_569 : memref<100000x64xf32, #tpu.memory_space<hbm>>) target(%dma_start3A_564 : memref<128x64xf32, #tpu.memory_space<vmem>>) offsets(%dma_start3A_566 : memref<128xi32, #tpu.memory_space<vmem>>) semaphore(%arg20 : memref<!tpu.dma_semaphore, #tpu.memory_space<semaphore_mem>>) {add = true}
        %dma_start3A_570 = arith.constant 2 : i32
        %dma_start3A_571 = arith.constant 0 : i32
        %dma_start3A_572 = arith.constant 0 : i32
        %dma_start3A_573 = tpu.memref_slice %arg14[%dma_start3A_570, %dma_start3A_571, %dma_start3A_572] : memref<4x128x64xf32, #tpu.memory_space<vmem>> -> memref<1x128x64xf32, #tpu.memory_space<vmem>>
        %dma_start3A_574 = tpu.memref_squeeze %dma_start3A_573 : memref<1x128x64xf32, #tpu.memory_space<vmem>> -> memref<128x64xf32, #tpu.memory_space<vmem>>
        %dma_start3A_575 = arith.constant 768 : i32
        %dma_start3A_576 = tpu.memref_slice %arg10[%dma_start3A_575] : memref<1792xi32, #tpu.memory_space<vmem>> -> memref<128xi32, #tpu.memory_space<vmem>>
        %dma_start3A_577 = arith.constant 0 : i32
        %dma_start3A_578 = arith.constant 0 : i32
        %dma_start3A_579 = tpu.memref_slice %arg4[%dma_start3A_577, %dma_start3A_578] : memref<100000x64xf32, #tpu.memory_space<hbm>> -> memref<100000x64xf32, #tpu.memory_space<hbm>>
        tpu.enqueue_indirect_dma source(%dma_start3A_579 : memref<100000x64xf32, #tpu.memory_space<hbm>>) target(%dma_start3A_574 : memref<128x64xf32, #tpu.memory_space<vmem>>) offsets(%dma_start3A_576 : memref<128xi32, #tpu.memory_space<vmem>>) semaphore(%arg20 : memref<!tpu.dma_semaphore, #tpu.memory_space<semaphore_mem>>) {add = true}
        %dma_start3A_580 = arith.constant 3 : i32
        %dma_start3A_581 = arith.constant 0 : i32
        %dma_start3A_582 = arith.constant 0 : i32
        %dma_start3A_583 = tpu.memref_slice %arg14[%dma_start3A_580, %dma_start3A_581, %dma_start3A_582] : memref<4x128x64xf32, #tpu.memory_space<vmem>> -> memref<1x128x64xf32, #tpu.memory_space<vmem>>
        %dma_start3A_584 = tpu.memref_squeeze %dma_start3A_583 : memref<1x128x64xf32, #tpu.memory_space<vmem>> -> memref<128x64xf32, #tpu.memory_space<vmem>>
        %dma_start3A_585 = arith.constant 896 : i32
        %dma_start3A_586 = tpu.memref_slice %arg10[%dma_start3A_585] : memref<1792xi32, #tpu.memory_space<vmem>> -> memref<128xi32, #tpu.memory_space<vmem>>
        %dma_start3A_587 = arith.constant 0 : i32
        %dma_start3A_588 = arith.constant 0 : i32
        %dma_start3A_589 = tpu.memref_slice %arg4[%dma_start3A_587, %dma_start3A_588] : memref<100000x64xf32, #tpu.memory_space<hbm>> -> memref<100000x64xf32, #tpu.memory_space<hbm>>
        tpu.enqueue_indirect_dma source(%dma_start3A_589 : memref<100000x64xf32, #tpu.memory_space<hbm>>) target(%dma_start3A_584 : memref<128x64xf32, #tpu.memory_space<vmem>>) offsets(%dma_start3A_586 : memref<128xi32, #tpu.memory_space<vmem>>) semaphore(%arg20 : memref<!tpu.dma_semaphore, #tpu.memory_space<semaphore_mem>>) {add = true}
        %dma_start3A_590 = arith.constant 0 : i32
        %dma_start3A_591 = arith.constant 0 : i32
        %dma_start3A_592 = arith.constant 0 : i32
        %dma_start3A_593 = tpu.memref_slice %arg14[%dma_start3A_590, %dma_start3A_591, %dma_start3A_592] : memref<4x128x64xf32, #tpu.memory_space<vmem>> -> memref<1x128x64xf32, #tpu.memory_space<vmem>>
        %dma_start3A_594 = tpu.memref_squeeze %dma_start3A_593 : memref<1x128x64xf32, #tpu.memory_space<vmem>> -> memref<128x64xf32, #tpu.memory_space<vmem>>
        %dma_start3A_595 = arith.constant 1024 : i32
        %dma_start3A_596 = tpu.memref_slice %arg10[%dma_start3A_595] : memref<1792xi32, #tpu.memory_space<vmem>> -> memref<128xi32, #tpu.memory_space<vmem>>
        %dma_start3A_597 = arith.constant 0 : i32
        %dma_start3A_598 = arith.constant 0 : i32
        %dma_start3A_599 = tpu.memref_slice %arg5[%dma_start3A_597, %dma_start3A_598] : memref<1000x64xf32, #tpu.memory_space<hbm>> -> memref<1000x64xf32, #tpu.memory_space<hbm>>
        tpu.enqueue_indirect_dma source(%dma_start3A_599 : memref<1000x64xf32, #tpu.memory_space<hbm>>) target(%dma_start3A_594 : memref<128x64xf32, #tpu.memory_space<vmem>>) offsets(%dma_start3A_596 : memref<128xi32, #tpu.memory_space<vmem>>) semaphore(%arg20 : memref<!tpu.dma_semaphore, #tpu.memory_space<semaphore_mem>>) {add = true}
        %dma_start3A_600 = arith.constant 1 : i32
        %dma_start3A_601 = arith.constant 0 : i32
        %dma_start3A_602 = arith.constant 0 : i32
        %dma_start3A_603 = tpu.memref_slice %arg14[%dma_start3A_600, %dma_start3A_601, %dma_start3A_602] : memref<4x128x64xf32, #tpu.memory_space<vmem>> -> memref<1x128x64xf32, #tpu.memory_space<vmem>>
        %dma_start3A_604 = tpu.memref_squeeze %dma_start3A_603 : memref<1x128x64xf32, #tpu.memory_space<vmem>> -> memref<128x64xf32, #tpu.memory_space<vmem>>
        %dma_start3A_605 = arith.constant 1152 : i32
        %dma_start3A_606 = tpu.memref_slice %arg10[%dma_start3A_605] : memref<1792xi32, #tpu.memory_space<vmem>> -> memref<128xi32, #tpu.memory_space<vmem>>
        %dma_start3A_607 = arith.constant 0 : i32
        %dma_start3A_608 = arith.constant 0 : i32
        %dma_start3A_609 = tpu.memref_slice %arg5[%dma_start3A_607, %dma_start3A_608] : memref<1000x64xf32, #tpu.memory_space<hbm>> -> memref<1000x64xf32, #tpu.memory_space<hbm>>
        tpu.enqueue_indirect_dma source(%dma_start3A_609 : memref<1000x64xf32, #tpu.memory_space<hbm>>) target(%dma_start3A_604 : memref<128x64xf32, #tpu.memory_space<vmem>>) offsets(%dma_start3A_606 : memref<128xi32, #tpu.memory_space<vmem>>) semaphore(%arg20 : memref<!tpu.dma_semaphore, #tpu.memory_space<semaphore_mem>>) {add = true}
        %dma_start3A_610 = arith.constant 2 : i32
        %dma_start3A_611 = arith.constant 0 : i32
        %dma_start3A_612 = arith.constant 0 : i32
        %dma_start3A_613 = tpu.memref_slice %arg14[%dma_start3A_610, %dma_start3A_611, %dma_start3A_612] : memref<4x128x64xf32, #tpu.memory_space<vmem>> -> memref<1x128x64xf32, #tpu.memory_space<vmem>>
        %dma_start3A_614 = tpu.memref_squeeze %dma_start3A_613 : memref<1x128x64xf32, #tpu.memory_space<vmem>> -> memref<128x64xf32, #tpu.memory_space<vmem>>
        %dma_start3A_615 = arith.constant 1280 : i32
        %dma_start3A_616 = tpu.memref_slice %arg10[%dma_start3A_615] : memref<1792xi32, #tpu.memory_space<vmem>> -> memref<128xi32, #tpu.memory_space<vmem>>
        %dma_start3A_617 = arith.constant 0 : i32
        %dma_start3A_618 = arith.constant 0 : i32
        %dma_start3A_619 = tpu.memref_slice %arg5[%dma_start3A_617, %dma_start3A_618] : memref<1000x64xf32, #tpu.memory_space<hbm>> -> memref<1000x64xf32, #tpu.memory_space<hbm>>
        tpu.enqueue_indirect_dma source(%dma_start3A_619 : memref<1000x64xf32, #tpu.memory_space<hbm>>) target(%dma_start3A_614 : memref<128x64xf32, #tpu.memory_space<vmem>>) offsets(%dma_start3A_616 : memref<128xi32, #tpu.memory_space<vmem>>) semaphore(%arg20 : memref<!tpu.dma_semaphore, #tpu.memory_space<semaphore_mem>>) {add = true}
        %dma_start3A_620 = arith.constant 3 : i32
        %dma_start3A_621 = arith.constant 0 : i32
        %dma_start3A_622 = arith.constant 0 : i32
        %dma_start3A_623 = tpu.memref_slice %arg14[%dma_start3A_620, %dma_start3A_621, %dma_start3A_622] : memref<4x128x64xf32, #tpu.memory_space<vmem>> -> memref<1x128x64xf32, #tpu.memory_space<vmem>>
        %dma_start3A_624 = tpu.memref_squeeze %dma_start3A_623 : memref<1x128x64xf32, #tpu.memory_space<vmem>> -> memref<128x64xf32, #tpu.memory_space<vmem>>
        %dma_start3A_625 = arith.constant 1408 : i32
        %dma_start3A_626 = tpu.memref_slice %arg10[%dma_start3A_625] : memref<1792xi32, #tpu.memory_space<vmem>> -> memref<128xi32, #tpu.memory_space<vmem>>
        %dma_start3A_627 = arith.constant 0 : i32
        %dma_start3A_628 = arith.constant 0 : i32
        %dma_start3A_629 = tpu.memref_slice %arg5[%dma_start3A_627, %dma_start3A_628] : memref<1000x64xf32, #tpu.memory_space<hbm>> -> memref<1000x64xf32, #tpu.memory_space<hbm>>
        tpu.enqueue_indirect_dma source(%dma_start3A_629 : memref<1000x64xf32, #tpu.memory_space<hbm>>) target(%dma_start3A_624 : memref<128x64xf32, #tpu.memory_space<vmem>>) offsets(%dma_start3A_626 : memref<128xi32, #tpu.memory_space<vmem>>) semaphore(%arg20 : memref<!tpu.dma_semaphore, #tpu.memory_space<semaphore_mem>>) {add = true}
        %dma_start3A_630 = arith.constant 1536 : i32
        %dma_start3A_631 = tpu.memref_slice %arg10[%dma_start3A_630] : memref<1792xi32, #tpu.memory_space<vmem>> -> memref<128xi32, #tpu.memory_space<vmem>>
        %dma_start3A_632 = arith.constant 0 : i32
        %dma_start3A_633 = arith.constant 0 : i32
        %dma_start3A_634 = tpu.memref_slice %arg7[%dma_start3A_632, %dma_start3A_633] : memref<2048x64xf32, #tpu.memory_space<hbm>> -> memref<2048x64xf32, #tpu.memory_space<hbm>>
        tpu.enqueue_indirect_dma source(%dma_start3A_634 : memref<2048x64xf32, #tpu.memory_space<hbm>>) target(%arg16 : memref<128x64xf32, #tpu.memory_space<vmem>>) offsets(%dma_start3A_631 : memref<128xi32, #tpu.memory_space<vmem>>) semaphore(%arg20 : memref<!tpu.dma_semaphore, #tpu.memory_space<semaphore_mem>>) {add = true}
        %dma_start3A_635 = arith.constant 1664 : i32
        %dma_start3A_636 = tpu.memref_slice %arg10[%dma_start3A_635] : memref<1792xi32, #tpu.memory_space<vmem>> -> memref<128xi32, #tpu.memory_space<vmem>>
        %dma_start3A_637 = arith.constant 0 : i32
        %dma_start3A_638 = arith.constant 0 : i32
        %dma_start3A_639 = tpu.memref_slice %arg6[%dma_start3A_637, %dma_start3A_638] : memref<1000x64xf32, #tpu.memory_space<hbm>> -> memref<1000x64xf32, #tpu.memory_space<hbm>>
        tpu.enqueue_indirect_dma source(%dma_start3A_639 : memref<1000x64xf32, #tpu.memory_space<hbm>>) target(%arg16 : memref<128x64xf32, #tpu.memory_space<vmem>>) offsets(%dma_start3A_636 : memref<128xi32, #tpu.memory_space<vmem>>) semaphore(%arg20 : memref<!tpu.dma_semaphore, #tpu.memory_space<semaphore_mem>>) {add = true}
      } else {
      }
      %dma_wait3A = arith.constant 0 : i32
      %dma_wait3A_171 = arith.constant 0 : i32
      %dma_wait3A_172 = arith.constant 0 : i32
      %dma_wait3A_173 = tpu.memref_slice %arg13[%dma_wait3A, %dma_wait3A_171, %dma_wait3A_172] : memref<4x128x64xf32, #tpu.memory_space<vmem>> -> memref<1x128x64xf32, #tpu.memory_space<vmem>>
      %dma_wait3A_174 = tpu.memref_squeeze %dma_wait3A_173 : memref<1x128x64xf32, #tpu.memory_space<vmem>> -> memref<128x64xf32, #tpu.memory_space<vmem>>
      %dma_wait3A_175 = arith.constant 0 : i32
      %dma_wait3A_176 = tpu.memref_slice %arg9[%dma_wait3A_175] : memref<1792xi32, #tpu.memory_space<vmem>> -> memref<128xi32, #tpu.memory_space<vmem>>
      %dma_wait3A_177 = arith.constant 0 : i32
      %dma_wait3A_178 = arith.constant 0 : i32
      %dma_wait3A_179 = tpu.memref_slice %arg3[%dma_wait3A_177, %dma_wait3A_178] : memref<1000001x64xf32, #tpu.memory_space<hbm>> -> memref<1000001x64xf32, #tpu.memory_space<hbm>>
      tpu.wait_indirect_dma semaphore(%arg19 : memref<!tpu.dma_semaphore, #tpu.memory_space<semaphore_mem>>) src(%dma_wait3A_179 : memref<1000001x64xf32, #tpu.memory_space<hbm>>) dst(%dma_wait3A_174 : memref<128x64xf32, #tpu.memory_space<vmem>>)
      %dma_wait3A_180 = arith.constant 1 : i32
      %dma_wait3A_181 = arith.constant 0 : i32
      %dma_wait3A_182 = arith.constant 0 : i32
      %dma_wait3A_183 = tpu.memref_slice %arg13[%dma_wait3A_180, %dma_wait3A_181, %dma_wait3A_182] : memref<4x128x64xf32, #tpu.memory_space<vmem>> -> memref<1x128x64xf32, #tpu.memory_space<vmem>>
      %dma_wait3A_184 = tpu.memref_squeeze %dma_wait3A_183 : memref<1x128x64xf32, #tpu.memory_space<vmem>> -> memref<128x64xf32, #tpu.memory_space<vmem>>
      %dma_wait3A_185 = arith.constant 128 : i32
      %dma_wait3A_186 = tpu.memref_slice %arg9[%dma_wait3A_185] : memref<1792xi32, #tpu.memory_space<vmem>> -> memref<128xi32, #tpu.memory_space<vmem>>
      %dma_wait3A_187 = arith.constant 0 : i32
      %dma_wait3A_188 = arith.constant 0 : i32
      %dma_wait3A_189 = tpu.memref_slice %arg3[%dma_wait3A_187, %dma_wait3A_188] : memref<1000001x64xf32, #tpu.memory_space<hbm>> -> memref<1000001x64xf32, #tpu.memory_space<hbm>>
      tpu.wait_indirect_dma semaphore(%arg19 : memref<!tpu.dma_semaphore, #tpu.memory_space<semaphore_mem>>) src(%dma_wait3A_189 : memref<1000001x64xf32, #tpu.memory_space<hbm>>) dst(%dma_wait3A_184 : memref<128x64xf32, #tpu.memory_space<vmem>>)
      %dma_wait3A_190 = arith.constant 2 : i32
      %dma_wait3A_191 = arith.constant 0 : i32
      %dma_wait3A_192 = arith.constant 0 : i32
      %dma_wait3A_193 = tpu.memref_slice %arg13[%dma_wait3A_190, %dma_wait3A_191, %dma_wait3A_192] : memref<4x128x64xf32, #tpu.memory_space<vmem>> -> memref<1x128x64xf32, #tpu.memory_space<vmem>>
      %dma_wait3A_194 = tpu.memref_squeeze %dma_wait3A_193 : memref<1x128x64xf32, #tpu.memory_space<vmem>> -> memref<128x64xf32, #tpu.memory_space<vmem>>
      %dma_wait3A_195 = arith.constant 256 : i32
      %dma_wait3A_196 = tpu.memref_slice %arg9[%dma_wait3A_195] : memref<1792xi32, #tpu.memory_space<vmem>> -> memref<128xi32, #tpu.memory_space<vmem>>
      %dma_wait3A_197 = arith.constant 0 : i32
      %dma_wait3A_198 = arith.constant 0 : i32
      %dma_wait3A_199 = tpu.memref_slice %arg3[%dma_wait3A_197, %dma_wait3A_198] : memref<1000001x64xf32, #tpu.memory_space<hbm>> -> memref<1000001x64xf32, #tpu.memory_space<hbm>>
      tpu.wait_indirect_dma semaphore(%arg19 : memref<!tpu.dma_semaphore, #tpu.memory_space<semaphore_mem>>) src(%dma_wait3A_199 : memref<1000001x64xf32, #tpu.memory_space<hbm>>) dst(%dma_wait3A_194 : memref<128x64xf32, #tpu.memory_space<vmem>>)
      %dma_wait3A_200 = arith.constant 3 : i32
      %dma_wait3A_201 = arith.constant 0 : i32
      %dma_wait3A_202 = arith.constant 0 : i32
      %dma_wait3A_203 = tpu.memref_slice %arg13[%dma_wait3A_200, %dma_wait3A_201, %dma_wait3A_202] : memref<4x128x64xf32, #tpu.memory_space<vmem>> -> memref<1x128x64xf32, #tpu.memory_space<vmem>>
      %dma_wait3A_204 = tpu.memref_squeeze %dma_wait3A_203 : memref<1x128x64xf32, #tpu.memory_space<vmem>> -> memref<128x64xf32, #tpu.memory_space<vmem>>
      %dma_wait3A_205 = arith.constant 384 : i32
      %dma_wait3A_206 = tpu.memref_slice %arg9[%dma_wait3A_205] : memref<1792xi32, #tpu.memory_space<vmem>> -> memref<128xi32, #tpu.memory_space<vmem>>
      %dma_wait3A_207 = arith.constant 0 : i32
      %dma_wait3A_208 = arith.constant 0 : i32
      %dma_wait3A_209 = tpu.memref_slice %arg3[%dma_wait3A_207, %dma_wait3A_208] : memref<1000001x64xf32, #tpu.memory_space<hbm>> -> memref<1000001x64xf32, #tpu.memory_space<hbm>>
      tpu.wait_indirect_dma semaphore(%arg19 : memref<!tpu.dma_semaphore, #tpu.memory_space<semaphore_mem>>) src(%dma_wait3A_209 : memref<1000001x64xf32, #tpu.memory_space<hbm>>) dst(%dma_wait3A_204 : memref<128x64xf32, #tpu.memory_space<vmem>>)
      %dma_wait3A_210 = arith.constant 0 : i32
      %dma_wait3A_211 = arith.constant 0 : i32
      %dma_wait3A_212 = arith.constant 0 : i32
      %dma_wait3A_213 = tpu.memref_slice %arg13[%dma_wait3A_210, %dma_wait3A_211, %dma_wait3A_212] : memref<4x128x64xf32, #tpu.memory_space<vmem>> -> memref<1x128x64xf32, #tpu.memory_space<vmem>>
      %dma_wait3A_214 = tpu.memref_squeeze %dma_wait3A_213 : memref<1x128x64xf32, #tpu.memory_space<vmem>> -> memref<128x64xf32, #tpu.memory_space<vmem>>
      %dma_wait3A_215 = arith.constant 512 : i32
      %dma_wait3A_216 = tpu.memref_slice %arg9[%dma_wait3A_215] : memref<1792xi32, #tpu.memory_space<vmem>> -> memref<128xi32, #tpu.memory_space<vmem>>
      %dma_wait3A_217 = arith.constant 0 : i32
      %dma_wait3A_218 = arith.constant 0 : i32
      %dma_wait3A_219 = tpu.memref_slice %arg4[%dma_wait3A_217, %dma_wait3A_218] : memref<100000x64xf32, #tpu.memory_space<hbm>> -> memref<100000x64xf32, #tpu.memory_space<hbm>>
      tpu.wait_indirect_dma semaphore(%arg19 : memref<!tpu.dma_semaphore, #tpu.memory_space<semaphore_mem>>) src(%dma_wait3A_219 : memref<100000x64xf32, #tpu.memory_space<hbm>>) dst(%dma_wait3A_214 : memref<128x64xf32, #tpu.memory_space<vmem>>)
      %dma_wait3A_220 = arith.constant 1 : i32
      %dma_wait3A_221 = arith.constant 0 : i32
      %dma_wait3A_222 = arith.constant 0 : i32
      %dma_wait3A_223 = tpu.memref_slice %arg13[%dma_wait3A_220, %dma_wait3A_221, %dma_wait3A_222] : memref<4x128x64xf32, #tpu.memory_space<vmem>> -> memref<1x128x64xf32, #tpu.memory_space<vmem>>
      %dma_wait3A_224 = tpu.memref_squeeze %dma_wait3A_223 : memref<1x128x64xf32, #tpu.memory_space<vmem>> -> memref<128x64xf32, #tpu.memory_space<vmem>>
      %dma_wait3A_225 = arith.constant 640 : i32
      %dma_wait3A_226 = tpu.memref_slice %arg9[%dma_wait3A_225] : memref<1792xi32, #tpu.memory_space<vmem>> -> memref<128xi32, #tpu.memory_space<vmem>>
      %dma_wait3A_227 = arith.constant 0 : i32
      %dma_wait3A_228 = arith.constant 0 : i32
      %dma_wait3A_229 = tpu.memref_slice %arg4[%dma_wait3A_227, %dma_wait3A_228] : memref<100000x64xf32, #tpu.memory_space<hbm>> -> memref<100000x64xf32, #tpu.memory_space<hbm>>
      tpu.wait_indirect_dma semaphore(%arg19 : memref<!tpu.dma_semaphore, #tpu.memory_space<semaphore_mem>>) src(%dma_wait3A_229 : memref<100000x64xf32, #tpu.memory_space<hbm>>) dst(%dma_wait3A_224 : memref<128x64xf32, #tpu.memory_space<vmem>>)
      %dma_wait3A_230 = arith.constant 2 : i32
      %dma_wait3A_231 = arith.constant 0 : i32
      %dma_wait3A_232 = arith.constant 0 : i32
      %dma_wait3A_233 = tpu.memref_slice %arg13[%dma_wait3A_230, %dma_wait3A_231, %dma_wait3A_232] : memref<4x128x64xf32, #tpu.memory_space<vmem>> -> memref<1x128x64xf32, #tpu.memory_space<vmem>>
      %dma_wait3A_234 = tpu.memref_squeeze %dma_wait3A_233 : memref<1x128x64xf32, #tpu.memory_space<vmem>> -> memref<128x64xf32, #tpu.memory_space<vmem>>
      %dma_wait3A_235 = arith.constant 768 : i32
      %dma_wait3A_236 = tpu.memref_slice %arg9[%dma_wait3A_235] : memref<1792xi32, #tpu.memory_space<vmem>> -> memref<128xi32, #tpu.memory_space<vmem>>
      %dma_wait3A_237 = arith.constant 0 : i32
      %dma_wait3A_238 = arith.constant 0 : i32
      %dma_wait3A_239 = tpu.memref_slice %arg4[%dma_wait3A_237, %dma_wait3A_238] : memref<100000x64xf32, #tpu.memory_space<hbm>> -> memref<100000x64xf32, #tpu.memory_space<hbm>>
      tpu.wait_indirect_dma semaphore(%arg19 : memref<!tpu.dma_semaphore, #tpu.memory_space<semaphore_mem>>) src(%dma_wait3A_239 : memref<100000x64xf32, #tpu.memory_space<hbm>>) dst(%dma_wait3A_234 : memref<128x64xf32, #tpu.memory_space<vmem>>)
      %dma_wait3A_240 = arith.constant 3 : i32
      %dma_wait3A_241 = arith.constant 0 : i32
      %dma_wait3A_242 = arith.constant 0 : i32
      %dma_wait3A_243 = tpu.memref_slice %arg13[%dma_wait3A_240, %dma_wait3A_241, %dma_wait3A_242] : memref<4x128x64xf32, #tpu.memory_space<vmem>> -> memref<1x128x64xf32, #tpu.memory_space<vmem>>
      %dma_wait3A_244 = tpu.memref_squeeze %dma_wait3A_243 : memref<1x128x64xf32, #tpu.memory_space<vmem>> -> memref<128x64xf32, #tpu.memory_space<vmem>>
      %dma_wait3A_245 = arith.constant 896 : i32
      %dma_wait3A_246 = tpu.memref_slice %arg9[%dma_wait3A_245] : memref<1792xi32, #tpu.memory_space<vmem>> -> memref<128xi32, #tpu.memory_space<vmem>>
      %dma_wait3A_247 = arith.constant 0 : i32
      %dma_wait3A_248 = arith.constant 0 : i32
      %dma_wait3A_249 = tpu.memref_slice %arg4[%dma_wait3A_247, %dma_wait3A_248] : memref<100000x64xf32, #tpu.memory_space<hbm>> -> memref<100000x64xf32, #tpu.memory_space<hbm>>
      tpu.wait_indirect_dma semaphore(%arg19 : memref<!tpu.dma_semaphore, #tpu.memory_space<semaphore_mem>>) src(%dma_wait3A_249 : memref<100000x64xf32, #tpu.memory_space<hbm>>) dst(%dma_wait3A_244 : memref<128x64xf32, #tpu.memory_space<vmem>>)
      %dma_wait3A_250 = arith.constant 0 : i32
      %dma_wait3A_251 = arith.constant 0 : i32
      %dma_wait3A_252 = arith.constant 0 : i32
      %dma_wait3A_253 = tpu.memref_slice %arg13[%dma_wait3A_250, %dma_wait3A_251, %dma_wait3A_252] : memref<4x128x64xf32, #tpu.memory_space<vmem>> -> memref<1x128x64xf32, #tpu.memory_space<vmem>>
      %dma_wait3A_254 = tpu.memref_squeeze %dma_wait3A_253 : memref<1x128x64xf32, #tpu.memory_space<vmem>> -> memref<128x64xf32, #tpu.memory_space<vmem>>
      %dma_wait3A_255 = arith.constant 1024 : i32
      %dma_wait3A_256 = tpu.memref_slice %arg9[%dma_wait3A_255] : memref<1792xi32, #tpu.memory_space<vmem>> -> memref<128xi32, #tpu.memory_space<vmem>>
      %dma_wait3A_257 = arith.constant 0 : i32
      %dma_wait3A_258 = arith.constant 0 : i32
      %dma_wait3A_259 = tpu.memref_slice %arg5[%dma_wait3A_257, %dma_wait3A_258] : memref<1000x64xf32, #tpu.memory_space<hbm>> -> memref<1000x64xf32, #tpu.memory_space<hbm>>
      tpu.wait_indirect_dma semaphore(%arg19 : memref<!tpu.dma_semaphore, #tpu.memory_space<semaphore_mem>>) src(%dma_wait3A_259 : memref<1000x64xf32, #tpu.memory_space<hbm>>) dst(%dma_wait3A_254 : memref<128x64xf32, #tpu.memory_space<vmem>>)
      %dma_wait3A_260 = arith.constant 1 : i32
      %dma_wait3A_261 = arith.constant 0 : i32
      %dma_wait3A_262 = arith.constant 0 : i32
      %dma_wait3A_263 = tpu.memref_slice %arg13[%dma_wait3A_260, %dma_wait3A_261, %dma_wait3A_262] : memref<4x128x64xf32, #tpu.memory_space<vmem>> -> memref<1x128x64xf32, #tpu.memory_space<vmem>>
      %dma_wait3A_264 = tpu.memref_squeeze %dma_wait3A_263 : memref<1x128x64xf32, #tpu.memory_space<vmem>> -> memref<128x64xf32, #tpu.memory_space<vmem>>
      %dma_wait3A_265 = arith.constant 1152 : i32
      %dma_wait3A_266 = tpu.memref_slice %arg9[%dma_wait3A_265] : memref<1792xi32, #tpu.memory_space<vmem>> -> memref<128xi32, #tpu.memory_space<vmem>>
      %dma_wait3A_267 = arith.constant 0 : i32
      %dma_wait3A_268 = arith.constant 0 : i32
      %dma_wait3A_269 = tpu.memref_slice %arg5[%dma_wait3A_267, %dma_wait3A_268] : memref<1000x64xf32, #tpu.memory_space<hbm>> -> memref<1000x64xf32, #tpu.memory_space<hbm>>
      tpu.wait_indirect_dma semaphore(%arg19 : memref<!tpu.dma_semaphore, #tpu.memory_space<semaphore_mem>>) src(%dma_wait3A_269 : memref<1000x64xf32, #tpu.memory_space<hbm>>) dst(%dma_wait3A_264 : memref<128x64xf32, #tpu.memory_space<vmem>>)
      %dma_wait3A_270 = arith.constant 2 : i32
      %dma_wait3A_271 = arith.constant 0 : i32
      %dma_wait3A_272 = arith.constant 0 : i32
      %dma_wait3A_273 = tpu.memref_slice %arg13[%dma_wait3A_270, %dma_wait3A_271, %dma_wait3A_272] : memref<4x128x64xf32, #tpu.memory_space<vmem>> -> memref<1x128x64xf32, #tpu.memory_space<vmem>>
      %dma_wait3A_274 = tpu.memref_squeeze %dma_wait3A_273 : memref<1x128x64xf32, #tpu.memory_space<vmem>> -> memref<128x64xf32, #tpu.memory_space<vmem>>
      %dma_wait3A_275 = arith.constant 1280 : i32
      %dma_wait3A_276 = tpu.memref_slice %arg9[%dma_wait3A_275] : memref<1792xi32, #tpu.memory_space<vmem>> -> memref<128xi32, #tpu.memory_space<vmem>>
      %dma_wait3A_277 = arith.constant 0 : i32
      %dma_wait3A_278 = arith.constant 0 : i32
      %dma_wait3A_279 = tpu.memref_slice %arg5[%dma_wait3A_277, %dma_wait3A_278] : memref<1000x64xf32, #tpu.memory_space<hbm>> -> memref<1000x64xf32, #tpu.memory_space<hbm>>
      tpu.wait_indirect_dma semaphore(%arg19 : memref<!tpu.dma_semaphore, #tpu.memory_space<semaphore_mem>>) src(%dma_wait3A_279 : memref<1000x64xf32, #tpu.memory_space<hbm>>) dst(%dma_wait3A_274 : memref<128x64xf32, #tpu.memory_space<vmem>>)
      %dma_wait3A_280 = arith.constant 3 : i32
      %dma_wait3A_281 = arith.constant 0 : i32
      %dma_wait3A_282 = arith.constant 0 : i32
      %dma_wait3A_283 = tpu.memref_slice %arg13[%dma_wait3A_280, %dma_wait3A_281, %dma_wait3A_282] : memref<4x128x64xf32, #tpu.memory_space<vmem>> -> memref<1x128x64xf32, #tpu.memory_space<vmem>>
      %dma_wait3A_284 = tpu.memref_squeeze %dma_wait3A_283 : memref<1x128x64xf32, #tpu.memory_space<vmem>> -> memref<128x64xf32, #tpu.memory_space<vmem>>
      %dma_wait3A_285 = arith.constant 1408 : i32
      %dma_wait3A_286 = tpu.memref_slice %arg9[%dma_wait3A_285] : memref<1792xi32, #tpu.memory_space<vmem>> -> memref<128xi32, #tpu.memory_space<vmem>>
      %dma_wait3A_287 = arith.constant 0 : i32
      %dma_wait3A_288 = arith.constant 0 : i32
      %dma_wait3A_289 = tpu.memref_slice %arg5[%dma_wait3A_287, %dma_wait3A_288] : memref<1000x64xf32, #tpu.memory_space<hbm>> -> memref<1000x64xf32, #tpu.memory_space<hbm>>
      tpu.wait_indirect_dma semaphore(%arg19 : memref<!tpu.dma_semaphore, #tpu.memory_space<semaphore_mem>>) src(%dma_wait3A_289 : memref<1000x64xf32, #tpu.memory_space<hbm>>) dst(%dma_wait3A_284 : memref<128x64xf32, #tpu.memory_space<vmem>>)
      %dma_wait3A_290 = arith.constant 1536 : i32
      %dma_wait3A_291 = tpu.memref_slice %arg9[%dma_wait3A_290] : memref<1792xi32, #tpu.memory_space<vmem>> -> memref<128xi32, #tpu.memory_space<vmem>>
      %dma_wait3A_292 = arith.constant 0 : i32
      %dma_wait3A_293 = arith.constant 0 : i32
      %dma_wait3A_294 = tpu.memref_slice %arg7[%dma_wait3A_292, %dma_wait3A_293] : memref<2048x64xf32, #tpu.memory_space<hbm>> -> memref<2048x64xf32, #tpu.memory_space<hbm>>
      tpu.wait_indirect_dma semaphore(%arg19 : memref<!tpu.dma_semaphore, #tpu.memory_space<semaphore_mem>>) src(%dma_wait3A_294 : memref<2048x64xf32, #tpu.memory_space<hbm>>) dst(%arg15 : memref<128x64xf32, #tpu.memory_space<vmem>>)
      %dma_wait3A_295 = arith.constant 1664 : i32
      %dma_wait3A_296 = tpu.memref_slice %arg9[%dma_wait3A_295] : memref<1792xi32, #tpu.memory_space<vmem>> -> memref<128xi32, #tpu.memory_space<vmem>>
      %dma_wait3A_297 = arith.constant 0 : i32
      %dma_wait3A_298 = arith.constant 0 : i32
      %dma_wait3A_299 = tpu.memref_slice %arg6[%dma_wait3A_297, %dma_wait3A_298] : memref<1000x64xf32, #tpu.memory_space<hbm>> -> memref<1000x64xf32, #tpu.memory_space<hbm>>
      tpu.wait_indirect_dma semaphore(%arg19 : memref<!tpu.dma_semaphore, #tpu.memory_space<semaphore_mem>>) src(%dma_wait3A_299 : memref<1000x64xf32, #tpu.memory_space<hbm>>) dst(%arg15 : memref<128x64xf32, #tpu.memory_space<vmem>>)
      %add3A_300 = arith.constant 2 : i32
      %add3A_301 = arith.addi %add3A_166, %add3A_300 : i32
      %lt3A_302 = arith.constant 50 : i32
      %lt3A_303 = arith.cmpi slt, %add3A_301, %lt3A_302 : i32
      %convert_element_type3A_304 = arith.extui %lt3A_303 : i1 to i32
      %cond3A_305 = arith.constant 0 : i32
      %cond3A_306 = arith.cmpi ne, %convert_element_type3A_304, %cond3A_305 : i32
      scf.if %cond3A_306 {
        %add3A_484 = arith.addi %mul3A_2, %add3A_166 : i32
        %add3A_485 = arith.constant 2 : i32
        %add3A_486 = arith.addi %add3A_484, %add3A_485 : i32
        %dma_start3A_487 = arith.constant 0 : i32
        %dma_start3A_488 = tpu.memref_slice %arg2[%add3A_486, %dma_start3A_487] : memref<1600x1792xi32, #tpu.memory_space<hbm>> -> memref<1x1792xi32, #tpu.memory_space<hbm>>
        %dma_start3A_489 = tpu.memref_squeeze %dma_start3A_488 : memref<1x1792xi32, #tpu.memory_space<hbm>> -> memref<1792xi32, #tpu.memory_space<hbm>>
        %dma_start3A_490 = arith.constant 0 : i32
        %dma_start3A_491 = tpu.memref_slice %arg2[%add3A_486, %dma_start3A_490] : memref<1600x1792xi32, #tpu.memory_space<hbm>> -> memref<1x1792xi32, #tpu.memory_space<hbm>>
        %dma_start3A_492 = tpu.memref_squeeze %dma_start3A_491 : memref<1x1792xi32, #tpu.memory_space<hbm>> -> memref<1792xi32, #tpu.memory_space<hbm>>
        tpu.enqueue_dma source(%dma_start3A_492 : memref<1792xi32, #tpu.memory_space<hbm>>) target(%arg9 : memref<1792xi32, #tpu.memory_space<vmem>>) target_semaphore(%arg18 : memref<!tpu.dma_semaphore, #tpu.memory_space<semaphore_mem>>)
      } else {
      }
      %iota3A_307 = tpu.iota {dimensions = array<i32: 0>} : vector<16xi32>
      %scan3A_308 = arith.constant 0 : i32
      %scan3A_309 = arith.constant 0 : i32
      %scan3A_310 = arith.constant 128 : i32
      %scan3A_311 = arith.addi %scan3A_309, %scan3A_310 : i32
      %scan3A_312 = arith.constant 1 : i32
      %scan3A_313 = scf.for %scan3A_484 = %scan3A_309 to %scan3A_311 step %scan3A_312 iter_args(%scan3A_485 = %scan3A_308) -> (i32)  : i32 {
        %mul3A_486 = arith.constant 4 : i32
        %mul3A_487 = arith.muli %scan3A_484, %mul3A_486 : i32
        %get3A = arith.index_cast %mul3A_487 : i32 to index
        %get3A_488 = tpu.vector_load %arg11[%get3A] {strides = array<i32>} : memref<528xf32, #tpu.memory_space<vmem>>, vector<16xf32>,
        %broadcast_in_dim3A_489 = arith.constant 0 : i32
        %broadcast_in_dim3A_490 = vector.broadcast %broadcast_in_dim3A_489 : i32 to vector<16xi32>
        %add3A_491 = vector.broadcast %scan3A_484 : i32 to vector<16xi32>
        %add3A_492 = arith.addi %broadcast_in_dim3A_490, %add3A_491 : vector<16xi32>
        %get3A_493 = arith.index_cast %scan3A_484 : i32 to index
        %get3A_494 = arith.constant 0 : index
        %get3A_495 = tpu.vector_load %arg15[%get3A_493, %get3A_494] {strides = array<i32>} : memref<128x64xf32, #tpu.memory_space<vmem>>, vector<16xf32>,
        %get3A_496 = arith.constant 0 : i32
        %get3A_497 = arith.index_cast %get3A_496 : i32 to index
        %get3A_498 = arith.index_cast %scan3A_484 : i32 to index
        %get3A_499 = arith.constant 0 : index
        %get3A_500 = tpu.vector_load %arg13[%get3A_497, %get3A_498, %get3A_499] {strides = array<i32>} : memref<4x128x64xf32, #tpu.memory_space<vmem>>, vector<16xf32>,
        %slice3A = vector.extract_strided_slice %get3A_488 {offsets = [0], sizes = [1], strides = [1]} : vector<16xf32> to vector<1xf32>
        %squeeze3A = vector.extract %slice3A[0] : f32 from vector<1xf32>
        %mul3A_501 = vector.broadcast %squeeze3A : f32 to vector<16xf32>
        %mul3A_502 = arith.mulf %get3A_500, %mul3A_501 : vector<16xf32>
        %add3A_503 = arith.addf %get3A_495, %mul3A_502 : vector<16xf32>
        %get3A_504 = arith.constant 1 : i32
        %get3A_505 = arith.index_cast %get3A_504 : i32 to index
        %get3A_506 = arith.index_cast %scan3A_484 : i32 to index
        %get3A_507 = arith.constant 0 : index
        %get3A_508 = tpu.vector_load %arg13[%get3A_505, %get3A_506, %get3A_507] {strides = array<i32>} : memref<4x128x64xf32, #tpu.memory_space<vmem>>, vector<16xf32>,
        %slice3A_509 = vector.extract_strided_slice %get3A_488 {offsets = [1], sizes = [1], strides = [1]} : vector<16xf32> to vector<1xf32>
        %squeeze3A_510 = vector.extract %slice3A_509[0] : f32 from vector<1xf32>
        %mul3A_511 = vector.broadcast %squeeze3A_510 : f32 to vector<16xf32>
        %mul3A_512 = arith.mulf %get3A_508, %mul3A_511 : vector<16xf32>
        %add3A_513 = arith.addf %add3A_503, %mul3A_512 : vector<16xf32>
        %get3A_514 = arith.constant 2 : i32
        %get3A_515 = arith.index_cast %get3A_514 : i32 to index
        %get3A_516 = arith.index_cast %scan3A_484 : i32 to index
        %get3A_517 = arith.constant 0 : index
        %get3A_518 = tpu.vector_load %arg13[%get3A_515, %get3A_516, %get3A_517] {strides = array<i32>} : memref<4x128x64xf32, #tpu.memory_space<vmem>>, vector<16xf32>,
        %slice3A_519 = vector.extract_strided_slice %get3A_488 {offsets = [2], sizes = [1], strides = [1]} : vector<16xf32> to vector<1xf32>
        %squeeze3A_520 = vector.extract %slice3A_519[0] : f32 from vector<1xf32>
        %mul3A_521 = vector.broadcast %squeeze3A_520 : f32 to vector<16xf32>
        %mul3A_522 = arith.mulf %get3A_518, %mul3A_521 : vector<16xf32>
        %add3A_523 = arith.addf %add3A_513, %mul3A_522 : vector<16xf32>
        %get3A_524 = arith.constant 3 : i32
        %get3A_525 = arith.index_cast %get3A_524 : i32 to index
        %get3A_526 = arith.index_cast %scan3A_484 : i32 to index
        %get3A_527 = arith.constant 0 : index
        %get3A_528 = tpu.vector_load %arg13[%get3A_525, %get3A_526, %get3A_527] {strides = array<i32>} : memref<4x128x64xf32, #tpu.memory_space<vmem>>, vector<16xf32>,
        %slice3A_529 = vector.extract_strided_slice %get3A_488 {offsets = [3], sizes = [1], strides = [1]} : vector<16xf32> to vector<1xf32>
        %squeeze3A_530 = vector.extract %slice3A_529[0] : f32 from vector<1xf32>
        %mul3A_531 = vector.broadcast %squeeze3A_530 : f32 to vector<16xf32>
        %mul3A_532 = arith.mulf %get3A_528, %mul3A_531 : vector<16xf32>
        %add3A_533 = arith.addf %add3A_523, %mul3A_532 : vector<16xf32>
        %add3A_534 = arith.constant 0 : i32
        %add3A_535 = vector.broadcast %add3A_534 : i32 to vector<16xi32>
        %add3A_536 = arith.addi %iota3A_307, %add3A_535 : vector<16xi32>
        tpu.vector_store_idx %arg17[%add3A_536, %add3A_492], %add3A_533 : memref<64x128xf32, #tpu.memory_space<vmem>>[vector<16xi32>, vector<16xi32>], vector<16xf32>,
        %get3A_537 = arith.index_cast %scan3A_484 : i32 to index
        %get3A_538 = arith.constant 16 : index
        %get3A_539 = tpu.vector_load %arg15[%get3A_537, %get3A_538] {strides = array<i32>} : memref<128x64xf32, #tpu.memory_space<vmem>>, vector<16xf32>,
        %get3A_540 = arith.constant 0 : i32
        %get3A_541 = arith.index_cast %get3A_540 : i32 to index
        %get3A_542 = arith.index_cast %scan3A_484 : i32 to index
        %get3A_543 = arith.constant 16 : index
        %get3A_544 = tpu.vector_load %arg13[%get3A_541, %get3A_542, %get3A_543] {strides = array<i32>} : memref<4x128x64xf32, #tpu.memory_space<vmem>>, vector<16xf32>,
        %slice3A_545 = vector.extract_strided_slice %get3A_488 {offsets = [0], sizes = [1], strides = [1]} : vector<16xf32> to vector<1xf32>
        %squeeze3A_546 = vector.extract %slice3A_545[0] : f32 from vector<1xf32>
        %mul3A_547 = vector.broadcast %squeeze3A_546 : f32 to vector<16xf32>
        %mul3A_548 = arith.mulf %get3A_544, %mul3A_547 : vector<16xf32>
        %add3A_549 = arith.addf %get3A_539, %mul3A_548 : vector<16xf32>
        %get3A_550 = arith.constant 1 : i32
        %get3A_551 = arith.index_cast %get3A_550 : i32 to index
        %get3A_552 = arith.index_cast %scan3A_484 : i32 to index
        %get3A_553 = arith.constant 16 : index
        %get3A_554 = tpu.vector_load %arg13[%get3A_551, %get3A_552, %get3A_553] {strides = array<i32>} : memref<4x128x64xf32, #tpu.memory_space<vmem>>, vector<16xf32>,
        %slice3A_555 = vector.extract_strided_slice %get3A_488 {offsets = [1], sizes = [1], strides = [1]} : vector<16xf32> to vector<1xf32>
        %squeeze3A_556 = vector.extract %slice3A_555[0] : f32 from vector<1xf32>
        %mul3A_557 = vector.broadcast %squeeze3A_556 : f32 to vector<16xf32>
        %mul3A_558 = arith.mulf %get3A_554, %mul3A_557 : vector<16xf32>
        %add3A_559 = arith.addf %add3A_549, %mul3A_558 : vector<16xf32>
        %get3A_560 = arith.constant 2 : i32
        %get3A_561 = arith.index_cast %get3A_560 : i32 to index
        %get3A_562 = arith.index_cast %scan3A_484 : i32 to index
        %get3A_563 = arith.constant 16 : index
        %get3A_564 = tpu.vector_load %arg13[%get3A_561, %get3A_562, %get3A_563] {strides = array<i32>} : memref<4x128x64xf32, #tpu.memory_space<vmem>>, vector<16xf32>,
        %slice3A_565 = vector.extract_strided_slice %get3A_488 {offsets = [2], sizes = [1], strides = [1]} : vector<16xf32> to vector<1xf32>
        %squeeze3A_566 = vector.extract %slice3A_565[0] : f32 from vector<1xf32>
        %mul3A_567 = vector.broadcast %squeeze3A_566 : f32 to vector<16xf32>
        %mul3A_568 = arith.mulf %get3A_564, %mul3A_567 : vector<16xf32>
        %add3A_569 = arith.addf %add3A_559, %mul3A_568 : vector<16xf32>
        %get3A_570 = arith.constant 3 : i32
        %get3A_571 = arith.index_cast %get3A_570 : i32 to index
        %get3A_572 = arith.index_cast %scan3A_484 : i32 to index
        %get3A_573 = arith.constant 16 : index
        %get3A_574 = tpu.vector_load %arg13[%get3A_571, %get3A_572, %get3A_573] {strides = array<i32>} : memref<4x128x64xf32, #tpu.memory_space<vmem>>, vector<16xf32>,
        %slice3A_575 = vector.extract_strided_slice %get3A_488 {offsets = [3], sizes = [1], strides = [1]} : vector<16xf32> to vector<1xf32>
        %squeeze3A_576 = vector.extract %slice3A_575[0] : f32 from vector<1xf32>
        %mul3A_577 = vector.broadcast %squeeze3A_576 : f32 to vector<16xf32>
        %mul3A_578 = arith.mulf %get3A_574, %mul3A_577 : vector<16xf32>
        %add3A_579 = arith.addf %add3A_569, %mul3A_578 : vector<16xf32>
        %add3A_580 = arith.constant 16 : i32
        %add3A_581 = vector.broadcast %add3A_580 : i32 to vector<16xi32>
        %add3A_582 = arith.addi %iota3A_307, %add3A_581 : vector<16xi32>
        tpu.vector_store_idx %arg17[%add3A_582, %add3A_492], %add3A_579 : memref<64x128xf32, #tpu.memory_space<vmem>>[vector<16xi32>, vector<16xi32>], vector<16xf32>,
        %get3A_583 = arith.index_cast %scan3A_484 : i32 to index
        %get3A_584 = arith.constant 32 : index
        %get3A_585 = tpu.vector_load %arg15[%get3A_583, %get3A_584] {strides = array<i32>} : memref<128x64xf32, #tpu.memory_space<vmem>>, vector<16xf32>,
        %get3A_586 = arith.constant 0 : i32
        %get3A_587 = arith.index_cast %get3A_586 : i32 to index
        %get3A_588 = arith.index_cast %scan3A_484 : i32 to index
        %get3A_589 = arith.constant 32 : index
        %get3A_590 = tpu.vector_load %arg13[%get3A_587, %get3A_588, %get3A_589] {strides = array<i32>} : memref<4x128x64xf32, #tpu.memory_space<vmem>>, vector<16xf32>,
        %slice3A_591 = vector.extract_strided_slice %get3A_488 {offsets = [0], sizes = [1], strides = [1]} : vector<16xf32> to vector<1xf32>
        %squeeze3A_592 = vector.extract %slice3A_591[0] : f32 from vector<1xf32>
        %mul3A_593 = vector.broadcast %squeeze3A_592 : f32 to vector<16xf32>
        %mul3A_594 = arith.mulf %get3A_590, %mul3A_593 : vector<16xf32>
        %add3A_595 = arith.addf %get3A_585, %mul3A_594 : vector<16xf32>
        %get3A_596 = arith.constant 1 : i32
        %get3A_597 = arith.index_cast %get3A_596 : i32 to index
        %get3A_598 = arith.index_cast %scan3A_484 : i32 to index
        %get3A_599 = arith.constant 32 : index
        %get3A_600 = tpu.vector_load %arg13[%get3A_597, %get3A_598, %get3A_599] {strides = array<i32>} : memref<4x128x64xf32, #tpu.memory_space<vmem>>, vector<16xf32>,
        %slice3A_601 = vector.extract_strided_slice %get3A_488 {offsets = [1], sizes = [1], strides = [1]} : vector<16xf32> to vector<1xf32>
        %squeeze3A_602 = vector.extract %slice3A_601[0] : f32 from vector<1xf32>
        %mul3A_603 = vector.broadcast %squeeze3A_602 : f32 to vector<16xf32>
        %mul3A_604 = arith.mulf %get3A_600, %mul3A_603 : vector<16xf32>
        %add3A_605 = arith.addf %add3A_595, %mul3A_604 : vector<16xf32>
        %get3A_606 = arith.constant 2 : i32
        %get3A_607 = arith.index_cast %get3A_606 : i32 to index
        %get3A_608 = arith.index_cast %scan3A_484 : i32 to index
        %get3A_609 = arith.constant 32 : index
        %get3A_610 = tpu.vector_load %arg13[%get3A_607, %get3A_608, %get3A_609] {strides = array<i32>} : memref<4x128x64xf32, #tpu.memory_space<vmem>>, vector<16xf32>,
        %slice3A_611 = vector.extract_strided_slice %get3A_488 {offsets = [2], sizes = [1], strides = [1]} : vector<16xf32> to vector<1xf32>
        %squeeze3A_612 = vector.extract %slice3A_611[0] : f32 from vector<1xf32>
        %mul3A_613 = vector.broadcast %squeeze3A_612 : f32 to vector<16xf32>
        %mul3A_614 = arith.mulf %get3A_610, %mul3A_613 : vector<16xf32>
        %add3A_615 = arith.addf %add3A_605, %mul3A_614 : vector<16xf32>
        %get3A_616 = arith.constant 3 : i32
        %get3A_617 = arith.index_cast %get3A_616 : i32 to index
        %get3A_618 = arith.index_cast %scan3A_484 : i32 to index
        %get3A_619 = arith.constant 32 : index
        %get3A_620 = tpu.vector_load %arg13[%get3A_617, %get3A_618, %get3A_619] {strides = array<i32>} : memref<4x128x64xf32, #tpu.memory_space<vmem>>, vector<16xf32>,
        %slice3A_621 = vector.extract_strided_slice %get3A_488 {offsets = [3], sizes = [1], strides = [1]} : vector<16xf32> to vector<1xf32>
        %squeeze3A_622 = vector.extract %slice3A_621[0] : f32 from vector<1xf32>
        %mul3A_623 = vector.broadcast %squeeze3A_622 : f32 to vector<16xf32>
        %mul3A_624 = arith.mulf %get3A_620, %mul3A_623 : vector<16xf32>
        %add3A_625 = arith.addf %add3A_615, %mul3A_624 : vector<16xf32>
        %add3A_626 = arith.constant 32 : i32
        %add3A_627 = vector.broadcast %add3A_626 : i32 to vector<16xi32>
        %add3A_628 = arith.addi %iota3A_307, %add3A_627 : vector<16xi32>
        tpu.vector_store_idx %arg17[%add3A_628, %add3A_492], %add3A_625 : memref<64x128xf32, #tpu.memory_space<vmem>>[vector<16xi32>, vector<16xi32>], vector<16xf32>,
        %get3A_629 = arith.index_cast %scan3A_484 : i32 to index
        %get3A_630 = arith.constant 48 : index
        %get3A_631 = tpu.vector_load %arg15[%get3A_629, %get3A_630] {strides = array<i32>} : memref<128x64xf32, #tpu.memory_space<vmem>>, vector<16xf32>,
        %get3A_632 = arith.constant 0 : i32
        %get3A_633 = arith.index_cast %get3A_632 : i32 to index
        %get3A_634 = arith.index_cast %scan3A_484 : i32 to index
        %get3A_635 = arith.constant 48 : index
        %get3A_636 = tpu.vector_load %arg13[%get3A_633, %get3A_634, %get3A_635] {strides = array<i32>} : memref<4x128x64xf32, #tpu.memory_space<vmem>>, vector<16xf32>,
        %slice3A_637 = vector.extract_strided_slice %get3A_488 {offsets = [0], sizes = [1], strides = [1]} : vector<16xf32> to vector<1xf32>
        %squeeze3A_638 = vector.extract %slice3A_637[0] : f32 from vector<1xf32>
        %mul3A_639 = vector.broadcast %squeeze3A_638 : f32 to vector<16xf32>
        %mul3A_640 = arith.mulf %get3A_636, %mul3A_639 : vector<16xf32>
        %add3A_641 = arith.addf %get3A_631, %mul3A_640 : vector<16xf32>
        %get3A_642 = arith.constant 1 : i32
        %get3A_643 = arith.index_cast %get3A_642 : i32 to index
        %get3A_644 = arith.index_cast %scan3A_484 : i32 to index
        %get3A_645 = arith.constant 48 : index
        %get3A_646 = tpu.vector_load %arg13[%get3A_643, %get3A_644, %get3A_645] {strides = array<i32>} : memref<4x128x64xf32, #tpu.memory_space<vmem>>, vector<16xf32>,
        %slice3A_647 = vector.extract_strided_slice %get3A_488 {offsets = [1], sizes = [1], strides = [1]} : vector<16xf32> to vector<1xf32>
        %squeeze3A_648 = vector.extract %slice3A_647[0] : f32 from vector<1xf32>
        %mul3A_649 = vector.broadcast %squeeze3A_648 : f32 to vector<16xf32>
        %mul3A_650 = arith.mulf %get3A_646, %mul3A_649 : vector<16xf32>
        %add3A_651 = arith.addf %add3A_641, %mul3A_650 : vector<16xf32>
        %get3A_652 = arith.constant 2 : i32
        %get3A_653 = arith.index_cast %get3A_652 : i32 to index
        %get3A_654 = arith.index_cast %scan3A_484 : i32 to index
        %get3A_655 = arith.constant 48 : index
        %get3A_656 = tpu.vector_load %arg13[%get3A_653, %get3A_654, %get3A_655] {strides = array<i32>} : memref<4x128x64xf32, #tpu.memory_space<vmem>>, vector<16xf32>,
        %slice3A_657 = vector.extract_strided_slice %get3A_488 {offsets = [2], sizes = [1], strides = [1]} : vector<16xf32> to vector<1xf32>
        %squeeze3A_658 = vector.extract %slice3A_657[0] : f32 from vector<1xf32>
        %mul3A_659 = vector.broadcast %squeeze3A_658 : f32 to vector<16xf32>
        %mul3A_660 = arith.mulf %get3A_656, %mul3A_659 : vector<16xf32>
        %add3A_661 = arith.addf %add3A_651, %mul3A_660 : vector<16xf32>
        %get3A_662 = arith.constant 3 : i32
        %get3A_663 = arith.index_cast %get3A_662 : i32 to index
        %get3A_664 = arith.index_cast %scan3A_484 : i32 to index
        %get3A_665 = arith.constant 48 : index
        %get3A_666 = tpu.vector_load %arg13[%get3A_663, %get3A_664, %get3A_665] {strides = array<i32>} : memref<4x128x64xf32, #tpu.memory_space<vmem>>, vector<16xf32>,
        %slice3A_667 = vector.extract_strided_slice %get3A_488 {offsets = [3], sizes = [1], strides = [1]} : vector<16xf32> to vector<1xf32>
        %squeeze3A_668 = vector.extract %slice3A_667[0] : f32 from vector<1xf32>
        %mul3A_669 = vector.broadcast %squeeze3A_668 : f32 to vector<16xf32>
        %mul3A_670 = arith.mulf %get3A_666, %mul3A_669 : vector<16xf32>
        %add3A_671 = arith.addf %add3A_661, %mul3A_670 : vector<16xf32>
        %add3A_672 = arith.constant 48 : i32
        %add3A_673 = vector.broadcast %add3A_672 : i32 to vector<16xi32>
        %add3A_674 = arith.addi %iota3A_307, %add3A_673 : vector<16xi32>
        tpu.vector_store_idx %arg17[%add3A_674, %add3A_492], %add3A_671 : memref<64x128xf32, #tpu.memory_space<vmem>>[vector<16xi32>, vector<16xi32>], vector<16xf32>,
        %scan3A_675 = arith.constant 0 : i32
        scf.yield %scan3A_675 : i32
      }
      %scan3A_314 = arith.constant 128 : i32
      %add3A_315 = arith.addi %mul3A_2, %add3A_166 : i32
      %shift_right_logical3A = arith.constant 3 : i32
      %shift_right_logical3A_316 = arith.shrui %add3A_315, %shift_right_logical3A : i32
      %and3A = arith.constant 7 : i32
      %and3A_317 = arith.andi %add3A_315, %and3A : i32
      %mul3A_318 = arith.constant 128 : i32
      %mul3A_319 = arith.muli %and3A_317, %mul3A_318 : i32
      "tpu.region"() ({
        %run_scoped3A = tpu.sem_alloc : memref<!tpu.dma_semaphore, #tpu.memory_space<semaphore_mem>>
        %dma_start3A_484 = arith.constant 0 : i32
        %dma_start3A_485 = tpu.memref_slice %arg8[%shift_right_logical3A_316, %dma_start3A_484, %mul3A_319] : memref<200x64x1024xf32, #tpu.memory_space<hbm>> -> memref<1x64x128xf32, #tpu.memory_space<hbm>>
        %dma_start3A_486 = tpu.memref_squeeze %dma_start3A_485 : memref<1x64x128xf32, #tpu.memory_space<hbm>> -> memref<64x128xf32, #tpu.memory_space<hbm>>
        %dma_start3A_487 = arith.constant 0 : i32
        %dma_start3A_488 = tpu.memref_slice %arg8[%shift_right_logical3A_316, %dma_start3A_487, %mul3A_319] : memref<200x64x1024xf32, #tpu.memory_space<hbm>> -> memref<1x64x128xf32, #tpu.memory_space<hbm>>
        %dma_start3A_489 = tpu.memref_squeeze %dma_start3A_488 : memref<1x64x128xf32, #tpu.memory_space<hbm>> -> memref<64x128xf32, #tpu.memory_space<hbm>>
        tpu.enqueue_dma source(%arg17 : memref<64x128xf32, #tpu.memory_space<vmem>>) target(%dma_start3A_489 : memref<64x128xf32, #tpu.memory_space<hbm>>) target_semaphore(%run_scoped3A : memref<!tpu.dma_semaphore, #tpu.memory_space<semaphore_mem>>)
        %dma_wait3A_490 = arith.constant 0 : i32
        %dma_wait3A_491 = tpu.memref_slice %arg8[%shift_right_logical3A_316, %dma_wait3A_490, %mul3A_319] : memref<200x64x1024xf32, #tpu.memory_space<hbm>> -> memref<1x64x128xf32, #tpu.memory_space<hbm>>
        %dma_wait3A_492 = tpu.memref_squeeze %dma_wait3A_491 : memref<1x64x128xf32, #tpu.memory_space<hbm>> -> memref<64x128xf32, #tpu.memory_space<hbm>>
        %dma_wait3A_493 = arith.constant 0 : i32
        %dma_wait3A_494 = tpu.memref_slice %arg8[%shift_right_logical3A_316, %dma_wait3A_493, %mul3A_319] : memref<200x64x1024xf32, #tpu.memory_space<hbm>> -> memref<1x64x128xf32, #tpu.memory_space<hbm>>
        %dma_wait3A_495 = tpu.memref_squeeze %dma_wait3A_494 : memref<1x64x128xf32, #tpu.memory_space<hbm>> -> memref<64x128xf32, #tpu.memory_space<hbm>>
        tpu.wait_dma2 semaphore(%run_scoped3A : memref<!tpu.dma_semaphore, #tpu.memory_space<semaphore_mem>>) src(%arg17 : memref<64x128xf32, #tpu.memory_space<vmem>>) dst(%dma_wait3A_495 : memref<64x128xf32, #tpu.memory_space<hbm>>)
        tpu.yield
      }) : () -> ()
      %mul3A_320 = arith.constant 2 : i32
      %mul3A_321 = arith.muli %scan3A_161, %mul3A_320 : i32
      %add3A_322 = arith.constant 1 : i32
      %add3A_323 = arith.addi %mul3A_321, %add3A_322 : i32
      %add3A_324 = arith.constant 1 : i32
      %add3A_325 = arith.addi %add3A_323, %add3A_324 : i32
      %lt3A_326 = arith.constant 50 : i32
      %lt3A_327 = arith.cmpi slt, %add3A_325, %lt3A_326 : i32
      %convert_element_type3A_328 = arith.extui %lt3A_327 : i1 to i32
      %cond3A_329 = arith.constant 0 : i32
      %cond3A_330 = arith.cmpi ne, %convert_element_type3A_328, %cond3A_329 : i32
      scf.if %cond3A_330 {
        %add3A_484 = arith.addi %mul3A_2, %add3A_323 : i32
        %add3A_485 = arith.constant 1 : i32
        %add3A_486 = arith.addi %add3A_484, %add3A_485 : i32
        %dma_wait3A_487 = arith.constant 0 : i32
        %dma_wait3A_488 = tpu.memref_slice %arg2[%add3A_486, %dma_wait3A_487] : memref<1600x1792xi32, #tpu.memory_space<hbm>> -> memref<1x1792xi32, #tpu.memory_space<hbm>>
        %dma_wait3A_489 = tpu.memref_squeeze %dma_wait3A_488 : memref<1x1792xi32, #tpu.memory_space<hbm>> -> memref<1792xi32, #tpu.memory_space<hbm>>
        %dma_wait3A_490 = arith.constant 0 : i32
        %dma_wait3A_491 = tpu.memref_slice %arg2[%add3A_486, %dma_wait3A_490] : memref<1600x1792xi32, #tpu.memory_space<hbm>> -> memref<1x1792xi32, #tpu.memory_space<hbm>>
        %dma_wait3A_492 = tpu.memref_squeeze %dma_wait3A_491 : memref<1x1792xi32, #tpu.memory_space<hbm>> -> memref<1792xi32, #tpu.memory_space<hbm>>
        tpu.wait_dma2 semaphore(%arg18 : memref<!tpu.dma_semaphore, #tpu.memory_space<semaphore_mem>>) src(%dma_wait3A_492 : memref<1792xi32, #tpu.memory_space<hbm>>) dst(%arg9 : memref<1792xi32, #tpu.memory_space<vmem>>)
        %iota3A_493 = tpu.iota {dimensions = array<i32: 0>} : vector<16xi32>
        %scan3A_494 = arith.constant 0 : i32
        %scan3A_495 = arith.constant 0 : i32
        %scan3A_496 = arith.constant 8 : i32
        %scan3A_497 = arith.addi %scan3A_495, %scan3A_496 : i32
        %scan3A_498 = arith.constant 1 : i32
        %scan3A_499 = scf.for %scan3A_640 = %scan3A_495 to %scan3A_497 step %scan3A_498 iter_args(%scan3A_641 = %scan3A_494) -> (i32)  : i32 {
          %broadcast_in_dim3A_642 = arith.constant 0.000000e+00 : f32
          %broadcast_in_dim3A_643 = vector.broadcast %broadcast_in_dim3A_642 : f32 to vector<16xf32>
          %mul3A_644 = arith.constant 16 : i32
          %mul3A_645 = arith.muli %scan3A_640, %mul3A_644 : i32
          %add3A_646 = arith.constant 0 : i32
          %add3A_647 = arith.addi %add3A_646, %mul3A_645 : i32
          %get3A = arith.index_cast %add3A_647 : i32 to index
          %get3A_648 = tpu.vector_load %arg9[%get3A] {strides = array<i32>} : memref<1792xi32, #tpu.memory_space<vmem>>, vector<16xi32>,
          %ne3A = arith.constant 0 : i32
          %ne3A_649 = vector.broadcast %ne3A : i32 to vector<16xi32>
          %ne3A_650 = arith.cmpi ne, %get3A_648, %ne3A_649 : vector<16xi32>
          %jit3A = arith.constant 1.000000e+00 : f32
          %jit3A_651 = arith.constant 0.000000e+00 : f32
          %broadcast_in_dim3A_652 = vector.broadcast %jit3A : f32 to vector<16xf32>
          %broadcast_in_dim3A_653 = vector.broadcast %jit3A_651 : f32 to vector<16xf32>
          %select_n3A = arith.select %ne3A_650, %broadcast_in_dim3A_652, %broadcast_in_dim3A_653 : vector<16xi1>, vector<16xf32>
          %add3A_654 = arith.addf %broadcast_in_dim3A_643, %select_n3A : vector<16xf32>
          %mul3A_655 = arith.constant 16 : i32
          %mul3A_656 = arith.muli %scan3A_640, %mul3A_655 : i32
          %add3A_657 = arith.constant 128 : i32
          %add3A_658 = arith.addi %add3A_657, %mul3A_656 : i32
          %get3A_659 = arith.index_cast %add3A_658 : i32 to index
          %get3A_660 = tpu.vector_load %arg9[%get3A_659] {strides = array<i32>} : memref<1792xi32, #tpu.memory_space<vmem>>, vector<16xi32>,
          %ne3A_661 = arith.constant 0 : i32
          %ne3A_662 = vector.broadcast %ne3A_661 : i32 to vector<16xi32>
          %ne3A_663 = arith.cmpi ne, %get3A_660, %ne3A_662 : vector<16xi32>
          %jit3A_664 = arith.constant 1.000000e+00 : f32
          %jit3A_665 = arith.constant 0.000000e+00 : f32
          %broadcast_in_dim3A_666 = vector.broadcast %jit3A_664 : f32 to vector<16xf32>
          %broadcast_in_dim3A_667 = vector.broadcast %jit3A_665 : f32 to vector<16xf32>
          %select_n3A_668 = arith.select %ne3A_663, %broadcast_in_dim3A_666, %broadcast_in_dim3A_667 : vector<16xi1>, vector<16xf32>
          %add3A_669 = arith.addf %add3A_654, %select_n3A_668 : vector<16xf32>
          %mul3A_670 = arith.constant 16 : i32
          %mul3A_671 = arith.muli %scan3A_640, %mul3A_670 : i32
          %add3A_672 = arith.constant 256 : i32
          %add3A_673 = arith.addi %add3A_672, %mul3A_671 : i32
          %get3A_674 = arith.index_cast %add3A_673 : i32 to index
          %get3A_675 = tpu.vector_load %arg9[%get3A_674] {strides = array<i32>} : memref<1792xi32, #tpu.memory_space<vmem>>, vector<16xi32>,
          %ne3A_676 = arith.constant 0 : i32
          %ne3A_677 = vector.broadcast %ne3A_676 : i32 to vector<16xi32>
          %ne3A_678 = arith.cmpi ne, %get3A_675, %ne3A_677 : vector<16xi32>
          %jit3A_679 = arith.constant 1.000000e+00 : f32
          %jit3A_680 = arith.constant 0.000000e+00 : f32
          %broadcast_in_dim3A_681 = vector.broadcast %jit3A_679 : f32 to vector<16xf32>
          %broadcast_in_dim3A_682 = vector.broadcast %jit3A_680 : f32 to vector<16xf32>
          %select_n3A_683 = arith.select %ne3A_678, %broadcast_in_dim3A_681, %broadcast_in_dim3A_682 : vector<16xi1>, vector<16xf32>
          %add3A_684 = arith.addf %add3A_669, %select_n3A_683 : vector<16xf32>
          %mul3A_685 = arith.constant 16 : i32
          %mul3A_686 = arith.muli %scan3A_640, %mul3A_685 : i32
          %add3A_687 = arith.constant 384 : i32
          %add3A_688 = arith.addi %add3A_687, %mul3A_686 : i32
          %get3A_689 = arith.index_cast %add3A_688 : i32 to index
          %get3A_690 = tpu.vector_load %arg9[%get3A_689] {strides = array<i32>} : memref<1792xi32, #tpu.memory_space<vmem>>, vector<16xi32>,
          %ne3A_691 = arith.constant 0 : i32
          %ne3A_692 = vector.broadcast %ne3A_691 : i32 to vector<16xi32>
          %ne3A_693 = arith.cmpi ne, %get3A_690, %ne3A_692 : vector<16xi32>
          %jit3A_694 = arith.constant 1.000000e+00 : f32
          %jit3A_695 = arith.constant 0.000000e+00 : f32
          %broadcast_in_dim3A_696 = vector.broadcast %jit3A_694 : f32 to vector<16xf32>
          %broadcast_in_dim3A_697 = vector.broadcast %jit3A_695 : f32 to vector<16xf32>
          %select_n3A_698 = arith.select %ne3A_693, %broadcast_in_dim3A_696, %broadcast_in_dim3A_697 : vector<16xi1>, vector<16xf32>
          %add3A_699 = arith.addf %add3A_684, %select_n3A_698 : vector<16xf32>
          %max3A = arith.constant 1.000000e+00 : f32
          %max3A_700 = vector.broadcast %max3A : f32 to vector<16xf32>
          %max3A_701 = arith.maximumf %add3A_699, %max3A_700 : vector<16xf32>
          %div3A = arith.constant 1.000000e+00 : f32
          %div3A_702 = vector.broadcast %div3A : f32 to vector<16xf32>
          %div3A_703 = arith.divf %div3A_702, %max3A_701 : vector<16xf32>
          %mul3A_704 = arith.constant 16 : i32
          %mul3A_705 = arith.muli %scan3A_640, %mul3A_704 : i32
          %add3A_706 = vector.broadcast %mul3A_705 : i32 to vector<16xi32>
          %add3A_707 = arith.addi %iota3A_493, %add3A_706 : vector<16xi32>
          %mul3A_708 = arith.constant 4 : i32
          %mul3A_709 = vector.broadcast %mul3A_708 : i32 to vector<16xi32>
          %mul3A_710 = arith.muli %add3A_707, %mul3A_709 : vector<16xi32>
          %add3A_711 = arith.constant 0 : i32
          %add3A_712 = vector.broadcast %add3A_711 : i32 to vector<16xi32>
          %add3A_713 = arith.addi %mul3A_710, %add3A_712 : vector<16xi32>
          %mul3A_714 = arith.mulf %select_n3A, %div3A_703 : vector<16xf32>
          tpu.vector_store_idx %arg11[%add3A_713], %mul3A_714 : memref<528xf32, #tpu.memory_space<vmem>>[vector<16xi32>], vector<16xf32>,
          %add3A_715 = arith.constant 1 : i32
          %add3A_716 = vector.broadcast %add3A_715 : i32 to vector<16xi32>
          %add3A_717 = arith.addi %mul3A_710, %add3A_716 : vector<16xi32>
          %mul3A_718 = arith.mulf %select_n3A_668, %div3A_703 : vector<16xf32>
          tpu.vector_store_idx %arg11[%add3A_717], %mul3A_718 : memref<528xf32, #tpu.memory_space<vmem>>[vector<16xi32>], vector<16xf32>,
          %add3A_719 = arith.constant 2 : i32
          %add3A_720 = vector.broadcast %add3A_719 : i32 to vector<16xi32>
          %add3A_721 = arith.addi %mul3A_710, %add3A_720 : vector<16xi32>
          %mul3A_722 = arith.mulf %select_n3A_683, %div3A_703 : vector<16xf32>
          tpu.vector_store_idx %arg11[%add3A_721], %mul3A_722 : memref<528xf32, #tpu.memory_space<vmem>>[vector<16xi32>], vector<16xf32>,
          %add3A_723 = arith.constant 3 : i32
          %add3A_724 = vector.broadcast %add3A_723 : i32 to vector<16xi32>
          %add3A_725 = arith.addi %mul3A_710, %add3A_724 : vector<16xi32>
          %mul3A_726 = arith.mulf %select_n3A_698, %div3A_703 : vector<16xf32>
          tpu.vector_store_idx %arg11[%add3A_725], %mul3A_726 : memref<528xf32, #tpu.memory_space<vmem>>[vector<16xi32>], vector<16xf32>,
          %scan3A_727 = arith.constant 0 : i32
          scf.yield %scan3A_727 : i32
        }
        %scan3A_500 = arith.constant 8 : i32
        %broadcast_in_dim3A_501 = arith.constant 0.000000e+00 : f32
        %broadcast_in_dim3A_502 = vector.broadcast %broadcast_in_dim3A_501 : f32 to vector<16xf32>
        %scan3A_503 = arith.constant 0 : i32
        %scan3A_504 = arith.constant 0 : i32
        %scan3A_505 = arith.constant 128 : i32
        %scan3A_506 = arith.addi %scan3A_504, %scan3A_505 : i32
        %scan3A_507 = arith.constant 1 : i32
        %scan3A_508 = scf.for %scan3A_640 = %scan3A_504 to %scan3A_506 step %scan3A_507 iter_args(%scan3A_641 = %scan3A_503) -> (i32)  : i32 {
          %swap3A = arith.constant 0 : i32
          %swap3A_642 = arith.index_cast %swap3A : i32 to index
          %swap3A_643 = arith.index_cast %scan3A_640 : i32 to index
          %swap3A_644 = arith.constant 0 : index
          %swap3A_645 = tpu.vector_load %arg13[%swap3A_642, %swap3A_643, %swap3A_644] {strides = array<i32>} : memref<4x128x64xf32, #tpu.memory_space<vmem>>, vector<16xf32>,
          tpu.vector_store %arg13[%swap3A_642, %swap3A_643, %swap3A_644], %broadcast_in_dim3A_502 {strides = array<i32>} : memref<4x128x64xf32, #tpu.memory_space<vmem>>, vector<16xf32>,
          %swap3A_646 = arith.constant 1 : i32
          %swap3A_647 = arith.index_cast %swap3A_646 : i32 to index
          %swap3A_648 = arith.index_cast %scan3A_640 : i32 to index
          %swap3A_649 = arith.constant 0 : index
          %swap3A_650 = tpu.vector_load %arg13[%swap3A_647, %swap3A_648, %swap3A_649] {strides = array<i32>} : memref<4x128x64xf32, #tpu.memory_space<vmem>>, vector<16xf32>,
          tpu.vector_store %arg13[%swap3A_647, %swap3A_648, %swap3A_649], %broadcast_in_dim3A_502 {strides = array<i32>} : memref<4x128x64xf32, #tpu.memory_space<vmem>>, vector<16xf32>,
          %swap3A_651 = arith.constant 2 : i32
          %swap3A_652 = arith.index_cast %swap3A_651 : i32 to index
          %swap3A_653 = arith.index_cast %scan3A_640 : i32 to index
          %swap3A_654 = arith.constant 0 : index
          %swap3A_655 = tpu.vector_load %arg13[%swap3A_652, %swap3A_653, %swap3A_654] {strides = array<i32>} : memref<4x128x64xf32, #tpu.memory_space<vmem>>, vector<16xf32>,
          tpu.vector_store %arg13[%swap3A_652, %swap3A_653, %swap3A_654], %broadcast_in_dim3A_502 {strides = array<i32>} : memref<4x128x64xf32, #tpu.memory_space<vmem>>, vector<16xf32>,
          %swap3A_656 = arith.constant 3 : i32
          %swap3A_657 = arith.index_cast %swap3A_656 : i32 to index
          %swap3A_658 = arith.index_cast %scan3A_640 : i32 to index
          %swap3A_659 = arith.constant 0 : index
          %swap3A_660 = tpu.vector_load %arg13[%swap3A_657, %swap3A_658, %swap3A_659] {strides = array<i32>} : memref<4x128x64xf32, #tpu.memory_space<vmem>>, vector<16xf32>,
          tpu.vector_store %arg13[%swap3A_657, %swap3A_658, %swap3A_659], %broadcast_in_dim3A_502 {strides = array<i32>} : memref<4x128x64xf32, #tpu.memory_space<vmem>>, vector<16xf32>,
          %swap3A_661 = arith.index_cast %scan3A_640 : i32 to index
          %swap3A_662 = arith.constant 0 : index
          %swap3A_663 = tpu.vector_load %arg15[%swap3A_661, %swap3A_662] {strides = array<i32>} : memref<128x64xf32, #tpu.memory_space<vmem>>, vector<16xf32>,
          tpu.vector_store %arg15[%swap3A_661, %swap3A_662], %broadcast_in_dim3A_502 {strides = array<i32>} : memref<128x64xf32, #tpu.memory_space<vmem>>, vector<16xf32>,
          %swap3A_664 = arith.constant 0 : i32
          %swap3A_665 = arith.index_cast %swap3A_664 : i32 to index
          %swap3A_666 = arith.index_cast %scan3A_640 : i32 to index
          %swap3A_667 = arith.constant 16 : index
          %swap3A_668 = tpu.vector_load %arg13[%swap3A_665, %swap3A_666, %swap3A_667] {strides = array<i32>} : memref<4x128x64xf32, #tpu.memory_space<vmem>>, vector<16xf32>,
          tpu.vector_store %arg13[%swap3A_665, %swap3A_666, %swap3A_667], %broadcast_in_dim3A_502 {strides = array<i32>} : memref<4x128x64xf32, #tpu.memory_space<vmem>>, vector<16xf32>,
          %swap3A_669 = arith.constant 1 : i32
          %swap3A_670 = arith.index_cast %swap3A_669 : i32 to index
          %swap3A_671 = arith.index_cast %scan3A_640 : i32 to index
          %swap3A_672 = arith.constant 16 : index
          %swap3A_673 = tpu.vector_load %arg13[%swap3A_670, %swap3A_671, %swap3A_672] {strides = array<i32>} : memref<4x128x64xf32, #tpu.memory_space<vmem>>, vector<16xf32>,
          tpu.vector_store %arg13[%swap3A_670, %swap3A_671, %swap3A_672], %broadcast_in_dim3A_502 {strides = array<i32>} : memref<4x128x64xf32, #tpu.memory_space<vmem>>, vector<16xf32>,
          %swap3A_674 = arith.constant 2 : i32
          %swap3A_675 = arith.index_cast %swap3A_674 : i32 to index
          %swap3A_676 = arith.index_cast %scan3A_640 : i32 to index
          %swap3A_677 = arith.constant 16 : index
          %swap3A_678 = tpu.vector_load %arg13[%swap3A_675, %swap3A_676, %swap3A_677] {strides = array<i32>} : memref<4x128x64xf32, #tpu.memory_space<vmem>>, vector<16xf32>,
          tpu.vector_store %arg13[%swap3A_675, %swap3A_676, %swap3A_677], %broadcast_in_dim3A_502 {strides = array<i32>} : memref<4x128x64xf32, #tpu.memory_space<vmem>>, vector<16xf32>,
          %swap3A_679 = arith.constant 3 : i32
          %swap3A_680 = arith.index_cast %swap3A_679 : i32 to index
          %swap3A_681 = arith.index_cast %scan3A_640 : i32 to index
          %swap3A_682 = arith.constant 16 : index
          %swap3A_683 = tpu.vector_load %arg13[%swap3A_680, %swap3A_681, %swap3A_682] {strides = array<i32>} : memref<4x128x64xf32, #tpu.memory_space<vmem>>, vector<16xf32>,
          tpu.vector_store %arg13[%swap3A_680, %swap3A_681, %swap3A_682], %broadcast_in_dim3A_502 {strides = array<i32>} : memref<4x128x64xf32, #tpu.memory_space<vmem>>, vector<16xf32>,
          %swap3A_684 = arith.index_cast %scan3A_640 : i32 to index
          %swap3A_685 = arith.constant 16 : index
          %swap3A_686 = tpu.vector_load %arg15[%swap3A_684, %swap3A_685] {strides = array<i32>} : memref<128x64xf32, #tpu.memory_space<vmem>>, vector<16xf32>,
          tpu.vector_store %arg15[%swap3A_684, %swap3A_685], %broadcast_in_dim3A_502 {strides = array<i32>} : memref<128x64xf32, #tpu.memory_space<vmem>>, vector<16xf32>,
          %swap3A_687 = arith.constant 0 : i32
          %swap3A_688 = arith.index_cast %swap3A_687 : i32 to index
          %swap3A_689 = arith.index_cast %scan3A_640 : i32 to index
          %swap3A_690 = arith.constant 32 : index
          %swap3A_691 = tpu.vector_load %arg13[%swap3A_688, %swap3A_689, %swap3A_690] {strides = array<i32>} : memref<4x128x64xf32, #tpu.memory_space<vmem>>, vector<16xf32>,
          tpu.vector_store %arg13[%swap3A_688, %swap3A_689, %swap3A_690], %broadcast_in_dim3A_502 {strides = array<i32>} : memref<4x128x64xf32, #tpu.memory_space<vmem>>, vector<16xf32>,
          %swap3A_692 = arith.constant 1 : i32
          %swap3A_693 = arith.index_cast %swap3A_692 : i32 to index
          %swap3A_694 = arith.index_cast %scan3A_640 : i32 to index
          %swap3A_695 = arith.constant 32 : index
          %swap3A_696 = tpu.vector_load %arg13[%swap3A_693, %swap3A_694, %swap3A_695] {strides = array<i32>} : memref<4x128x64xf32, #tpu.memory_space<vmem>>, vector<16xf32>,
          tpu.vector_store %arg13[%swap3A_693, %swap3A_694, %swap3A_695], %broadcast_in_dim3A_502 {strides = array<i32>} : memref<4x128x64xf32, #tpu.memory_space<vmem>>, vector<16xf32>,
          %swap3A_697 = arith.constant 2 : i32
          %swap3A_698 = arith.index_cast %swap3A_697 : i32 to index
          %swap3A_699 = arith.index_cast %scan3A_640 : i32 to index
          %swap3A_700 = arith.constant 32 : index
          %swap3A_701 = tpu.vector_load %arg13[%swap3A_698, %swap3A_699, %swap3A_700] {strides = array<i32>} : memref<4x128x64xf32, #tpu.memory_space<vmem>>, vector<16xf32>,
          tpu.vector_store %arg13[%swap3A_698, %swap3A_699, %swap3A_700], %broadcast_in_dim3A_502 {strides = array<i32>} : memref<4x128x64xf32, #tpu.memory_space<vmem>>, vector<16xf32>,
          %swap3A_702 = arith.constant 3 : i32
          %swap3A_703 = arith.index_cast %swap3A_702 : i32 to index
          %swap3A_704 = arith.index_cast %scan3A_640 : i32 to index
          %swap3A_705 = arith.constant 32 : index
          %swap3A_706 = tpu.vector_load %arg13[%swap3A_703, %swap3A_704, %swap3A_705] {strides = array<i32>} : memref<4x128x64xf32, #tpu.memory_space<vmem>>, vector<16xf32>,
          tpu.vector_store %arg13[%swap3A_703, %swap3A_704, %swap3A_705], %broadcast_in_dim3A_502 {strides = array<i32>} : memref<4x128x64xf32, #tpu.memory_space<vmem>>, vector<16xf32>,
          %swap3A_707 = arith.index_cast %scan3A_640 : i32 to index
          %swap3A_708 = arith.constant 32 : index
          %swap3A_709 = tpu.vector_load %arg15[%swap3A_707, %swap3A_708] {strides = array<i32>} : memref<128x64xf32, #tpu.memory_space<vmem>>, vector<16xf32>,
          tpu.vector_store %arg15[%swap3A_707, %swap3A_708], %broadcast_in_dim3A_502 {strides = array<i32>} : memref<128x64xf32, #tpu.memory_space<vmem>>, vector<16xf32>,
          %swap3A_710 = arith.constant 0 : i32
          %swap3A_711 = arith.index_cast %swap3A_710 : i32 to index
          %swap3A_712 = arith.index_cast %scan3A_640 : i32 to index
          %swap3A_713 = arith.constant 48 : index
          %swap3A_714 = tpu.vector_load %arg13[%swap3A_711, %swap3A_712, %swap3A_713] {strides = array<i32>} : memref<4x128x64xf32, #tpu.memory_space<vmem>>, vector<16xf32>,
          tpu.vector_store %arg13[%swap3A_711, %swap3A_712, %swap3A_713], %broadcast_in_dim3A_502 {strides = array<i32>} : memref<4x128x64xf32, #tpu.memory_space<vmem>>, vector<16xf32>,
          %swap3A_715 = arith.constant 1 : i32
          %swap3A_716 = arith.index_cast %swap3A_715 : i32 to index
          %swap3A_717 = arith.index_cast %scan3A_640 : i32 to index
          %swap3A_718 = arith.constant 48 : index
          %swap3A_719 = tpu.vector_load %arg13[%swap3A_716, %swap3A_717, %swap3A_718] {strides = array<i32>} : memref<4x128x64xf32, #tpu.memory_space<vmem>>, vector<16xf32>,
          tpu.vector_store %arg13[%swap3A_716, %swap3A_717, %swap3A_718], %broadcast_in_dim3A_502 {strides = array<i32>} : memref<4x128x64xf32, #tpu.memory_space<vmem>>, vector<16xf32>,
          %swap3A_720 = arith.constant 2 : i32
          %swap3A_721 = arith.index_cast %swap3A_720 : i32 to index
          %swap3A_722 = arith.index_cast %scan3A_640 : i32 to index
          %swap3A_723 = arith.constant 48 : index
          %swap3A_724 = tpu.vector_load %arg13[%swap3A_721, %swap3A_722, %swap3A_723] {strides = array<i32>} : memref<4x128x64xf32, #tpu.memory_space<vmem>>, vector<16xf32>,
          tpu.vector_store %arg13[%swap3A_721, %swap3A_722, %swap3A_723], %broadcast_in_dim3A_502 {strides = array<i32>} : memref<4x128x64xf32, #tpu.memory_space<vmem>>, vector<16xf32>,
          %swap3A_725 = arith.constant 3 : i32
          %swap3A_726 = arith.index_cast %swap3A_725 : i32 to index
          %swap3A_727 = arith.index_cast %scan3A_640 : i32 to index
          %swap3A_728 = arith.constant 48 : index
          %swap3A_729 = tpu.vector_load %arg13[%swap3A_726, %swap3A_727, %swap3A_728] {strides = array<i32>} : memref<4x128x64xf32, #tpu.memory_space<vmem>>, vector<16xf32>,
          tpu.vector_store %arg13[%swap3A_726, %swap3A_727, %swap3A_728], %broadcast_in_dim3A_502 {strides = array<i32>} : memref<4x128x64xf32, #tpu.memory_space<vmem>>, vector<16xf32>,
          %swap3A_730 = arith.index_cast %scan3A_640 : i32 to index
          %swap3A_731 = arith.constant 48 : index
          %swap3A_732 = tpu.vector_load %arg15[%swap3A_730, %swap3A_731] {strides = array<i32>} : memref<128x64xf32, #tpu.memory_space<vmem>>, vector<16xf32>,
          tpu.vector_store %arg15[%swap3A_730, %swap3A_731], %broadcast_in_dim3A_502 {strides = array<i32>} : memref<128x64xf32, #tpu.memory_space<vmem>>, vector<16xf32>,
          %scan3A_733 = arith.constant 0 : i32
          scf.yield %scan3A_733 : i32
        }
        %scan3A_509 = arith.constant 128 : i32
        %dma_start3A_510 = arith.constant 0 : i32
        %dma_start3A_511 = arith.constant 0 : i32
        %dma_start3A_512 = arith.constant 0 : i32
        %dma_start3A_513 = tpu.memref_slice %arg13[%dma_start3A_510, %dma_start3A_511, %dma_start3A_512] : memref<4x128x64xf32, #tpu.memory_space<vmem>> -> memref<1x128x64xf32, #tpu.memory_space<vmem>>
        %dma_start3A_514 = tpu.memref_squeeze %dma_start3A_513 : memref<1x128x64xf32, #tpu.memory_space<vmem>> -> memref<128x64xf32, #tpu.memory_space<vmem>>
        %dma_start3A_515 = arith.constant 0 : i32
        %dma_start3A_516 = tpu.memref_slice %arg9[%dma_start3A_515] : memref<1792xi32, #tpu.memory_space<vmem>> -> memref<128xi32, #tpu.memory_space<vmem>>
        %dma_start3A_517 = arith.constant 0 : i32
        %dma_start3A_518 = arith.constant 0 : i32
        %dma_start3A_519 = tpu.memref_slice %arg3[%dma_start3A_517, %dma_start3A_518] : memref<1000001x64xf32, #tpu.memory_space<hbm>> -> memref<1000001x64xf32, #tpu.memory_space<hbm>>
        tpu.enqueue_indirect_dma source(%dma_start3A_519 : memref<1000001x64xf32, #tpu.memory_space<hbm>>) target(%dma_start3A_514 : memref<128x64xf32, #tpu.memory_space<vmem>>) offsets(%dma_start3A_516 : memref<128xi32, #tpu.memory_space<vmem>>) semaphore(%arg19 : memref<!tpu.dma_semaphore, #tpu.memory_space<semaphore_mem>>) {add = true}
        %dma_start3A_520 = arith.constant 1 : i32
        %dma_start3A_521 = arith.constant 0 : i32
        %dma_start3A_522 = arith.constant 0 : i32
        %dma_start3A_523 = tpu.memref_slice %arg13[%dma_start3A_520, %dma_start3A_521, %dma_start3A_522] : memref<4x128x64xf32, #tpu.memory_space<vmem>> -> memref<1x128x64xf32, #tpu.memory_space<vmem>>
        %dma_start3A_524 = tpu.memref_squeeze %dma_start3A_523 : memref<1x128x64xf32, #tpu.memory_space<vmem>> -> memref<128x64xf32, #tpu.memory_space<vmem>>
        %dma_start3A_525 = arith.constant 128 : i32
        %dma_start3A_526 = tpu.memref_slice %arg9[%dma_start3A_525] : memref<1792xi32, #tpu.memory_space<vmem>> -> memref<128xi32, #tpu.memory_space<vmem>>
        %dma_start3A_527 = arith.constant 0 : i32
        %dma_start3A_528 = arith.constant 0 : i32
        %dma_start3A_529 = tpu.memref_slice %arg3[%dma_start3A_527, %dma_start3A_528] : memref<1000001x64xf32, #tpu.memory_space<hbm>> -> memref<1000001x64xf32, #tpu.memory_space<hbm>>
        tpu.enqueue_indirect_dma source(%dma_start3A_529 : memref<1000001x64xf32, #tpu.memory_space<hbm>>) target(%dma_start3A_524 : memref<128x64xf32, #tpu.memory_space<vmem>>) offsets(%dma_start3A_526 : memref<128xi32, #tpu.memory_space<vmem>>) semaphore(%arg19 : memref<!tpu.dma_semaphore, #tpu.memory_space<semaphore_mem>>) {add = true}
        %dma_start3A_530 = arith.constant 2 : i32
        %dma_start3A_531 = arith.constant 0 : i32
        %dma_start3A_532 = arith.constant 0 : i32
        %dma_start3A_533 = tpu.memref_slice %arg13[%dma_start3A_530, %dma_start3A_531, %dma_start3A_532] : memref<4x128x64xf32, #tpu.memory_space<vmem>> -> memref<1x128x64xf32, #tpu.memory_space<vmem>>
        %dma_start3A_534 = tpu.memref_squeeze %dma_start3A_533 : memref<1x128x64xf32, #tpu.memory_space<vmem>> -> memref<128x64xf32, #tpu.memory_space<vmem>>
        %dma_start3A_535 = arith.constant 256 : i32
        %dma_start3A_536 = tpu.memref_slice %arg9[%dma_start3A_535] : memref<1792xi32, #tpu.memory_space<vmem>> -> memref<128xi32, #tpu.memory_space<vmem>>
        %dma_start3A_537 = arith.constant 0 : i32
        %dma_start3A_538 = arith.constant 0 : i32
        %dma_start3A_539 = tpu.memref_slice %arg3[%dma_start3A_537, %dma_start3A_538] : memref<1000001x64xf32, #tpu.memory_space<hbm>> -> memref<1000001x64xf32, #tpu.memory_space<hbm>>
        tpu.enqueue_indirect_dma source(%dma_start3A_539 : memref<1000001x64xf32, #tpu.memory_space<hbm>>) target(%dma_start3A_534 : memref<128x64xf32, #tpu.memory_space<vmem>>) offsets(%dma_start3A_536 : memref<128xi32, #tpu.memory_space<vmem>>) semaphore(%arg19 : memref<!tpu.dma_semaphore, #tpu.memory_space<semaphore_mem>>) {add = true}
        %dma_start3A_540 = arith.constant 3 : i32
        %dma_start3A_541 = arith.constant 0 : i32
        %dma_start3A_542 = arith.constant 0 : i32
        %dma_start3A_543 = tpu.memref_slice %arg13[%dma_start3A_540, %dma_start3A_541, %dma_start3A_542] : memref<4x128x64xf32, #tpu.memory_space<vmem>> -> memref<1x128x64xf32, #tpu.memory_space<vmem>>
        %dma_start3A_544 = tpu.memref_squeeze %dma_start3A_543 : memref<1x128x64xf32, #tpu.memory_space<vmem>> -> memref<128x64xf32, #tpu.memory_space<vmem>>
        %dma_start3A_545 = arith.constant 384 : i32
        %dma_start3A_546 = tpu.memref_slice %arg9[%dma_start3A_545] : memref<1792xi32, #tpu.memory_space<vmem>> -> memref<128xi32, #tpu.memory_space<vmem>>
        %dma_start3A_547 = arith.constant 0 : i32
        %dma_start3A_548 = arith.constant 0 : i32
        %dma_start3A_549 = tpu.memref_slice %arg3[%dma_start3A_547, %dma_start3A_548] : memref<1000001x64xf32, #tpu.memory_space<hbm>> -> memref<1000001x64xf32, #tpu.memory_space<hbm>>
        tpu.enqueue_indirect_dma source(%dma_start3A_549 : memref<1000001x64xf32, #tpu.memory_space<hbm>>) target(%dma_start3A_544 : memref<128x64xf32, #tpu.memory_space<vmem>>) offsets(%dma_start3A_546 : memref<128xi32, #tpu.memory_space<vmem>>) semaphore(%arg19 : memref<!tpu.dma_semaphore, #tpu.memory_space<semaphore_mem>>) {add = true}
        %dma_start3A_550 = arith.constant 0 : i32
        %dma_start3A_551 = arith.constant 0 : i32
        %dma_start3A_552 = arith.constant 0 : i32
        %dma_start3A_553 = tpu.memref_slice %arg13[%dma_start3A_550, %dma_start3A_551, %dma_start3A_552] : memref<4x128x64xf32, #tpu.memory_space<vmem>> -> memref<1x128x64xf32, #tpu.memory_space<vmem>>
        %dma_start3A_554 = tpu.memref_squeeze %dma_start3A_553 : memref<1x128x64xf32, #tpu.memory_space<vmem>> -> memref<128x64xf32, #tpu.memory_space<vmem>>
        %dma_start3A_555 = arith.constant 512 : i32
        %dma_start3A_556 = tpu.memref_slice %arg9[%dma_start3A_555] : memref<1792xi32, #tpu.memory_space<vmem>> -> memref<128xi32, #tpu.memory_space<vmem>>
        %dma_start3A_557 = arith.constant 0 : i32
        %dma_start3A_558 = arith.constant 0 : i32
        %dma_start3A_559 = tpu.memref_slice %arg4[%dma_start3A_557, %dma_start3A_558] : memref<100000x64xf32, #tpu.memory_space<hbm>> -> memref<100000x64xf32, #tpu.memory_space<hbm>>
        tpu.enqueue_indirect_dma source(%dma_start3A_559 : memref<100000x64xf32, #tpu.memory_space<hbm>>) target(%dma_start3A_554 : memref<128x64xf32, #tpu.memory_space<vmem>>) offsets(%dma_start3A_556 : memref<128xi32, #tpu.memory_space<vmem>>) semaphore(%arg19 : memref<!tpu.dma_semaphore, #tpu.memory_space<semaphore_mem>>) {add = true}
        %dma_start3A_560 = arith.constant 1 : i32
        %dma_start3A_561 = arith.constant 0 : i32
        %dma_start3A_562 = arith.constant 0 : i32
        %dma_start3A_563 = tpu.memref_slice %arg13[%dma_start3A_560, %dma_start3A_561, %dma_start3A_562] : memref<4x128x64xf32, #tpu.memory_space<vmem>> -> memref<1x128x64xf32, #tpu.memory_space<vmem>>
        %dma_start3A_564 = tpu.memref_squeeze %dma_start3A_563 : memref<1x128x64xf32, #tpu.memory_space<vmem>> -> memref<128x64xf32, #tpu.memory_space<vmem>>
        %dma_start3A_565 = arith.constant 640 : i32
        %dma_start3A_566 = tpu.memref_slice %arg9[%dma_start3A_565] : memref<1792xi32, #tpu.memory_space<vmem>> -> memref<128xi32, #tpu.memory_space<vmem>>
        %dma_start3A_567 = arith.constant 0 : i32
        %dma_start3A_568 = arith.constant 0 : i32
        %dma_start3A_569 = tpu.memref_slice %arg4[%dma_start3A_567, %dma_start3A_568] : memref<100000x64xf32, #tpu.memory_space<hbm>> -> memref<100000x64xf32, #tpu.memory_space<hbm>>
        tpu.enqueue_indirect_dma source(%dma_start3A_569 : memref<100000x64xf32, #tpu.memory_space<hbm>>) target(%dma_start3A_564 : memref<128x64xf32, #tpu.memory_space<vmem>>) offsets(%dma_start3A_566 : memref<128xi32, #tpu.memory_space<vmem>>) semaphore(%arg19 : memref<!tpu.dma_semaphore, #tpu.memory_space<semaphore_mem>>) {add = true}
        %dma_start3A_570 = arith.constant 2 : i32
        %dma_start3A_571 = arith.constant 0 : i32
        %dma_start3A_572 = arith.constant 0 : i32
        %dma_start3A_573 = tpu.memref_slice %arg13[%dma_start3A_570, %dma_start3A_571, %dma_start3A_572] : memref<4x128x64xf32, #tpu.memory_space<vmem>> -> memref<1x128x64xf32, #tpu.memory_space<vmem>>
        %dma_start3A_574 = tpu.memref_squeeze %dma_start3A_573 : memref<1x128x64xf32, #tpu.memory_space<vmem>> -> memref<128x64xf32, #tpu.memory_space<vmem>>
        %dma_start3A_575 = arith.constant 768 : i32
        %dma_start3A_576 = tpu.memref_slice %arg9[%dma_start3A_575] : memref<1792xi32, #tpu.memory_space<vmem>> -> memref<128xi32, #tpu.memory_space<vmem>>
        %dma_start3A_577 = arith.constant 0 : i32
        %dma_start3A_578 = arith.constant 0 : i32
        %dma_start3A_579 = tpu.memref_slice %arg4[%dma_start3A_577, %dma_start3A_578] : memref<100000x64xf32, #tpu.memory_space<hbm>> -> memref<100000x64xf32, #tpu.memory_space<hbm>>
        tpu.enqueue_indirect_dma source(%dma_start3A_579 : memref<100000x64xf32, #tpu.memory_space<hbm>>) target(%dma_start3A_574 : memref<128x64xf32, #tpu.memory_space<vmem>>) offsets(%dma_start3A_576 : memref<128xi32, #tpu.memory_space<vmem>>) semaphore(%arg19 : memref<!tpu.dma_semaphore, #tpu.memory_space<semaphore_mem>>) {add = true}
        %dma_start3A_580 = arith.constant 3 : i32
        %dma_start3A_581 = arith.constant 0 : i32
        %dma_start3A_582 = arith.constant 0 : i32
        %dma_start3A_583 = tpu.memref_slice %arg13[%dma_start3A_580, %dma_start3A_581, %dma_start3A_582] : memref<4x128x64xf32, #tpu.memory_space<vmem>> -> memref<1x128x64xf32, #tpu.memory_space<vmem>>
        %dma_start3A_584 = tpu.memref_squeeze %dma_start3A_583 : memref<1x128x64xf32, #tpu.memory_space<vmem>> -> memref<128x64xf32, #tpu.memory_space<vmem>>
        %dma_start3A_585 = arith.constant 896 : i32
        %dma_start3A_586 = tpu.memref_slice %arg9[%dma_start3A_585] : memref<1792xi32, #tpu.memory_space<vmem>> -> memref<128xi32, #tpu.memory_space<vmem>>
        %dma_start3A_587 = arith.constant 0 : i32
        %dma_start3A_588 = arith.constant 0 : i32
        %dma_start3A_589 = tpu.memref_slice %arg4[%dma_start3A_587, %dma_start3A_588] : memref<100000x64xf32, #tpu.memory_space<hbm>> -> memref<100000x64xf32, #tpu.memory_space<hbm>>
        tpu.enqueue_indirect_dma source(%dma_start3A_589 : memref<100000x64xf32, #tpu.memory_space<hbm>>) target(%dma_start3A_584 : memref<128x64xf32, #tpu.memory_space<vmem>>) offsets(%dma_start3A_586 : memref<128xi32, #tpu.memory_space<vmem>>) semaphore(%arg19 : memref<!tpu.dma_semaphore, #tpu.memory_space<semaphore_mem>>) {add = true}
        %dma_start3A_590 = arith.constant 0 : i32
        %dma_start3A_591 = arith.constant 0 : i32
        %dma_start3A_592 = arith.constant 0 : i32
        %dma_start3A_593 = tpu.memref_slice %arg13[%dma_start3A_590, %dma_start3A_591, %dma_start3A_592] : memref<4x128x64xf32, #tpu.memory_space<vmem>> -> memref<1x128x64xf32, #tpu.memory_space<vmem>>
        %dma_start3A_594 = tpu.memref_squeeze %dma_start3A_593 : memref<1x128x64xf32, #tpu.memory_space<vmem>> -> memref<128x64xf32, #tpu.memory_space<vmem>>
        %dma_start3A_595 = arith.constant 1024 : i32
        %dma_start3A_596 = tpu.memref_slice %arg9[%dma_start3A_595] : memref<1792xi32, #tpu.memory_space<vmem>> -> memref<128xi32, #tpu.memory_space<vmem>>
        %dma_start3A_597 = arith.constant 0 : i32
        %dma_start3A_598 = arith.constant 0 : i32
        %dma_start3A_599 = tpu.memref_slice %arg5[%dma_start3A_597, %dma_start3A_598] : memref<1000x64xf32, #tpu.memory_space<hbm>> -> memref<1000x64xf32, #tpu.memory_space<hbm>>
        tpu.enqueue_indirect_dma source(%dma_start3A_599 : memref<1000x64xf32, #tpu.memory_space<hbm>>) target(%dma_start3A_594 : memref<128x64xf32, #tpu.memory_space<vmem>>) offsets(%dma_start3A_596 : memref<128xi32, #tpu.memory_space<vmem>>) semaphore(%arg19 : memref<!tpu.dma_semaphore, #tpu.memory_space<semaphore_mem>>) {add = true}
        %dma_start3A_600 = arith.constant 1 : i32
        %dma_start3A_601 = arith.constant 0 : i32
        %dma_start3A_602 = arith.constant 0 : i32
        %dma_start3A_603 = tpu.memref_slice %arg13[%dma_start3A_600, %dma_start3A_601, %dma_start3A_602] : memref<4x128x64xf32, #tpu.memory_space<vmem>> -> memref<1x128x64xf32, #tpu.memory_space<vmem>>
        %dma_start3A_604 = tpu.memref_squeeze %dma_start3A_603 : memref<1x128x64xf32, #tpu.memory_space<vmem>> -> memref<128x64xf32, #tpu.memory_space<vmem>>
        %dma_start3A_605 = arith.constant 1152 : i32
        %dma_start3A_606 = tpu.memref_slice %arg9[%dma_start3A_605] : memref<1792xi32, #tpu.memory_space<vmem>> -> memref<128xi32, #tpu.memory_space<vmem>>
        %dma_start3A_607 = arith.constant 0 : i32
        %dma_start3A_608 = arith.constant 0 : i32
        %dma_start3A_609 = tpu.memref_slice %arg5[%dma_start3A_607, %dma_start3A_608] : memref<1000x64xf32, #tpu.memory_space<hbm>> -> memref<1000x64xf32, #tpu.memory_space<hbm>>
        tpu.enqueue_indirect_dma source(%dma_start3A_609 : memref<1000x64xf32, #tpu.memory_space<hbm>>) target(%dma_start3A_604 : memref<128x64xf32, #tpu.memory_space<vmem>>) offsets(%dma_start3A_606 : memref<128xi32, #tpu.memory_space<vmem>>) semaphore(%arg19 : memref<!tpu.dma_semaphore, #tpu.memory_space<semaphore_mem>>) {add = true}
        %dma_start3A_610 = arith.constant 2 : i32
        %dma_start3A_611 = arith.constant 0 : i32
        %dma_start3A_612 = arith.constant 0 : i32
        %dma_start3A_613 = tpu.memref_slice %arg13[%dma_start3A_610, %dma_start3A_611, %dma_start3A_612] : memref<4x128x64xf32, #tpu.memory_space<vmem>> -> memref<1x128x64xf32, #tpu.memory_space<vmem>>
        %dma_start3A_614 = tpu.memref_squeeze %dma_start3A_613 : memref<1x128x64xf32, #tpu.memory_space<vmem>> -> memref<128x64xf32, #tpu.memory_space<vmem>>
        %dma_start3A_615 = arith.constant 1280 : i32
        %dma_start3A_616 = tpu.memref_slice %arg9[%dma_start3A_615] : memref<1792xi32, #tpu.memory_space<vmem>> -> memref<128xi32, #tpu.memory_space<vmem>>
        %dma_start3A_617 = arith.constant 0 : i32
        %dma_start3A_618 = arith.constant 0 : i32
        %dma_start3A_619 = tpu.memref_slice %arg5[%dma_start3A_617, %dma_start3A_618] : memref<1000x64xf32, #tpu.memory_space<hbm>> -> memref<1000x64xf32, #tpu.memory_space<hbm>>
        tpu.enqueue_indirect_dma source(%dma_start3A_619 : memref<1000x64xf32, #tpu.memory_space<hbm>>) target(%dma_start3A_614 : memref<128x64xf32, #tpu.memory_space<vmem>>) offsets(%dma_start3A_616 : memref<128xi32, #tpu.memory_space<vmem>>) semaphore(%arg19 : memref<!tpu.dma_semaphore, #tpu.memory_space<semaphore_mem>>) {add = true}
        %dma_start3A_620 = arith.constant 3 : i32
        %dma_start3A_621 = arith.constant 0 : i32
        %dma_start3A_622 = arith.constant 0 : i32
        %dma_start3A_623 = tpu.memref_slice %arg13[%dma_start3A_620, %dma_start3A_621, %dma_start3A_622] : memref<4x128x64xf32, #tpu.memory_space<vmem>> -> memref<1x128x64xf32, #tpu.memory_space<vmem>>
        %dma_start3A_624 = tpu.memref_squeeze %dma_start3A_623 : memref<1x128x64xf32, #tpu.memory_space<vmem>> -> memref<128x64xf32, #tpu.memory_space<vmem>>
        %dma_start3A_625 = arith.constant 1408 : i32
        %dma_start3A_626 = tpu.memref_slice %arg9[%dma_start3A_625] : memref<1792xi32, #tpu.memory_space<vmem>> -> memref<128xi32, #tpu.memory_space<vmem>>
        %dma_start3A_627 = arith.constant 0 : i32
        %dma_start3A_628 = arith.constant 0 : i32
        %dma_start3A_629 = tpu.memref_slice %arg5[%dma_start3A_627, %dma_start3A_628] : memref<1000x64xf32, #tpu.memory_space<hbm>> -> memref<1000x64xf32, #tpu.memory_space<hbm>>
        tpu.enqueue_indirect_dma source(%dma_start3A_629 : memref<1000x64xf32, #tpu.memory_space<hbm>>) target(%dma_start3A_624 : memref<128x64xf32, #tpu.memory_space<vmem>>) offsets(%dma_start3A_626 : memref<128xi32, #tpu.memory_space<vmem>>) semaphore(%arg19 : memref<!tpu.dma_semaphore, #tpu.memory_space<semaphore_mem>>) {add = true}
        %dma_start3A_630 = arith.constant 1536 : i32
        %dma_start3A_631 = tpu.memref_slice %arg9[%dma_start3A_630] : memref<1792xi32, #tpu.memory_space<vmem>> -> memref<128xi32, #tpu.memory_space<vmem>>
        %dma_start3A_632 = arith.constant 0 : i32
        %dma_start3A_633 = arith.constant 0 : i32
        %dma_start3A_634 = tpu.memref_slice %arg7[%dma_start3A_632, %dma_start3A_633] : memref<2048x64xf32, #tpu.memory_space<hbm>> -> memref<2048x64xf32, #tpu.memory_space<hbm>>
        tpu.enqueue_indirect_dma source(%dma_start3A_634 : memref<2048x64xf32, #tpu.memory_space<hbm>>) target(%arg15 : memref<128x64xf32, #tpu.memory_space<vmem>>) offsets(%dma_start3A_631 : memref<128xi32, #tpu.memory_space<vmem>>) semaphore(%arg19 : memref<!tpu.dma_semaphore, #tpu.memory_space<semaphore_mem>>) {add = true}
        %dma_start3A_635 = arith.constant 1664 : i32
        %dma_start3A_636 = tpu.memref_slice %arg9[%dma_start3A_635] : memref<1792xi32, #tpu.memory_space<vmem>> -> memref<128xi32, #tpu.memory_space<vmem>>
        %dma_start3A_637 = arith.constant 0 : i32
        %dma_start3A_638 = arith.constant 0 : i32
        %dma_start3A_639 = tpu.memref_slice %arg6[%dma_start3A_637, %dma_start3A_638] : memref<1000x64xf32, #tpu.memory_space<hbm>> -> memref<1000x64xf32, #tpu.memory_space<hbm>>
        tpu.enqueue_indirect_dma source(%dma_start3A_639 : memref<1000x64xf32, #tpu.memory_space<hbm>>) target(%arg15 : memref<128x64xf32, #tpu.memory_space<vmem>>) offsets(%dma_start3A_636 : memref<128xi32, #tpu.memory_space<vmem>>) semaphore(%arg19 : memref<!tpu.dma_semaphore, #tpu.memory_space<semaphore_mem>>) {add = true}
      } else {
      }
      %dma_wait3A_331 = arith.constant 0 : i32
      %dma_wait3A_332 = arith.constant 0 : i32
      %dma_wait3A_333 = arith.constant 0 : i32
      %dma_wait3A_334 = tpu.memref_slice %arg14[%dma_wait3A_331, %dma_wait3A_332, %dma_wait3A_333] : memref<4x128x64xf32, #tpu.memory_space<vmem>> -> memref<1x128x64xf32, #tpu.memory_space<vmem>>
      %dma_wait3A_335 = tpu.memref_squeeze %dma_wait3A_334 : memref<1x128x64xf32, #tpu.memory_space<vmem>> -> memref<128x64xf32, #tpu.memory_space<vmem>>
      %dma_wait3A_336 = arith.constant 0 : i32
      %dma_wait3A_337 = tpu.memref_slice %arg10[%dma_wait3A_336] : memref<1792xi32, #tpu.memory_space<vmem>> -> memref<128xi32, #tpu.memory_space<vmem>>
      %dma_wait3A_338 = arith.constant 0 : i32
      %dma_wait3A_339 = arith.constant 0 : i32
      %dma_wait3A_340 = tpu.memref_slice %arg3[%dma_wait3A_338, %dma_wait3A_339] : memref<1000001x64xf32, #tpu.memory_space<hbm>> -> memref<1000001x64xf32, #tpu.memory_space<hbm>>
      tpu.wait_indirect_dma semaphore(%arg20 : memref<!tpu.dma_semaphore, #tpu.memory_space<semaphore_mem>>) src(%dma_wait3A_340 : memref<1000001x64xf32, #tpu.memory_space<hbm>>) dst(%dma_wait3A_335 : memref<128x64xf32, #tpu.memory_space<vmem>>)
      %dma_wait3A_341 = arith.constant 1 : i32
      %dma_wait3A_342 = arith.constant 0 : i32
      %dma_wait3A_343 = arith.constant 0 : i32
      %dma_wait3A_344 = tpu.memref_slice %arg14[%dma_wait3A_341, %dma_wait3A_342, %dma_wait3A_343] : memref<4x128x64xf32, #tpu.memory_space<vmem>> -> memref<1x128x64xf32, #tpu.memory_space<vmem>>
      %dma_wait3A_345 = tpu.memref_squeeze %dma_wait3A_344 : memref<1x128x64xf32, #tpu.memory_space<vmem>> -> memref<128x64xf32, #tpu.memory_space<vmem>>
      %dma_wait3A_346 = arith.constant 128 : i32
      %dma_wait3A_347 = tpu.memref_slice %arg10[%dma_wait3A_346] : memref<1792xi32, #tpu.memory_space<vmem>> -> memref<128xi32, #tpu.memory_space<vmem>>
      %dma_wait3A_348 = arith.constant 0 : i32
      %dma_wait3A_349 = arith.constant 0 : i32
      %dma_wait3A_350 = tpu.memref_slice %arg3[%dma_wait3A_348, %dma_wait3A_349] : memref<1000001x64xf32, #tpu.memory_space<hbm>> -> memref<1000001x64xf32, #tpu.memory_space<hbm>>
      tpu.wait_indirect_dma semaphore(%arg20 : memref<!tpu.dma_semaphore, #tpu.memory_space<semaphore_mem>>) src(%dma_wait3A_350 : memref<1000001x64xf32, #tpu.memory_space<hbm>>) dst(%dma_wait3A_345 : memref<128x64xf32, #tpu.memory_space<vmem>>)
      %dma_wait3A_351 = arith.constant 2 : i32
      %dma_wait3A_352 = arith.constant 0 : i32
      %dma_wait3A_353 = arith.constant 0 : i32
      %dma_wait3A_354 = tpu.memref_slice %arg14[%dma_wait3A_351, %dma_wait3A_352, %dma_wait3A_353] : memref<4x128x64xf32, #tpu.memory_space<vmem>> -> memref<1x128x64xf32, #tpu.memory_space<vmem>>
      %dma_wait3A_355 = tpu.memref_squeeze %dma_wait3A_354 : memref<1x128x64xf32, #tpu.memory_space<vmem>> -> memref<128x64xf32, #tpu.memory_space<vmem>>
      %dma_wait3A_356 = arith.constant 256 : i32
      %dma_wait3A_357 = tpu.memref_slice %arg10[%dma_wait3A_356] : memref<1792xi32, #tpu.memory_space<vmem>> -> memref<128xi32, #tpu.memory_space<vmem>>
      %dma_wait3A_358 = arith.constant 0 : i32
      %dma_wait3A_359 = arith.constant 0 : i32
      %dma_wait3A_360 = tpu.memref_slice %arg3[%dma_wait3A_358, %dma_wait3A_359] : memref<1000001x64xf32, #tpu.memory_space<hbm>> -> memref<1000001x64xf32, #tpu.memory_space<hbm>>
      tpu.wait_indirect_dma semaphore(%arg20 : memref<!tpu.dma_semaphore, #tpu.memory_space<semaphore_mem>>) src(%dma_wait3A_360 : memref<1000001x64xf32, #tpu.memory_space<hbm>>) dst(%dma_wait3A_355 : memref<128x64xf32, #tpu.memory_space<vmem>>)
      %dma_wait3A_361 = arith.constant 3 : i32
      %dma_wait3A_362 = arith.constant 0 : i32
      %dma_wait3A_363 = arith.constant 0 : i32
      %dma_wait3A_364 = tpu.memref_slice %arg14[%dma_wait3A_361, %dma_wait3A_362, %dma_wait3A_363] : memref<4x128x64xf32, #tpu.memory_space<vmem>> -> memref<1x128x64xf32, #tpu.memory_space<vmem>>
      %dma_wait3A_365 = tpu.memref_squeeze %dma_wait3A_364 : memref<1x128x64xf32, #tpu.memory_space<vmem>> -> memref<128x64xf32, #tpu.memory_space<vmem>>
      %dma_wait3A_366 = arith.constant 384 : i32
      %dma_wait3A_367 = tpu.memref_slice %arg10[%dma_wait3A_366] : memref<1792xi32, #tpu.memory_space<vmem>> -> memref<128xi32, #tpu.memory_space<vmem>>
      %dma_wait3A_368 = arith.constant 0 : i32
      %dma_wait3A_369 = arith.constant 0 : i32
      %dma_wait3A_370 = tpu.memref_slice %arg3[%dma_wait3A_368, %dma_wait3A_369] : memref<1000001x64xf32, #tpu.memory_space<hbm>> -> memref<1000001x64xf32, #tpu.memory_space<hbm>>
      tpu.wait_indirect_dma semaphore(%arg20 : memref<!tpu.dma_semaphore, #tpu.memory_space<semaphore_mem>>) src(%dma_wait3A_370 : memref<1000001x64xf32, #tpu.memory_space<hbm>>) dst(%dma_wait3A_365 : memref<128x64xf32, #tpu.memory_space<vmem>>)
      %dma_wait3A_371 = arith.constant 0 : i32
      %dma_wait3A_372 = arith.constant 0 : i32
      %dma_wait3A_373 = arith.constant 0 : i32
      %dma_wait3A_374 = tpu.memref_slice %arg14[%dma_wait3A_371, %dma_wait3A_372, %dma_wait3A_373] : memref<4x128x64xf32, #tpu.memory_space<vmem>> -> memref<1x128x64xf32, #tpu.memory_space<vmem>>
      %dma_wait3A_375 = tpu.memref_squeeze %dma_wait3A_374 : memref<1x128x64xf32, #tpu.memory_space<vmem>> -> memref<128x64xf32, #tpu.memory_space<vmem>>
      %dma_wait3A_376 = arith.constant 512 : i32
      %dma_wait3A_377 = tpu.memref_slice %arg10[%dma_wait3A_376] : memref<1792xi32, #tpu.memory_space<vmem>> -> memref<128xi32, #tpu.memory_space<vmem>>
      %dma_wait3A_378 = arith.constant 0 : i32
      %dma_wait3A_379 = arith.constant 0 : i32
      %dma_wait3A_380 = tpu.memref_slice %arg4[%dma_wait3A_378, %dma_wait3A_379] : memref<100000x64xf32, #tpu.memory_space<hbm>> -> memref<100000x64xf32, #tpu.memory_space<hbm>>
      tpu.wait_indirect_dma semaphore(%arg20 : memref<!tpu.dma_semaphore, #tpu.memory_space<semaphore_mem>>) src(%dma_wait3A_380 : memref<100000x64xf32, #tpu.memory_space<hbm>>) dst(%dma_wait3A_375 : memref<128x64xf32, #tpu.memory_space<vmem>>)
      %dma_wait3A_381 = arith.constant 1 : i32
      %dma_wait3A_382 = arith.constant 0 : i32
      %dma_wait3A_383 = arith.constant 0 : i32
      %dma_wait3A_384 = tpu.memref_slice %arg14[%dma_wait3A_381, %dma_wait3A_382, %dma_wait3A_383] : memref<4x128x64xf32, #tpu.memory_space<vmem>> -> memref<1x128x64xf32, #tpu.memory_space<vmem>>
      %dma_wait3A_385 = tpu.memref_squeeze %dma_wait3A_384 : memref<1x128x64xf32, #tpu.memory_space<vmem>> -> memref<128x64xf32, #tpu.memory_space<vmem>>
      %dma_wait3A_386 = arith.constant 640 : i32
      %dma_wait3A_387 = tpu.memref_slice %arg10[%dma_wait3A_386] : memref<1792xi32, #tpu.memory_space<vmem>> -> memref<128xi32, #tpu.memory_space<vmem>>
      %dma_wait3A_388 = arith.constant 0 : i32
      %dma_wait3A_389 = arith.constant 0 : i32
      %dma_wait3A_390 = tpu.memref_slice %arg4[%dma_wait3A_388, %dma_wait3A_389] : memref<100000x64xf32, #tpu.memory_space<hbm>> -> memref<100000x64xf32, #tpu.memory_space<hbm>>
      tpu.wait_indirect_dma semaphore(%arg20 : memref<!tpu.dma_semaphore, #tpu.memory_space<semaphore_mem>>) src(%dma_wait3A_390 : memref<100000x64xf32, #tpu.memory_space<hbm>>) dst(%dma_wait3A_385 : memref<128x64xf32, #tpu.memory_space<vmem>>)
      %dma_wait3A_391 = arith.constant 2 : i32
      %dma_wait3A_392 = arith.constant 0 : i32
      %dma_wait3A_393 = arith.constant 0 : i32
      %dma_wait3A_394 = tpu.memref_slice %arg14[%dma_wait3A_391, %dma_wait3A_392, %dma_wait3A_393] : memref<4x128x64xf32, #tpu.memory_space<vmem>> -> memref<1x128x64xf32, #tpu.memory_space<vmem>>
      %dma_wait3A_395 = tpu.memref_squeeze %dma_wait3A_394 : memref<1x128x64xf32, #tpu.memory_space<vmem>> -> memref<128x64xf32, #tpu.memory_space<vmem>>
      %dma_wait3A_396 = arith.constant 768 : i32
      %dma_wait3A_397 = tpu.memref_slice %arg10[%dma_wait3A_396] : memref<1792xi32, #tpu.memory_space<vmem>> -> memref<128xi32, #tpu.memory_space<vmem>>
      %dma_wait3A_398 = arith.constant 0 : i32
      %dma_wait3A_399 = arith.constant 0 : i32
      %dma_wait3A_400 = tpu.memref_slice %arg4[%dma_wait3A_398, %dma_wait3A_399] : memref<100000x64xf32, #tpu.memory_space<hbm>> -> memref<100000x64xf32, #tpu.memory_space<hbm>>
      tpu.wait_indirect_dma semaphore(%arg20 : memref<!tpu.dma_semaphore, #tpu.memory_space<semaphore_mem>>) src(%dma_wait3A_400 : memref<100000x64xf32, #tpu.memory_space<hbm>>) dst(%dma_wait3A_395 : memref<128x64xf32, #tpu.memory_space<vmem>>)
      %dma_wait3A_401 = arith.constant 3 : i32
      %dma_wait3A_402 = arith.constant 0 : i32
      %dma_wait3A_403 = arith.constant 0 : i32
      %dma_wait3A_404 = tpu.memref_slice %arg14[%dma_wait3A_401, %dma_wait3A_402, %dma_wait3A_403] : memref<4x128x64xf32, #tpu.memory_space<vmem>> -> memref<1x128x64xf32, #tpu.memory_space<vmem>>
      %dma_wait3A_405 = tpu.memref_squeeze %dma_wait3A_404 : memref<1x128x64xf32, #tpu.memory_space<vmem>> -> memref<128x64xf32, #tpu.memory_space<vmem>>
      %dma_wait3A_406 = arith.constant 896 : i32
      %dma_wait3A_407 = tpu.memref_slice %arg10[%dma_wait3A_406] : memref<1792xi32, #tpu.memory_space<vmem>> -> memref<128xi32, #tpu.memory_space<vmem>>
      %dma_wait3A_408 = arith.constant 0 : i32
      %dma_wait3A_409 = arith.constant 0 : i32
      %dma_wait3A_410 = tpu.memref_slice %arg4[%dma_wait3A_408, %dma_wait3A_409] : memref<100000x64xf32, #tpu.memory_space<hbm>> -> memref<100000x64xf32, #tpu.memory_space<hbm>>
      tpu.wait_indirect_dma semaphore(%arg20 : memref<!tpu.dma_semaphore, #tpu.memory_space<semaphore_mem>>) src(%dma_wait3A_410 : memref<100000x64xf32, #tpu.memory_space<hbm>>) dst(%dma_wait3A_405 : memref<128x64xf32, #tpu.memory_space<vmem>>)
      %dma_wait3A_411 = arith.constant 0 : i32
      %dma_wait3A_412 = arith.constant 0 : i32
      %dma_wait3A_413 = arith.constant 0 : i32
      %dma_wait3A_414 = tpu.memref_slice %arg14[%dma_wait3A_411, %dma_wait3A_412, %dma_wait3A_413] : memref<4x128x64xf32, #tpu.memory_space<vmem>> -> memref<1x128x64xf32, #tpu.memory_space<vmem>>
      %dma_wait3A_415 = tpu.memref_squeeze %dma_wait3A_414 : memref<1x128x64xf32, #tpu.memory_space<vmem>> -> memref<128x64xf32, #tpu.memory_space<vmem>>
      %dma_wait3A_416 = arith.constant 1024 : i32
      %dma_wait3A_417 = tpu.memref_slice %arg10[%dma_wait3A_416] : memref<1792xi32, #tpu.memory_space<vmem>> -> memref<128xi32, #tpu.memory_space<vmem>>
      %dma_wait3A_418 = arith.constant 0 : i32
      %dma_wait3A_419 = arith.constant 0 : i32
      %dma_wait3A_420 = tpu.memref_slice %arg5[%dma_wait3A_418, %dma_wait3A_419] : memref<1000x64xf32, #tpu.memory_space<hbm>> -> memref<1000x64xf32, #tpu.memory_space<hbm>>
      tpu.wait_indirect_dma semaphore(%arg20 : memref<!tpu.dma_semaphore, #tpu.memory_space<semaphore_mem>>) src(%dma_wait3A_420 : memref<1000x64xf32, #tpu.memory_space<hbm>>) dst(%dma_wait3A_415 : memref<128x64xf32, #tpu.memory_space<vmem>>)
      %dma_wait3A_421 = arith.constant 1 : i32
      %dma_wait3A_422 = arith.constant 0 : i32
      %dma_wait3A_423 = arith.constant 0 : i32
      %dma_wait3A_424 = tpu.memref_slice %arg14[%dma_wait3A_421, %dma_wait3A_422, %dma_wait3A_423] : memref<4x128x64xf32, #tpu.memory_space<vmem>> -> memref<1x128x64xf32, #tpu.memory_space<vmem>>
      %dma_wait3A_425 = tpu.memref_squeeze %dma_wait3A_424 : memref<1x128x64xf32, #tpu.memory_space<vmem>> -> memref<128x64xf32, #tpu.memory_space<vmem>>
      %dma_wait3A_426 = arith.constant 1152 : i32
      %dma_wait3A_427 = tpu.memref_slice %arg10[%dma_wait3A_426] : memref<1792xi32, #tpu.memory_space<vmem>> -> memref<128xi32, #tpu.memory_space<vmem>>
      %dma_wait3A_428 = arith.constant 0 : i32
      %dma_wait3A_429 = arith.constant 0 : i32
      %dma_wait3A_430 = tpu.memref_slice %arg5[%dma_wait3A_428, %dma_wait3A_429] : memref<1000x64xf32, #tpu.memory_space<hbm>> -> memref<1000x64xf32, #tpu.memory_space<hbm>>
      tpu.wait_indirect_dma semaphore(%arg20 : memref<!tpu.dma_semaphore, #tpu.memory_space<semaphore_mem>>) src(%dma_wait3A_430 : memref<1000x64xf32, #tpu.memory_space<hbm>>) dst(%dma_wait3A_425 : memref<128x64xf32, #tpu.memory_space<vmem>>)
      %dma_wait3A_431 = arith.constant 2 : i32
      %dma_wait3A_432 = arith.constant 0 : i32
      %dma_wait3A_433 = arith.constant 0 : i32
      %dma_wait3A_434 = tpu.memref_slice %arg14[%dma_wait3A_431, %dma_wait3A_432, %dma_wait3A_433] : memref<4x128x64xf32, #tpu.memory_space<vmem>> -> memref<1x128x64xf32, #tpu.memory_space<vmem>>
      %dma_wait3A_435 = tpu.memref_squeeze %dma_wait3A_434 : memref<1x128x64xf32, #tpu.memory_space<vmem>> -> memref<128x64xf32, #tpu.memory_space<vmem>>
      %dma_wait3A_436 = arith.constant 1280 : i32
      %dma_wait3A_437 = tpu.memref_slice %arg10[%dma_wait3A_436] : memref<1792xi32, #tpu.memory_space<vmem>> -> memref<128xi32, #tpu.memory_space<vmem>>
      %dma_wait3A_438 = arith.constant 0 : i32
      %dma_wait3A_439 = arith.constant 0 : i32
      %dma_wait3A_440 = tpu.memref_slice %arg5[%dma_wait3A_438, %dma_wait3A_439] : memref<1000x64xf32, #tpu.memory_space<hbm>> -> memref<1000x64xf32, #tpu.memory_space<hbm>>
      tpu.wait_indirect_dma semaphore(%arg20 : memref<!tpu.dma_semaphore, #tpu.memory_space<semaphore_mem>>) src(%dma_wait3A_440 : memref<1000x64xf32, #tpu.memory_space<hbm>>) dst(%dma_wait3A_435 : memref<128x64xf32, #tpu.memory_space<vmem>>)
      %dma_wait3A_441 = arith.constant 3 : i32
      %dma_wait3A_442 = arith.constant 0 : i32
      %dma_wait3A_443 = arith.constant 0 : i32
      %dma_wait3A_444 = tpu.memref_slice %arg14[%dma_wait3A_441, %dma_wait3A_442, %dma_wait3A_443] : memref<4x128x64xf32, #tpu.memory_space<vmem>> -> memref<1x128x64xf32, #tpu.memory_space<vmem>>
      %dma_wait3A_445 = tpu.memref_squeeze %dma_wait3A_444 : memref<1x128x64xf32, #tpu.memory_space<vmem>> -> memref<128x64xf32, #tpu.memory_space<vmem>>
      %dma_wait3A_446 = arith.constant 1408 : i32
      %dma_wait3A_447 = tpu.memref_slice %arg10[%dma_wait3A_446] : memref<1792xi32, #tpu.memory_space<vmem>> -> memref<128xi32, #tpu.memory_space<vmem>>
      %dma_wait3A_448 = arith.constant 0 : i32
      %dma_wait3A_449 = arith.constant 0 : i32
      %dma_wait3A_450 = tpu.memref_slice %arg5[%dma_wait3A_448, %dma_wait3A_449] : memref<1000x64xf32, #tpu.memory_space<hbm>> -> memref<1000x64xf32, #tpu.memory_space<hbm>>
      tpu.wait_indirect_dma semaphore(%arg20 : memref<!tpu.dma_semaphore, #tpu.memory_space<semaphore_mem>>) src(%dma_wait3A_450 : memref<1000x64xf32, #tpu.memory_space<hbm>>) dst(%dma_wait3A_445 : memref<128x64xf32, #tpu.memory_space<vmem>>)
      %dma_wait3A_451 = arith.constant 1536 : i32
      %dma_wait3A_452 = tpu.memref_slice %arg10[%dma_wait3A_451] : memref<1792xi32, #tpu.memory_space<vmem>> -> memref<128xi32, #tpu.memory_space<vmem>>
      %dma_wait3A_453 = arith.constant 0 : i32
      %dma_wait3A_454 = arith.constant 0 : i32
      %dma_wait3A_455 = tpu.memref_slice %arg7[%dma_wait3A_453, %dma_wait3A_454] : memref<2048x64xf32, #tpu.memory_space<hbm>> -> memref<2048x64xf32, #tpu.memory_space<hbm>>
      tpu.wait_indirect_dma semaphore(%arg20 : memref<!tpu.dma_semaphore, #tpu.memory_space<semaphore_mem>>) src(%dma_wait3A_455 : memref<2048x64xf32, #tpu.memory_space<hbm>>) dst(%arg16 : memref<128x64xf32, #tpu.memory_space<vmem>>)
      %dma_wait3A_456 = arith.constant 1664 : i32
      %dma_wait3A_457 = tpu.memref_slice %arg10[%dma_wait3A_456] : memref<1792xi32, #tpu.memory_space<vmem>> -> memref<128xi32, #tpu.memory_space<vmem>>
      %dma_wait3A_458 = arith.constant 0 : i32
      %dma_wait3A_459 = arith.constant 0 : i32
      %dma_wait3A_460 = tpu.memref_slice %arg6[%dma_wait3A_458, %dma_wait3A_459] : memref<1000x64xf32, #tpu.memory_space<hbm>> -> memref<1000x64xf32, #tpu.memory_space<hbm>>
      tpu.wait_indirect_dma semaphore(%arg20 : memref<!tpu.dma_semaphore, #tpu.memory_space<semaphore_mem>>) src(%dma_wait3A_460 : memref<1000x64xf32, #tpu.memory_space<hbm>>) dst(%arg16 : memref<128x64xf32, #tpu.memory_space<vmem>>)
      %add3A_461 = arith.constant 2 : i32
      %add3A_462 = arith.addi %add3A_323, %add3A_461 : i32
      %lt3A_463 = arith.constant 50 : i32
      %lt3A_464 = arith.cmpi slt, %add3A_462, %lt3A_463 : i32
      %convert_element_type3A_465 = arith.extui %lt3A_464 : i1 to i32
      %cond3A_466 = arith.constant 0 : i32
      %cond3A_467 = arith.cmpi ne, %convert_element_type3A_465, %cond3A_466 : i32
      scf.if %cond3A_467 {
        %add3A_484 = arith.addi %mul3A_2, %add3A_323 : i32
        %add3A_485 = arith.constant 2 : i32
        %add3A_486 = arith.addi %add3A_484, %add3A_485 : i32
        %dma_start3A_487 = arith.constant 0 : i32
        %dma_start3A_488 = tpu.memref_slice %arg2[%add3A_486, %dma_start3A_487] : memref<1600x1792xi32, #tpu.memory_space<hbm>> -> memref<1x1792xi32, #tpu.memory_space<hbm>>
        %dma_start3A_489 = tpu.memref_squeeze %dma_start3A_488 : memref<1x1792xi32, #tpu.memory_space<hbm>> -> memref<1792xi32, #tpu.memory_space<hbm>>
        %dma_start3A_490 = arith.constant 0 : i32
        %dma_start3A_491 = tpu.memref_slice %arg2[%add3A_486, %dma_start3A_490] : memref<1600x1792xi32, #tpu.memory_space<hbm>> -> memref<1x1792xi32, #tpu.memory_space<hbm>>
        %dma_start3A_492 = tpu.memref_squeeze %dma_start3A_491 : memref<1x1792xi32, #tpu.memory_space<hbm>> -> memref<1792xi32, #tpu.memory_space<hbm>>
        tpu.enqueue_dma source(%dma_start3A_492 : memref<1792xi32, #tpu.memory_space<hbm>>) target(%arg10 : memref<1792xi32, #tpu.memory_space<vmem>>) target_semaphore(%arg18 : memref<!tpu.dma_semaphore, #tpu.memory_space<semaphore_mem>>)
      } else {
      }
      %iota3A_468 = tpu.iota {dimensions = array<i32: 0>} : vector<16xi32>
      %scan3A_469 = arith.constant 0 : i32
      %scan3A_470 = arith.constant 0 : i32
      %scan3A_471 = arith.constant 128 : i32
      %scan3A_472 = arith.addi %scan3A_470, %scan3A_471 : i32
      %scan3A_473 = arith.constant 1 : i32
      %scan3A_474 = scf.for %scan3A_484 = %scan3A_470 to %scan3A_472 step %scan3A_473 iter_args(%scan3A_485 = %scan3A_469) -> (i32)  : i32 {
        %mul3A_486 = arith.constant 4 : i32
        %mul3A_487 = arith.muli %scan3A_484, %mul3A_486 : i32
        %get3A = arith.index_cast %mul3A_487 : i32 to index
        %get3A_488 = tpu.vector_load %arg12[%get3A] {strides = array<i32>} : memref<528xf32, #tpu.memory_space<vmem>>, vector<16xf32>,
        %broadcast_in_dim3A_489 = arith.constant 0 : i32
        %broadcast_in_dim3A_490 = vector.broadcast %broadcast_in_dim3A_489 : i32 to vector<16xi32>
        %add3A_491 = vector.broadcast %scan3A_484 : i32 to vector<16xi32>
        %add3A_492 = arith.addi %broadcast_in_dim3A_490, %add3A_491 : vector<16xi32>
        %get3A_493 = arith.index_cast %scan3A_484 : i32 to index
        %get3A_494 = arith.constant 0 : index
        %get3A_495 = tpu.vector_load %arg16[%get3A_493, %get3A_494] {strides = array<i32>} : memref<128x64xf32, #tpu.memory_space<vmem>>, vector<16xf32>,
        %get3A_496 = arith.constant 0 : i32
        %get3A_497 = arith.index_cast %get3A_496 : i32 to index
        %get3A_498 = arith.index_cast %scan3A_484 : i32 to index
        %get3A_499 = arith.constant 0 : index
        %get3A_500 = tpu.vector_load %arg14[%get3A_497, %get3A_498, %get3A_499] {strides = array<i32>} : memref<4x128x64xf32, #tpu.memory_space<vmem>>, vector<16xf32>,
        %slice3A = vector.extract_strided_slice %get3A_488 {offsets = [0], sizes = [1], strides = [1]} : vector<16xf32> to vector<1xf32>
        %squeeze3A = vector.extract %slice3A[0] : f32 from vector<1xf32>
        %mul3A_501 = vector.broadcast %squeeze3A : f32 to vector<16xf32>
        %mul3A_502 = arith.mulf %get3A_500, %mul3A_501 : vector<16xf32>
        %add3A_503 = arith.addf %get3A_495, %mul3A_502 : vector<16xf32>
        %get3A_504 = arith.constant 1 : i32
        %get3A_505 = arith.index_cast %get3A_504 : i32 to index
        %get3A_506 = arith.index_cast %scan3A_484 : i32 to index
        %get3A_507 = arith.constant 0 : index
        %get3A_508 = tpu.vector_load %arg14[%get3A_505, %get3A_506, %get3A_507] {strides = array<i32>} : memref<4x128x64xf32, #tpu.memory_space<vmem>>, vector<16xf32>,
        %slice3A_509 = vector.extract_strided_slice %get3A_488 {offsets = [1], sizes = [1], strides = [1]} : vector<16xf32> to vector<1xf32>
        %squeeze3A_510 = vector.extract %slice3A_509[0] : f32 from vector<1xf32>
        %mul3A_511 = vector.broadcast %squeeze3A_510 : f32 to vector<16xf32>
        %mul3A_512 = arith.mulf %get3A_508, %mul3A_511 : vector<16xf32>
        %add3A_513 = arith.addf %add3A_503, %mul3A_512 : vector<16xf32>
        %get3A_514 = arith.constant 2 : i32
        %get3A_515 = arith.index_cast %get3A_514 : i32 to index
        %get3A_516 = arith.index_cast %scan3A_484 : i32 to index
        %get3A_517 = arith.constant 0 : index
        %get3A_518 = tpu.vector_load %arg14[%get3A_515, %get3A_516, %get3A_517] {strides = array<i32>} : memref<4x128x64xf32, #tpu.memory_space<vmem>>, vector<16xf32>,
        %slice3A_519 = vector.extract_strided_slice %get3A_488 {offsets = [2], sizes = [1], strides = [1]} : vector<16xf32> to vector<1xf32>
        %squeeze3A_520 = vector.extract %slice3A_519[0] : f32 from vector<1xf32>
        %mul3A_521 = vector.broadcast %squeeze3A_520 : f32 to vector<16xf32>
        %mul3A_522 = arith.mulf %get3A_518, %mul3A_521 : vector<16xf32>
        %add3A_523 = arith.addf %add3A_513, %mul3A_522 : vector<16xf32>
        %get3A_524 = arith.constant 3 : i32
        %get3A_525 = arith.index_cast %get3A_524 : i32 to index
        %get3A_526 = arith.index_cast %scan3A_484 : i32 to index
        %get3A_527 = arith.constant 0 : index
        %get3A_528 = tpu.vector_load %arg14[%get3A_525, %get3A_526, %get3A_527] {strides = array<i32>} : memref<4x128x64xf32, #tpu.memory_space<vmem>>, vector<16xf32>,
        %slice3A_529 = vector.extract_strided_slice %get3A_488 {offsets = [3], sizes = [1], strides = [1]} : vector<16xf32> to vector<1xf32>
        %squeeze3A_530 = vector.extract %slice3A_529[0] : f32 from vector<1xf32>
        %mul3A_531 = vector.broadcast %squeeze3A_530 : f32 to vector<16xf32>
        %mul3A_532 = arith.mulf %get3A_528, %mul3A_531 : vector<16xf32>
        %add3A_533 = arith.addf %add3A_523, %mul3A_532 : vector<16xf32>
        %add3A_534 = arith.constant 0 : i32
        %add3A_535 = vector.broadcast %add3A_534 : i32 to vector<16xi32>
        %add3A_536 = arith.addi %iota3A_468, %add3A_535 : vector<16xi32>
        tpu.vector_store_idx %arg17[%add3A_536, %add3A_492], %add3A_533 : memref<64x128xf32, #tpu.memory_space<vmem>>[vector<16xi32>, vector<16xi32>], vector<16xf32>,
        %get3A_537 = arith.index_cast %scan3A_484 : i32 to index
        %get3A_538 = arith.constant 16 : index
        %get3A_539 = tpu.vector_load %arg16[%get3A_537, %get3A_538] {strides = array<i32>} : memref<128x64xf32, #tpu.memory_space<vmem>>, vector<16xf32>,
        %get3A_540 = arith.constant 0 : i32
        %get3A_541 = arith.index_cast %get3A_540 : i32 to index
        %get3A_542 = arith.index_cast %scan3A_484 : i32 to index
        %get3A_543 = arith.constant 16 : index
        %get3A_544 = tpu.vector_load %arg14[%get3A_541, %get3A_542, %get3A_543] {strides = array<i32>} : memref<4x128x64xf32, #tpu.memory_space<vmem>>, vector<16xf32>,
        %slice3A_545 = vector.extract_strided_slice %get3A_488 {offsets = [0], sizes = [1], strides = [1]} : vector<16xf32> to vector<1xf32>
        %squeeze3A_546 = vector.extract %slice3A_545[0] : f32 from vector<1xf32>
        %mul3A_547 = vector.broadcast %squeeze3A_546 : f32 to vector<16xf32>
        %mul3A_548 = arith.mulf %get3A_544, %mul3A_547 : vector<16xf32>
        %add3A_549 = arith.addf %get3A_539, %mul3A_548 : vector<16xf32>
        %get3A_550 = arith.constant 1 : i32
        %get3A_551 = arith.index_cast %get3A_550 : i32 to index
        %get3A_552 = arith.index_cast %scan3A_484 : i32 to index
        %get3A_553 = arith.constant 16 : index
        %get3A_554 = tpu.vector_load %arg14[%get3A_551, %get3A_552, %get3A_553] {strides = array<i32>} : memref<4x128x64xf32, #tpu.memory_space<vmem>>, vector<16xf32>,
        %slice3A_555 = vector.extract_strided_slice %get3A_488 {offsets = [1], sizes = [1], strides = [1]} : vector<16xf32> to vector<1xf32>
        %squeeze3A_556 = vector.extract %slice3A_555[0] : f32 from vector<1xf32>
        %mul3A_557 = vector.broadcast %squeeze3A_556 : f32 to vector<16xf32>
        %mul3A_558 = arith.mulf %get3A_554, %mul3A_557 : vector<16xf32>
        %add3A_559 = arith.addf %add3A_549, %mul3A_558 : vector<16xf32>
        %get3A_560 = arith.constant 2 : i32
        %get3A_561 = arith.index_cast %get3A_560 : i32 to index
        %get3A_562 = arith.index_cast %scan3A_484 : i32 to index
        %get3A_563 = arith.constant 16 : index
        %get3A_564 = tpu.vector_load %arg14[%get3A_561, %get3A_562, %get3A_563] {strides = array<i32>} : memref<4x128x64xf32, #tpu.memory_space<vmem>>, vector<16xf32>,
        %slice3A_565 = vector.extract_strided_slice %get3A_488 {offsets = [2], sizes = [1], strides = [1]} : vector<16xf32> to vector<1xf32>
        %squeeze3A_566 = vector.extract %slice3A_565[0] : f32 from vector<1xf32>
        %mul3A_567 = vector.broadcast %squeeze3A_566 : f32 to vector<16xf32>
        %mul3A_568 = arith.mulf %get3A_564, %mul3A_567 : vector<16xf32>
        %add3A_569 = arith.addf %add3A_559, %mul3A_568 : vector<16xf32>
        %get3A_570 = arith.constant 3 : i32
        %get3A_571 = arith.index_cast %get3A_570 : i32 to index
        %get3A_572 = arith.index_cast %scan3A_484 : i32 to index
        %get3A_573 = arith.constant 16 : index
        %get3A_574 = tpu.vector_load %arg14[%get3A_571, %get3A_572, %get3A_573] {strides = array<i32>} : memref<4x128x64xf32, #tpu.memory_space<vmem>>, vector<16xf32>,
        %slice3A_575 = vector.extract_strided_slice %get3A_488 {offsets = [3], sizes = [1], strides = [1]} : vector<16xf32> to vector<1xf32>
        %squeeze3A_576 = vector.extract %slice3A_575[0] : f32 from vector<1xf32>
        %mul3A_577 = vector.broadcast %squeeze3A_576 : f32 to vector<16xf32>
        %mul3A_578 = arith.mulf %get3A_574, %mul3A_577 : vector<16xf32>
        %add3A_579 = arith.addf %add3A_569, %mul3A_578 : vector<16xf32>
        %add3A_580 = arith.constant 16 : i32
        %add3A_581 = vector.broadcast %add3A_580 : i32 to vector<16xi32>
        %add3A_582 = arith.addi %iota3A_468, %add3A_581 : vector<16xi32>
        tpu.vector_store_idx %arg17[%add3A_582, %add3A_492], %add3A_579 : memref<64x128xf32, #tpu.memory_space<vmem>>[vector<16xi32>, vector<16xi32>], vector<16xf32>,
        %get3A_583 = arith.index_cast %scan3A_484 : i32 to index
        %get3A_584 = arith.constant 32 : index
        %get3A_585 = tpu.vector_load %arg16[%get3A_583, %get3A_584] {strides = array<i32>} : memref<128x64xf32, #tpu.memory_space<vmem>>, vector<16xf32>,
        %get3A_586 = arith.constant 0 : i32
        %get3A_587 = arith.index_cast %get3A_586 : i32 to index
        %get3A_588 = arith.index_cast %scan3A_484 : i32 to index
        %get3A_589 = arith.constant 32 : index
        %get3A_590 = tpu.vector_load %arg14[%get3A_587, %get3A_588, %get3A_589] {strides = array<i32>} : memref<4x128x64xf32, #tpu.memory_space<vmem>>, vector<16xf32>,
        %slice3A_591 = vector.extract_strided_slice %get3A_488 {offsets = [0], sizes = [1], strides = [1]} : vector<16xf32> to vector<1xf32>
        %squeeze3A_592 = vector.extract %slice3A_591[0] : f32 from vector<1xf32>
        %mul3A_593 = vector.broadcast %squeeze3A_592 : f32 to vector<16xf32>
        %mul3A_594 = arith.mulf %get3A_590, %mul3A_593 : vector<16xf32>
        %add3A_595 = arith.addf %get3A_585, %mul3A_594 : vector<16xf32>
        %get3A_596 = arith.constant 1 : i32
        %get3A_597 = arith.index_cast %get3A_596 : i32 to index
        %get3A_598 = arith.index_cast %scan3A_484 : i32 to index
        %get3A_599 = arith.constant 32 : index
        %get3A_600 = tpu.vector_load %arg14[%get3A_597, %get3A_598, %get3A_599] {strides = array<i32>} : memref<4x128x64xf32, #tpu.memory_space<vmem>>, vector<16xf32>,
        %slice3A_601 = vector.extract_strided_slice %get3A_488 {offsets = [1], sizes = [1], strides = [1]} : vector<16xf32> to vector<1xf32>
        %squeeze3A_602 = vector.extract %slice3A_601[0] : f32 from vector<1xf32>
        %mul3A_603 = vector.broadcast %squeeze3A_602 : f32 to vector<16xf32>
        %mul3A_604 = arith.mulf %get3A_600, %mul3A_603 : vector<16xf32>
        %add3A_605 = arith.addf %add3A_595, %mul3A_604 : vector<16xf32>
        %get3A_606 = arith.constant 2 : i32
        %get3A_607 = arith.index_cast %get3A_606 : i32 to index
        %get3A_608 = arith.index_cast %scan3A_484 : i32 to index
        %get3A_609 = arith.constant 32 : index
        %get3A_610 = tpu.vector_load %arg14[%get3A_607, %get3A_608, %get3A_609] {strides = array<i32>} : memref<4x128x64xf32, #tpu.memory_space<vmem>>, vector<16xf32>,
        %slice3A_611 = vector.extract_strided_slice %get3A_488 {offsets = [2], sizes = [1], strides = [1]} : vector<16xf32> to vector<1xf32>
        %squeeze3A_612 = vector.extract %slice3A_611[0] : f32 from vector<1xf32>
        %mul3A_613 = vector.broadcast %squeeze3A_612 : f32 to vector<16xf32>
        %mul3A_614 = arith.mulf %get3A_610, %mul3A_613 : vector<16xf32>
        %add3A_615 = arith.addf %add3A_605, %mul3A_614 : vector<16xf32>
        %get3A_616 = arith.constant 3 : i32
        %get3A_617 = arith.index_cast %get3A_616 : i32 to index
        %get3A_618 = arith.index_cast %scan3A_484 : i32 to index
        %get3A_619 = arith.constant 32 : index
        %get3A_620 = tpu.vector_load %arg14[%get3A_617, %get3A_618, %get3A_619] {strides = array<i32>} : memref<4x128x64xf32, #tpu.memory_space<vmem>>, vector<16xf32>,
        %slice3A_621 = vector.extract_strided_slice %get3A_488 {offsets = [3], sizes = [1], strides = [1]} : vector<16xf32> to vector<1xf32>
        %squeeze3A_622 = vector.extract %slice3A_621[0] : f32 from vector<1xf32>
        %mul3A_623 = vector.broadcast %squeeze3A_622 : f32 to vector<16xf32>
        %mul3A_624 = arith.mulf %get3A_620, %mul3A_623 : vector<16xf32>
        %add3A_625 = arith.addf %add3A_615, %mul3A_624 : vector<16xf32>
        %add3A_626 = arith.constant 32 : i32
        %add3A_627 = vector.broadcast %add3A_626 : i32 to vector<16xi32>
        %add3A_628 = arith.addi %iota3A_468, %add3A_627 : vector<16xi32>
        tpu.vector_store_idx %arg17[%add3A_628, %add3A_492], %add3A_625 : memref<64x128xf32, #tpu.memory_space<vmem>>[vector<16xi32>, vector<16xi32>], vector<16xf32>,
        %get3A_629 = arith.index_cast %scan3A_484 : i32 to index
        %get3A_630 = arith.constant 48 : index
        %get3A_631 = tpu.vector_load %arg16[%get3A_629, %get3A_630] {strides = array<i32>} : memref<128x64xf32, #tpu.memory_space<vmem>>, vector<16xf32>,
        %get3A_632 = arith.constant 0 : i32
        %get3A_633 = arith.index_cast %get3A_632 : i32 to index
        %get3A_634 = arith.index_cast %scan3A_484 : i32 to index
        %get3A_635 = arith.constant 48 : index
        %get3A_636 = tpu.vector_load %arg14[%get3A_633, %get3A_634, %get3A_635] {strides = array<i32>} : memref<4x128x64xf32, #tpu.memory_space<vmem>>, vector<16xf32>,
        %slice3A_637 = vector.extract_strided_slice %get3A_488 {offsets = [0], sizes = [1], strides = [1]} : vector<16xf32> to vector<1xf32>
        %squeeze3A_638 = vector.extract %slice3A_637[0] : f32 from vector<1xf32>
        %mul3A_639 = vector.broadcast %squeeze3A_638 : f32 to vector<16xf32>
        %mul3A_640 = arith.mulf %get3A_636, %mul3A_639 : vector<16xf32>
        %add3A_641 = arith.addf %get3A_631, %mul3A_640 : vector<16xf32>
        %get3A_642 = arith.constant 1 : i32
        %get3A_643 = arith.index_cast %get3A_642 : i32 to index
        %get3A_644 = arith.index_cast %scan3A_484 : i32 to index
        %get3A_645 = arith.constant 48 : index
        %get3A_646 = tpu.vector_load %arg14[%get3A_643, %get3A_644, %get3A_645] {strides = array<i32>} : memref<4x128x64xf32, #tpu.memory_space<vmem>>, vector<16xf32>,
        %slice3A_647 = vector.extract_strided_slice %get3A_488 {offsets = [1], sizes = [1], strides = [1]} : vector<16xf32> to vector<1xf32>
        %squeeze3A_648 = vector.extract %slice3A_647[0] : f32 from vector<1xf32>
        %mul3A_649 = vector.broadcast %squeeze3A_648 : f32 to vector<16xf32>
        %mul3A_650 = arith.mulf %get3A_646, %mul3A_649 : vector<16xf32>
        %add3A_651 = arith.addf %add3A_641, %mul3A_650 : vector<16xf32>
        %get3A_652 = arith.constant 2 : i32
        %get3A_653 = arith.index_cast %get3A_652 : i32 to index
        %get3A_654 = arith.index_cast %scan3A_484 : i32 to index
        %get3A_655 = arith.constant 48 : index
        %get3A_656 = tpu.vector_load %arg14[%get3A_653, %get3A_654, %get3A_655] {strides = array<i32>} : memref<4x128x64xf32, #tpu.memory_space<vmem>>, vector<16xf32>,
        %slice3A_657 = vector.extract_strided_slice %get3A_488 {offsets = [2], sizes = [1], strides = [1]} : vector<16xf32> to vector<1xf32>
        %squeeze3A_658 = vector.extract %slice3A_657[0] : f32 from vector<1xf32>
        %mul3A_659 = vector.broadcast %squeeze3A_658 : f32 to vector<16xf32>
        %mul3A_660 = arith.mulf %get3A_656, %mul3A_659 : vector<16xf32>
        %add3A_661 = arith.addf %add3A_651, %mul3A_660 : vector<16xf32>
        %get3A_662 = arith.constant 3 : i32
        %get3A_663 = arith.index_cast %get3A_662 : i32 to index
        %get3A_664 = arith.index_cast %scan3A_484 : i32 to index
        %get3A_665 = arith.constant 48 : index
        %get3A_666 = tpu.vector_load %arg14[%get3A_663, %get3A_664, %get3A_665] {strides = array<i32>} : memref<4x128x64xf32, #tpu.memory_space<vmem>>, vector<16xf32>,
        %slice3A_667 = vector.extract_strided_slice %get3A_488 {offsets = [3], sizes = [1], strides = [1]} : vector<16xf32> to vector<1xf32>
        %squeeze3A_668 = vector.extract %slice3A_667[0] : f32 from vector<1xf32>
        %mul3A_669 = vector.broadcast %squeeze3A_668 : f32 to vector<16xf32>
        %mul3A_670 = arith.mulf %get3A_666, %mul3A_669 : vector<16xf32>
        %add3A_671 = arith.addf %add3A_661, %mul3A_670 : vector<16xf32>
        %add3A_672 = arith.constant 48 : i32
        %add3A_673 = vector.broadcast %add3A_672 : i32 to vector<16xi32>
        %add3A_674 = arith.addi %iota3A_468, %add3A_673 : vector<16xi32>
        tpu.vector_store_idx %arg17[%add3A_674, %add3A_492], %add3A_671 : memref<64x128xf32, #tpu.memory_space<vmem>>[vector<16xi32>, vector<16xi32>], vector<16xf32>,
        %scan3A_675 = arith.constant 0 : i32
        scf.yield %scan3A_675 : i32
      }
      %scan3A_475 = arith.constant 128 : i32
      %add3A_476 = arith.addi %mul3A_2, %add3A_323 : i32
      %shift_right_logical3A_477 = arith.constant 3 : i32
      %shift_right_logical3A_478 = arith.shrui %add3A_476, %shift_right_logical3A_477 : i32
      %and3A_479 = arith.constant 7 : i32
      %and3A_480 = arith.andi %add3A_476, %and3A_479 : i32
      %mul3A_481 = arith.constant 128 : i32
      %mul3A_482 = arith.muli %and3A_480, %mul3A_481 : i32
      "tpu.region"() ({
        %run_scoped3A = tpu.sem_alloc : memref<!tpu.dma_semaphore, #tpu.memory_space<semaphore_mem>>
        %dma_start3A_484 = arith.constant 0 : i32
        %dma_start3A_485 = tpu.memref_slice %arg8[%shift_right_logical3A_478, %dma_start3A_484, %mul3A_482] : memref<200x64x1024xf32, #tpu.memory_space<hbm>> -> memref<1x64x128xf32, #tpu.memory_space<hbm>>
        %dma_start3A_486 = tpu.memref_squeeze %dma_start3A_485 : memref<1x64x128xf32, #tpu.memory_space<hbm>> -> memref<64x128xf32, #tpu.memory_space<hbm>>
        %dma_start3A_487 = arith.constant 0 : i32
        %dma_start3A_488 = tpu.memref_slice %arg8[%shift_right_logical3A_478, %dma_start3A_487, %mul3A_482] : memref<200x64x1024xf32, #tpu.memory_space<hbm>> -> memref<1x64x128xf32, #tpu.memory_space<hbm>>
        %dma_start3A_489 = tpu.memref_squeeze %dma_start3A_488 : memref<1x64x128xf32, #tpu.memory_space<hbm>> -> memref<64x128xf32, #tpu.memory_space<hbm>>
        tpu.enqueue_dma source(%arg17 : memref<64x128xf32, #tpu.memory_space<vmem>>) target(%dma_start3A_489 : memref<64x128xf32, #tpu.memory_space<hbm>>) target_semaphore(%run_scoped3A : memref<!tpu.dma_semaphore, #tpu.memory_space<semaphore_mem>>)
        %dma_wait3A_490 = arith.constant 0 : i32
        %dma_wait3A_491 = tpu.memref_slice %arg8[%shift_right_logical3A_478, %dma_wait3A_490, %mul3A_482] : memref<200x64x1024xf32, #tpu.memory_space<hbm>> -> memref<1x64x128xf32, #tpu.memory_space<hbm>>
        %dma_wait3A_492 = tpu.memref_squeeze %dma_wait3A_491 : memref<1x64x128xf32, #tpu.memory_space<hbm>> -> memref<64x128xf32, #tpu.memory_space<hbm>>
        %dma_wait3A_493 = arith.constant 0 : i32
        %dma_wait3A_494 = tpu.memref_slice %arg8[%shift_right_logical3A_478, %dma_wait3A_493, %mul3A_482] : memref<200x64x1024xf32, #tpu.memory_space<hbm>> -> memref<1x64x128xf32, #tpu.memory_space<hbm>>
        %dma_wait3A_495 = tpu.memref_squeeze %dma_wait3A_494 : memref<1x64x128xf32, #tpu.memory_space<hbm>> -> memref<64x128xf32, #tpu.memory_space<hbm>>
        tpu.wait_dma2 semaphore(%run_scoped3A : memref<!tpu.dma_semaphore, #tpu.memory_space<semaphore_mem>>) src(%arg17 : memref<64x128xf32, #tpu.memory_space<vmem>>) dst(%dma_wait3A_495 : memref<64x128xf32, #tpu.memory_space<hbm>>)
        tpu.yield
      }) : () -> ()
      %scan3A_483 = arith.constant 0 : i32
      scf.yield %scan3A_483 : i32
    }
    %scan3A_160 = arith.constant 25 : i32
    return
  }
}

</mosaic_0001>

<sc_bundles>
// kernel: kernel.3.cloned.1.call-start
scs
__scs_entry_jumppad:
0x0: {  	(pc) =	sbr.rel $0x88, $3  }
0x1: {  	(tag) =	ssettag $0x0;
	lr =	simm.s32 $0x1  }
0x2: {  	[smem:$0x3F97] =	sst lr;
	_ =	strace $0xD0000000  }
0x3: {  	_ = 	snop  }
0x4: {  	_ = 	snop  }
0x5: {  	_ = 	snop  }
0x6: {  	_ = 	snop  }
0x7: {  	_ = 	snop  }
__scs_overlays_trampoline_lowered:
0x8: {  	[smem:$0x3FA6] =	sst s0  }
0x9: {  	[smem:$0x3FA7] =	sst s1  }
0xa: {  	[smem:$0x3FA8] =	sst s2  }
0xb: {  	[smem:$0x3FA9] =	sst s3  }
0xc: {  	[smem:$0x3FAA] =	sst s4  }
0xd: {  	[smem:$0x3FAB] =	sst s5  }
0xe: {  	[smem:$0x3FAC] =	sst s6  }
0xf: {  	[smem:$0x3FAD] =	sst s7  }
0x10: {  	[smem:$0x3FAE] =	sst s8  }
0x11: {  	[smem:$0x3FAF] =	sst s9;
	s0 =	simm.s32 @!p0 $0x0  }
0x12: {  	s1 =	sld [smem:$0x3F95];
	s0 =	simm.s32 @p0 $0x1  }
0x13: {  	[smem:$0x3FB0] =	sst s0;
	s0 =	simm.s32 @!p1 $0x0  }
0x14: {  	s2 =	sld [smem:$0x3F94];
	s0 =	simm.s32 @p1 $0x1  }
0x15: {  	[smem:$0x3FB1] =	sst s0;
	s0 =	simm.s32 @!p2 $0x0  }
0x16: {  	s3 =	sld [smem:$0x3FDB];
	s0 =	simm.s32 @p2 $0x1  }
0x17: {  	s4 =	simm.s32 $0x1BF5;
	[smem:$0x3FB3] =	sst s0  }
0x18: {  	s0 =	sld [smem:$0x3F96];
	_ =	swait.ge [sflag:s4], $0x0  }
0x19: {  	s7 =	sld [smem:$0x3F97]  }
0x1a: {  	s8 =	sadd.s32 $0xFFFFE003, lr  }
0x1b: {  	s9 =	sadd.s32 $0xFFFFFEF7, lr;
	s5 =	simm.s32 $0xFFFFFFFF;
	p2 =	slt.u32 s8, $0xFFFFF086  }
0x1c: {  	p1 =	slt.u32 s9, $0xF7A;
	s5 =	simm.s32 @!p2 $0x0  }
0x1d: {  	s5 =	simm.s32 @p1 $0x1;
	p0 =	seq.s32 s7, s2  }
0x1e: {  	s7 =	smul.u32 @!p0 $0xF7A, s2;
	p2 =	seq.s32 @!p0 s5, $0x0  }
0x1f: {  	s9 =	smul.u32 $0xF7A, s1;
	s8 =	simm.s32 @!p0 $0x1BF5;
	p2 =	por !p2, p0  }
0x20: {  	[sflag:s8] =	ssyncset.s32 @!p0 $0xFFFFF086;
	s6 =	sadd.s32 @!p0 s3, s7;
	s7 =	simm.s32 @!p0 $0x108  }
0x21: {  	s3 =	sadd.s32 s3, s9;
	s6 =	sadd.s32 @!p0 $0x88, s6;
	s7 =	simm.s32 @p2 $0x1082  }
0x22: {  	[simem:s7], [sflag:s8] =	dma.local @!p0 [hbm:s6], $0xF7A  }
0x23: {  	s9 =	sor.u32 $0xD0000000, s2;
	s6 =	simm.s32 $0x108;
	_ =	swait.ge @!p0 [sflag:s8], $0x0  }
0x24: {  	s3 =	sadd.s32 $0x88, s3;
	s6 =	simm.s32 @!p1 $0x1082;
	[sflag:s4] =	ssyncset.s32 $0xFFFFF086  }
0x25: {  	[simem:s6], [sflag:s4] =	dma.local [hbm:s3], $0xF7A  }
0x26: {  	[smem:$0x3F97] =	sst s1;
	(tag) =	ssettag s2;
	_ =	strace s9  }
0x27: {  	s1 =	sld [smem:$0x3FA7]  }
0x28: {  	s2 =	sld [smem:$0x3FA8]  }
0x29: {  	s4 =	sld [smem:$0x3FAA]  }
0x2a: {  	p0 =	seq.s32 s5, $0x0;
	s5 =	sld [smem:$0x3FAB]  }
0x2b: {  	s6 =	sld [smem:$0x3FAC]  }
0x2c: {  	s7 =	sld [smem:$0x3FAD]  }
0x2d: {  	s3 =	simm.s32 $0x108;
	s8 =	sld [smem:$0x3FAE]  }
0x2e: {  	s3 =	simm.s32 @!p0 $0x1082;
	s9 =	sld [smem:$0x3FAF]  }
0x2f: {  	lr =	sadd.s32 s0, s3;
	s0 =	sld [smem:$0x3FA6]  }
0x30: {  	s3 =	sld [smem:$0x3FA9]  }
0x31: {  	[smem:$0x3FB2] =	sst s10  }
0x32: {  	s10 =	sld [smem:$0x3FB0];
	_ =	sdelay $0x3  }
0x33: {  	p0 =	seq.s32 s10, $0x1;
	s10 =	sld [smem:$0x3FB2];
	_ =	sdelay $0x3  }
0x34: {  	[smem:$0x3FB2] =	sst s10  }
0x35: {  	s10 =	sld [smem:$0x3FB1];
	_ =	sdelay $0x3  }
0x36: {  	p1 =	seq.s32 s10, $0x1;
	s10 =	sld [smem:$0x3FB2];
	_ =	sdelay $0x3  }
0x37: {  	[smem:$0x3FB2] =	sst s10  }
0x38: {  	s10 =	sld [smem:$0x3FB3]  }
0x39: {  	_ = 	snop;
	(pc) =	sbr.ind lr, $3  }
0x3a: {  	_ = 	snop  }
0x3b: {  	_ = 	snop  }
0x3c: {  	p2 =	seq.s32 s10, $0x1;
	s10 =	sld [smem:$0x3FB2]  }
0x3d: {  	_ =	shalt  }
0x3e: {  	_ =	shalt  }
0x3f: {  	_ =	shalt  }
0x40: {  	_ =	shalt  }
0x41: {  	_ =	shalt  }
0x42: {  	_ =	shalt  }
0x43: {  	_ =	shalt  }
0x44: {  	_ =	shalt  }
0x45: {  	_ =	shalt  }
0x46: {  	_ =	shalt  }
0x47: {  	_ =	shalt  }
0x48: {  	_ =	shalt  }
0x49: {  	_ =	shalt  }
0x4a: {  	_ =	shalt  }
0x4b: {  	_ =	shalt  }
0x4c: {  	_ =	shalt  }
0x4d: {  	_ =	shalt  }
0x4e: {  	_ =	shalt  }
0x4f: {  	_ =	shalt  }
0x50: {  	_ =	shalt  }
0x51: {  	_ =	shalt  }
0x52: {  	_ =	shalt  }
0x53: {  	_ =	shalt  }
0x54: {  	_ =	shalt  }
0x55: {  	_ =	shalt  }
0x56: {  	_ =	shalt  }
0x57: {  	_ =	shalt  }
0x58: {  	_ =	shalt  }
0x59: {  	_ =	shalt  }
0x5a: {  	_ =	shalt  }
0x5b: {  	_ =	shalt  }
0x5c: {  	_ =	shalt  }
0x5d: {  	_ =	shalt  }
0x5e: {  	_ =	shalt  }
0x5f: {  	_ =	shalt  }
0x60: {  	_ =	shalt  }
0x61: {  	_ =	shalt  }
0x62: {  	_ =	shalt  }
0x63: {  	_ =	shalt  }
0x64: {  	_ =	shalt  }
0x65: {  	_ =	shalt  }
0x66: {  	_ =	shalt  }
0x67: {  	_ =	shalt  }
0x68: {  	_ =	shalt  }
0x69: {  	_ =	shalt  }
0x6a: {  	_ =	shalt  }
0x6b: {  	_ =	shalt  }
0x6c: {  	_ =	shalt  }
0x6d: {  	_ =	shalt  }
0x6e: {  	_ =	shalt  }
0x6f: {  	_ =	shalt  }
0x70: {  	_ =	shalt  }
0x71: {  	_ =	shalt  }
0x72: {  	_ =	shalt  }
0x73: {  	_ =	shalt  }
0x74: {  	_ =	shalt  }
0x75: {  	_ =	shalt  }
0x76: {  	_ =	shalt  }
0x77: {  	_ =	shalt  }
0x78: {  	_ =	shalt  }
0x79: {  	_ =	shalt  }
0x7a: {  	_ =	shalt  }
0x7b: {  	_ =	shalt  }
0x7c: {  	_ =	shalt  }
0x7d: {  	_ =	shalt  }
0x7e: {  	_ =	shalt  }
0x7f: {  	_ =	shalt  }
0x80: {  	_ =	shalt  }
0x81: {  	_ =	shalt  }
0x82: {  	_ =	shalt  }
0x83: {  	_ =	shalt  }
0x84: {  	_ =	shalt  }
0x85: {  	_ =	shalt  }
0x86: {  	_ =	shalt  }
0x87: {  	_ =	shalt  }
.Lfunc_end0:
.L_simem_size_0:
called_computation_lowered:
.L_overlay_start_0:
0x88: {  	s2 =	sld [smem:$0x3FD9]  }
0x89: {  	s3 =	sld [smem:$0x3FFE];
	_ =	sdelay $0x1  }
0x8a: {  	s1 =	srdreg.scid  }
0x8b: {  	s0 =	sand.u32 $0x1, s1  }
0x8c: {  	s17 =	sshll.u32 s0, $0xA;
	s2 =	sadd.s32 s3, s2  }
0x8d: {  	s2 =	sadd.s32 s2, s17  }
0x8e: {  	[smem:$0x3FBE] =	sst s2  }
0x8f: {  	_ = 	snop  }
0x90: {  	s2 =	sld [smem:$0x3FD0];
	(tm) =	ssettm $0x1  }
0x91: {  	s18 =	sld [smem:$0x3FFB];
	_ =	sdelay $0x3  }
0x92: {  	_ =	strace s18  }
0x93: {  	s3 =	sld [smem:$0x3FFC];
	_ =	sdelay $0x3  }
0x94: {  	_ =	strace s3  }
0x95: {  	s3 =	sld [smem:$0x3FFD];
	_ =	sdelay $0x3  }
0x96: {  	_ =	strace s3  }
0x97: {  	_ =	strace $0x8FFFFFFF  }
0x98: {  	s19 =	sld [smem:$0x3FDB];
	_ =	sdelay $0x1  }
0x99: {  	s4 =	simm.s32 $_scs_section_size  }
0x9a: {  	s5 =	simm.s32 $_size__tile_overlayer_lowered;
	s6 =	simm.s32 $_tile_overlayer_lowered  }
0x9b: {  	s22 =	simm.s32 $0x1BFF;
	s21 =	sshll.u32 s6, $0x1;
	s3 =	sadd.s32 s4, s19  }
0x9c: {  	s7 =	simm.s32 $0x0;
	s20 =	sshll.u32 s5, $0x1;
	s5 =	sadd.s32 s21, s3  }
0x9d: {  	[timem:s7], [sflag:s22] =	dma.local [hbm:s5], s20  }
0x9e: {  	_ =	swait.ge [sflag:s22], s20  }
0x9f: {  	s4 =	ssub.s32 $0x0, s20;
	[sflag:s22] =	ssyncset.done $0x0  }
0xa0: {  	[sflag:s22] =	ssyncadd.s32 s4;
	_ =	sdelay $0x1  }
0xa1: {  	s23 =	simm.s32 $0x1B8B  }
0xa2: {  	_ =	swait.ge [sflag:s23], $0x1  }
0xa3: {  	[sflag:s23] =	ssyncset.done $0x0  }
0xa4: {  	s25 =	simm.s32 $0x1B8E;
	s24 =	sld [smem:$0x3FFE];
	[sflag:s23] =	ssyncadd.s32 $0xFFFFFFFF  }
0xa5: {  	s26 =	simm.s32 $execute0_lowered;
	[smem:$0x3FD2] =	sst s25  }
0xa6: {  	s5 =	sshll.u32 s26, $0x1;
	_ =	strace $0x80000046;
	[dreg:$0x1] =	wrdreg $0xFFFFFFFF  }
0xa7: {  	s28 =	simm.s32 $_size_execute0_lowered;
	s3 =	sadd.s32 s3, s5;
	[dreg:$0x0] =	wrdreg $0x0  }
0xa8: {  	s5 =	sshll.u32 s28, $0x1;
	[dreg:$0x2] =	wrdreg s3  }
0xa9: {  	[dreg:$0x3] =	wrdreg s5  }
0xaa: {  	[dreg:$0x4] =	wrdreg $0xC0  }
0xab: {  	_ =	task [dreg:s7], $0x5FFFF  }
0xac: {  	[dreg:$0x1] =	wrdreg $0xFFFFFFFF  }
0xad: {  	[dreg:$0x0] =	wrdreg $0x60  }
0xae: {  	[dreg:$0x2] =	wrdreg s24  }
0xaf: {  	[dreg:$0x3] =	wrdreg s2  }
0xb0: {  	[dreg:$0x4] =	wrdreg $0x9  }
0xb1: {  	_ =	task.clear_ibuf [dreg:s7], $0x5FFFF;
	_ =	strace $0x90000046  }
0xb2: {  	s29 =	simm.s32 $0x9;
	_ =	strace $0x80000048  }
0xb3: {  	_ =	swait.ge [sflag:s29], $0x1  }
0xb4: {  	[sflag:s29] =	ssyncadd.s32 $0xFFFFFFFF  }
0xb5: {  	_ =	strace $0x90000048  }
0xb6: {  	_ =	sfence  }
0xb7: {  	s30 =	sld [smem:$0x0];
	_ =	sdelay $0x2  }
0xb8: {  	s31 =	sshll.u32 s1, $0xD;
	s1 =	sshrl.u32 s1, $0x2  }
0xb9: {  	s3 =	sand.u32 $0x4000, s31;
	s1 =	sadd.s32 s1, s30  }
0xba: {  	s0 =	sor.u32 s3, s0;
	s1 =	sshll.u32 s1, $0x11  }
0xbb: {  	s0 =	sor.u32 s1, s0  }
0xbc: {  	s0 =	sadd.s32 $0x8F2B, s0  }
0xbd: {  	[sflag:s0] =	ssyncadd.remote.s32 $0x1  }
0xbe: {  	_ =	sfence.sel $0xFFFF  }
0xbf: {  	[dreg:$0x0] =	wrdreg $0xFFFFFFFF;
	(pc) =	sbr.abs _section_cstart, $3  }
0xc0: {  	[dreg:$0x1] =	wrdreg $0xFFFFFFFF  }
0xc1: {  	_ =	task.clear_ibuf [dreg:s7], $0x2FFFF;
	_ =	strace $0x9FFFFFFF  }
0xc2: {  	(tm) =	ssettm $0x7FFFFFFF  }
0xc3: {  	_ =	shalt  }
tec
execute0_lowered:
.L_overlay_start_1:
0x0: {  	(tag) =	ssettag $0x1  }
0x1: {  	s0 =	rddreg [dreg:$0x0];
	s1 =	simm.s32 $0x0  }
0x2: {  	s23 =	srdreg.scid;
	s2 =	stileid.u32;
	s14 =	simm.s32 $0x4  }
0x3: {  	s15 =	simm.s32 $0xE00;
	s16 =	simm.s32 $0x80;
	s18 =	simm.s32 $0x3220  }
0x4: {  	s20 =	simm.s32 $0x5220;
	s22 =	simm.s32 $0x7220;
	s28 =	simm.s32 $0x400  }
0x5: {  	s13 =	simm.s32 $0x1;
	s21 =	simm.s32 $0x1010;
	s29 =	simm.s32 $0xD220  }
0x6: {  	s31 =	simm.s32 $0xF220;
	s30 =	simm.s32 $0x3;
	[smem:$0x7FF] =	sst s1  }
0x7: {  	s1 =	sand.u32 $0x1, s23;
	s2 =	sshll.u32 s2, $0x1;
	s5 =	sadd.s32 $0xF45600, s0  }
0x8: {  	s4 =	sadd.s32 $0x3000, s0;
	s6 =	sadd.s32 $0x5A800, s0;
	s7 =	sadd.s32 $0x11FE00, s0  }
0x9: {  	s8 =	sadd.s32 $0x11DE00, s0;
	s9 =	sadd.s32 $0x121E00, s0;
	s2 =	sor.u32 s1, s2  }
0xa: {  	s23 =	simm.s32 $0x9220;
	s24 =	ssub.s32 $0x2, s1;
	s11 =	smul.u32 $0x2BC0, s2  }
0xb: {  	_ =	strace $0x80000047;
	s3 =	smul.u32 $0x15E00, s2;
	s1 =	sshrl.u32 s24, $0x1  }
0xc: {  	s10 =	smul.u32 $0x32, s2;
	s0 =	ssub.s32 s24, s1;
	s26 =	sadd.s32 s4, s11  }
0xd: {  	v2 =	vlaneseq.u32;
	s3 =	sshrl.u32 s3, $0x3;
	s0 =	smax.u32 s0, $0x1;
	[dreg:$0x3] =	wrdreg s26  }
0xe: {  	v0 =	vmul.u32 $0x80, v2;
	s24 =	simm.s32 $0x2;
	s25 =	sadd.s32 s4, s3;
	[dreg:$0x5] =	wrdreg s0  }
0xf: {  	v1 =	vimm.f32 $1.000000000e+00;
	v3 =	vimm.f32 $0.0e+00;
	v2 =	vmul.u32 $0x4, v2;
	s3 =	simm.s32 $0x13220;
	s26 =	simm.s32 $0x15220;
	s1 =	sadd.s32 $0xE0, s25  }
0x10: {  	v4 =	vor.u32 $0x800, v0;
	v5 =	vor.u32 $0x1000, v0;
	v6 =	vor.u32 $0x1800, v0;
	s25 =	simm.s32 $0xB220;
	[dreg:$0x4] =	wrdreg s1;
	s1 =	simm.s32 $0x0  }
.LBB2_1:
0x11: {  	[dreg:$0x6] =	wrdreg s1  }
0x12: {  	s0 =	simm.s32 $0x0;
	s17 =	rddreg [dreg:$0x3]  }
0x13: {  	[tilespmem:s0], [sflag:$0x4] =	stream.linear.gather [hbm4b:s17+s0], $0x700, $0x38;
	[tilespmem:$0x17220] =	vst v63  }
0x14: {  	_ =	swait.ge [sflag:s14], $0x700  }
0x15: {  	[sflag:s14] =	ssyncset.done $0x0  }
0x16: {  	s19 =	simm.s32 $0x100;
	[sflag:s14] =	ssyncadd.s32 $0xFFFFF900  }
0x17: {  	v7 =	vld [tilespmem:s19+$0xFFFFFF00]  }
0x18: {  	v8 =	vld [tilespmem:s19+$0xFFFFFF80];
	_ =	sdelay $0x1  }
0x19: {  	v9 =	vld [tilespmem:s19+$0x0];
	_ =	sdelay $0x1  }
0x1a: {  	v10 =	vld [tilespmem:s19+$0x80]  }
0x1b: {  	vm0 =	veq.s32 v7, $0x0;
	vm1 =	veq.s32 v8, $0x0  }
0x1c: {  	v7 =	vsel vm0, $0x0, v1;
	v8 =	vsel vm1, $0x0, v1  }
0x1d: {  	vm14 =	veq.s32 v9, $0x0;
	v11 =	vadd.f32 v8, v7  }
0x1e: {  	v9 =	vsel vm14, $0x0, v1  }
0x1f: {  	vm15 =	veq.s32 v10, $0x0;
	v11 =	vadd.f32 v9, v11  }
0x20: {  	v10 =	vsel vm15, $0x0, v1  }
0x21: {  	v11 =	vadd.f32 v10, v11;
	_ =	sdelay $0x1  }
0x22: {  	v11 =	vmax.f32 v11, $1.000000000e+00  }
0x23: {  	(erf) = vrcp.f32 v11;
	_ =	sdelay $0x4  }
0x24: {  	v11 =	vmov s0  }
0x25: {  	v11 =	vshll.u32 v11, $0x2  }
0x26: {  	v11 =	vor.u32 v2, v11;
	_ =	sdelay $0x1  }
0x27: {  	v12 =	vor.u32 $0x1, v11;
	v14 =	vpop (erf)  }
0x28: {  	v13 =	vor.u32 $0x2, v11;
	v7 =	vmul.f32 v14, v7;
	_ =	sdelay $0x1  }
0x29: {  	v8 =	vmul.f32 v14, v8;
	[tilespmem:v11+s15+$0x0] =	vst.idx.msk $0xffff, v7;
	v7 =	vor.u32 $0x3, v11  }
0x2a: {  	v9 =	vmul.f32 v14, v9  }
0x2b: {  	[tilespmem:v12+s15+$0x0] =	vst.idx.msk $0xffff, v8  }
0x2c: {  	s1 =	simm.s32 $0x100;
	s0 =	simm.s32 $0x10;
	v8 =	vmul.f32 v14, v10;
	[tilespmem:v13+s15+$0x0] =	vst.idx.msk $0xffff, v9  }
.LBB2_2:
0x2d: {  	p0 =	sne.s32 s0, $0x70  }
0x2e: {  	[tilespmem:v7+s15+$0x0] =	vst.idx.msk $0xffff, v8;
	s1 =	sadd.s32 $0x10, s1;
	s2 =	smov.u32 s0;
	s0 =	sadd.s32 $0x10, s0  }
0x2f: {  	v7 =	vld [tilespmem:s1+$0xFFFFFF00]  }
0x30: {  	v8 =	vld [tilespmem:s1+$0xFFFFFF80];
	_ =	sdelay $0x1  }
0x31: {  	v9 =	vld [tilespmem:s1+$0x0];
	_ =	sdelay $0x1  }
0x32: {  	vm0 =	veq.s32 v7, $0x0;
	v7 =	vld [tilespmem:s1+$0x80]  }
0x33: {  	vm1 =	veq.s32 v8, $0x0  }
0x34: {  	v8 =	vsel vm0, $0x0, v1;
	v10 =	vsel vm1, $0x0, v1  }
0x35: {  	v11 =	vadd.f32 v10, v8;
	vm0 =	veq.s32 v9, $0x0  }
0x36: {  	v9 =	vsel vm0, $0x0, v1  }
0x37: {  	v11 =	vadd.f32 v9, v11;
	vm0 =	veq.s32 v7, $0x0  }
0x38: {  	v12 =	vsel vm0, $0x0, v1  }
0x39: {  	v7 =	vadd.f32 v12, v11;
	_ =	sdelay $0x1  }
0x3a: {  	v7 =	vmax.f32 v7, $1.000000000e+00  }
0x3b: {  	(erf) = vrcp.f32 v7;
	_ =	sdelay $0x4  }
0x3c: {  	v7 =	vmov s2  }
0x3d: {  	v7 =	vshll.u32 v7, $0x2  }
0x3e: {  	v11 =	vor.u32 v2, v7  }
0x3f: {  	v13 =	vor.u32 $0x1, v11  }
0x40: {  	v14 =	vor.u32 $0x2, v11;
	v15 =	vpop (erf)  }
.Ltmp0:
0x41: {  	v7 =	vor.u32 $0x3, v11;
	v8 =	vmul.f32 v15, v8;
	v10 =	vmul.f32 v15, v10;
	(pc) =	sbr.rel @p0 .LBB2_2-.Ltmp0, $4  }
0x42: {  	_ = 	snop  }
0x43: {  	v9 =	vmul.f32 v15, v9;
	[tilespmem:v11+s15+$0x0] =	vst.idx.msk $0xffff, v8  }
0x44: {  	v8 =	vmul.f32 v15, v12;
	[tilespmem:v13+s15+$0x0] =	vst.idx.msk $0xffff, v10  }
0x45: {  	[tilespmem:v14+s15+$0x0] =	vst.idx.msk $0xffff, v9  }
0x46: {  	_ =	sdelay $0x3  }
0x47: {  	[tilespmem:v7+s15+$0x0] =	vst.idx.msk $0xffff, v8;
	s0 =	simm.s32 $0x0;
	s1 =	simm.s32 $0x100  }
.LBB2_4:
0x48: {  	p0 =	sne.s32 s1, $0x7F00;
	[tilespmem:s0+$0x11250] =	vst v3  }
0x49: {  	[tilespmem:s0+$0x1220] =	vst v3  }
0x4a: {  	[tilespmem:s0+$0x3220] =	vst v3  }
0x4b: {  	[tilespmem:s0+$0x5220] =	vst v3  }
0x4c: {  	[tilespmem:s0+$0x7220] =	vst v3  }
0x4d: {  	[tilespmem:s0+$0x11220] =	vst v3  }
0x4e: {  	[tilespmem:s0+$0x1230] =	vst v3  }
0x4f: {  	[tilespmem:s0+$0x3230] =	vst v3  }
0x50: {  	[tilespmem:s0+$0x5230] =	vst v3  }
0x51: {  	[tilespmem:s0+$0x7230] =	vst v3  }
0x52: {  	[tilespmem:s0+$0x11230] =	vst v3  }
0x53: {  	[tilespmem:s0+$0x1240] =	vst v3  }
0x54: {  	[tilespmem:s0+$0x3240] =	vst v3  }
0x55: {  	[tilespmem:s0+$0x5240] =	vst v3  }
0x56: {  	[tilespmem:s0+$0x7240] =	vst v3  }
.Ltmp1:
0x57: {  	[tilespmem:s0+$0x11240] =	vst v3;
	(pc) =	sbr.rel @p0 .LBB2_4-.Ltmp1, $4  }
0x58: {  	[tilespmem:s0+$0x1250] =	vst v3  }
0x59: {  	[tilespmem:s0+$0x3250] =	vst v3  }
0x5a: {  	[tilespmem:s0+$0x5250] =	vst v3  }
0x5b: {  	[tilespmem:s0+$0x7250] =	vst v3;
	s0 =	sshra.s32 s1, $0x2;
	s1 =	sadd.s32 $0x100, s1  }
0x5c: {  	[tilespmem:s0+$0x11250] =	vst v3  }
0x5d: {  	[tilespmem:s0+$0x1220] =	vst v3  }
0x5e: {  	[tilespmem:s0+$0x3220] =	vst v3  }
0x5f: {  	[tilespmem:s0+$0x5220] =	vst v3  }
0x60: {  	[tilespmem:s0+$0x7220] =	vst v3  }
0x61: {  	[tilespmem:s0+$0x11220] =	vst v3  }
0x62: {  	[tilespmem:s0+$0x1230] =	vst v3  }
0x63: {  	[tilespmem:s0+$0x3230] =	vst v3  }
0x64: {  	[tilespmem:s0+$0x5230] =	vst v3  }
0x65: {  	[tilespmem:s0+$0x7230] =	vst v3  }
0x66: {  	[tilespmem:s0+$0x11230] =	vst v3  }
0x67: {  	[tilespmem:s0+$0x1240] =	vst v3  }
0x68: {  	[tilespmem:s0+$0x3240] =	vst v3  }
0x69: {  	[tilespmem:s0+$0x5240] =	vst v3  }
0x6a: {  	[tilespmem:s0+$0x7240] =	vst v3  }
0x6b: {  	[tilespmem:s0+$0x11240] =	vst v3  }
0x6c: {  	[tilespmem:s0+$0x1250] =	vst v3  }
0x6d: {  	[tilespmem:s0+$0x3250] =	vst v3  }
0x6e: {  	[tilespmem:s0+$0x5250] =	vst v3  }
0x6f: {  	[tilespmem:s0+$0x7250] =	vst v3;
	s11 =	simm.s32 $0x0;
	s0 =	simm.s32 $0x1220  }
0x70: {  	[tilespmem:s0], [sflag:$0x2] =	stream.indirect.gather.add.f32 [hbm:s5], $0x40, s11, s16, $0xb8;
	[tilespmem:$0x17220] =	vst v63  }
0x71: {  	_ = 	snop  }
0x72: {  	[tilespmem:s18], [sflag:$0x2] =	stream.indirect.gather.add.f32 [hbm:s5], $0x40, s16, s16, $0xb8;
	[tilespmem:$0x17220] =	vst v63  }
0x73: {  	s1 =	simm.s32 $0x100  }
0x74: {  	[tilespmem:s20], [sflag:$0x2] =	stream.indirect.gather.add.f32 [hbm:s5], $0x40, s1, s16, $0xb8;
	[tilespmem:$0x17220] =	vst v63  }
0x75: {  	s19 =	simm.s32 $0x180  }
0x76: {  	[tilespmem:s22], [sflag:$0x2] =	stream.indirect.gather.add.f32 [hbm:s5], $0x40, s19, s16, $0xb8;
	[tilespmem:$0x17220] =	vst v63  }
0x77: {  	s2 =	simm.s32 $0x200  }
0x78: {  	[tilespmem:s0], [sflag:$0x2] =	stream.indirect.gather.add.f32 [hbm:s6], $0x40, s2, s16, $0xb8;
	[tilespmem:$0x17220] =	vst v63  }
0x79: {  	s12 =	simm.s32 $0x280  }
0x7a: {  	[tilespmem:s18], [sflag:$0x2] =	stream.indirect.gather.add.f32 [hbm:s6], $0x40, s12, s16, $0xb8;
	[tilespmem:$0x17220] =	vst v63  }
0x7b: {  	s17 =	simm.s32 $0x300  }
0x7c: {  	[tilespmem:s20], [sflag:$0x2] =	stream.indirect.gather.add.f32 [hbm:s6], $0x40, s17, s16, $0xb8;
	[tilespmem:$0x17220] =	vst v63  }
0x7d: {  	s19 =	simm.s32 $0x380  }
0x7e: {  	[tilespmem:s22], [sflag:$0x2] =	stream.indirect.gather.add.f32 [hbm:s6], $0x40, s19, s16, $0xb8;
	[tilespmem:$0x17220] =	vst v63  }
0x7f: {  	_ = 	snop  }
0x80: {  	[tilespmem:s0], [sflag:$0x2] =	stream.indirect.gather.add.f32 [hbm:s7], $0x40, s28, s16, $0xb8;
	[tilespmem:$0x17220] =	vst v63  }
0x81: {  	s1 =	simm.s32 $0x480  }
0x82: {  	[tilespmem:s18], [sflag:$0x2] =	stream.indirect.gather.add.f32 [hbm:s7], $0x40, s1, s16, $0xb8;
	[tilespmem:$0x17220] =	vst v63  }
0x83: {  	s2 =	simm.s32 $0x500  }
0x84: {  	[tilespmem:s20], [sflag:$0x2] =	stream.indirect.gather.add.f32 [hbm:s7], $0x40, s2, s16, $0xb8;
	[tilespmem:$0x17220] =	vst v63  }
0x85: {  	s12 =	simm.s32 $0x580  }
0x86: {  	[tilespmem:s22], [sflag:$0x2] =	stream.indirect.gather.add.f32 [hbm:s7], $0x40, s12, s16, $0xb8;
	[tilespmem:$0x17220] =	vst v63  }
0x87: {  	s17 =	rddreg [dreg:$0x1];
	s19 =	simm.s32 $0x600;
	s2 =	simm.s32 $0x11220  }
0x88: {  	[tilespmem:s2], [sflag:$0x2] =	stream.indirect.gather.add.f32 [hbm:s17], $0x40, s19, s16, $0xb8;
	[tilespmem:$0x17220] =	vst v63  }
0x89: {  	s12 =	simm.s32 $0x680  }
0x8a: {  	[tilespmem:s2], [sflag:$0x2] =	stream.indirect.gather.add.f32 [hbm:s8], $0x40, s12, s16, $0xb8;
	[tilespmem:$0x17220] =	vst v63  }
0x8b: {  	s17 =	rddreg [dreg:$0x4];
	s19 =	simm.s32 $0x700  }
0x8c: {  	[tilespmem:s19], [sflag:$0x1] =	stream.linear.gather [hbm4b:s17+s11], $0x700, $0x38;
	[tilespmem:$0x17220] =	vst v63  }
0x8d: {  	s11 =	simm.s32 $0x0  }
.LBB2_6:
0x8e: {  	_ =	swait.ge [sflag:s13], $0x700  }
0x8f: {  	[sflag:s13] =	ssyncset.done $0x0  }
0x90: {  	s0 =	simm.s32 $0x800;
	[sflag:s13] =	ssyncadd.s32 $0xFFFFF900  }
0x91: {  	v7 =	vld [tilespmem:s0+$0xFFFFFF00]  }
0x92: {  	v8 =	vld [tilespmem:s0+$0xFFFFFF80];
	_ =	sdelay $0x1  }
0x93: {  	v9 =	vld [tilespmem:s0+$0x0];
	_ =	sdelay $0x1  }
0x94: {  	v10 =	vld [tilespmem:s0+$0x80]  }
0x95: {  	vm0 =	veq.s32 v7, $0x0;
	vm1 =	veq.s32 v8, $0x0  }
0x96: {  	v7 =	vsel vm0, $0x0, v1;
	v8 =	vsel vm1, $0x0, v1  }
0x97: {  	vm14 =	veq.s32 v9, $0x0;
	v11 =	vadd.f32 v8, v7  }
0x98: {  	v9 =	vsel vm14, $0x0, v1  }
0x99: {  	vm15 =	veq.s32 v10, $0x0;
	v11 =	vadd.f32 v9, v11  }
0x9a: {  	v10 =	vsel vm15, $0x0, v1  }
0x9b: {  	v11 =	vadd.f32 v10, v11;
	_ =	sdelay $0x1  }
0x9c: {  	v11 =	vmax.f32 v11, $1.000000000e+00  }
0x9d: {  	(erf) = vrcp.f32 v11;
	_ =	sdelay $0x3  }
0x9e: {  	s1 =	simm.s32 $0x0  }
0x9f: {  	v11 =	vmov s1  }
0xa0: {  	v11 =	vshll.u32 v11, $0x2  }
0xa1: {  	v11 =	vor.u32 v2, v11;
	_ =	sdelay $0x1  }
0xa2: {  	v12 =	vor.u32 $0x1, v11;
	v14 =	vpop (erf)  }
0xa3: {  	v13 =	vor.u32 $0x2, v11;
	v7 =	vmul.f32 v14, v7;
	_ =	sdelay $0x1  }
0xa4: {  	v8 =	vmul.f32 v14, v8;
	[tilespmem:v11+s21+$0x0] =	vst.idx.msk $0xffff, v7;
	v7 =	vor.u32 $0x3, v11  }
0xa5: {  	v9 =	vmul.f32 v14, v9  }
0xa6: {  	[tilespmem:v12+s21+$0x0] =	vst.idx.msk $0xffff, v8  }
0xa7: {  	s1 =	simm.s32 $0x10;
	v8 =	vmul.f32 v14, v10;
	[tilespmem:v13+s21+$0x0] =	vst.idx.msk $0xffff, v9  }
.LBB2_7:
0xa8: {  	p0 =	sne.s32 s1, $0x70  }
0xa9: {  	[tilespmem:v7+s21+$0x0] =	vst.idx.msk $0xffff, v8;
	s0 =	sadd.s32 $0x10, s0;
	s2 =	smov.u32 s1;
	s1 =	sadd.s32 $0x10, s1  }
0xaa: {  	v7 =	vld [tilespmem:s0+$0xFFFFFF00]  }
0xab: {  	v8 =	vld [tilespmem:s0+$0xFFFFFF80];
	_ =	sdelay $0x1  }
0xac: {  	v9 =	vld [tilespmem:s0+$0x0];
	_ =	sdelay $0x1  }
0xad: {  	vm0 =	veq.s32 v7, $0x0;
	v7 =	vld [tilespmem:s0+$0x80]  }
0xae: {  	vm1 =	veq.s32 v8, $0x0  }
0xaf: {  	v8 =	vsel vm0, $0x0, v1;
	v10 =	vsel vm1, $0x0, v1  }
0xb0: {  	v11 =	vadd.f32 v10, v8;
	vm0 =	veq.s32 v9, $0x0  }
0xb1: {  	v9 =	vsel vm0, $0x0, v1  }
0xb2: {  	v11 =	vadd.f32 v9, v11;
	vm0 =	veq.s32 v7, $0x0  }
0xb3: {  	v12 =	vsel vm0, $0x0, v1  }
0xb4: {  	v7 =	vadd.f32 v12, v11;
	_ =	sdelay $0x1  }
0xb5: {  	v7 =	vmax.f32 v7, $1.000000000e+00  }
0xb6: {  	(erf) = vrcp.f32 v7;
	_ =	sdelay $0x4  }
0xb7: {  	v7 =	vmov s2  }
0xb8: {  	v7 =	vshll.u32 v7, $0x2  }
0xb9: {  	v11 =	vor.u32 v2, v7  }
0xba: {  	v13 =	vor.u32 $0x1, v11  }
0xbb: {  	v14 =	vor.u32 $0x2, v11;
	v15 =	vpop (erf)  }
.Ltmp2:
0xbc: {  	v7 =	vor.u32 $0x3, v11;
	v8 =	vmul.f32 v15, v8;
	v10 =	vmul.f32 v15, v10;
	(pc) =	sbr.rel @p0 .LBB2_7-.Ltmp2, $4  }
0xbd: {  	_ = 	snop  }
0xbe: {  	v9 =	vmul.f32 v15, v9;
	[tilespmem:v11+s21+$0x0] =	vst.idx.msk $0xffff, v8  }
0xbf: {  	v8 =	vmul.f32 v15, v12;
	[tilespmem:v13+s21+$0x0] =	vst.idx.msk $0xffff, v10  }
0xc0: {  	[tilespmem:v14+s21+$0x0] =	vst.idx.msk $0xffff, v9  }
0xc1: {  	_ =	sdelay $0x3  }
0xc2: {  	[tilespmem:v7+s21+$0x0] =	vst.idx.msk $0xffff, v8;
	s0 =	simm.s32 $0x0;
	s1 =	simm.s32 $0x100  }
.LBB2_9:
0xc3: {  	p0 =	sne.s32 s1, $0x7F00;
	[tilespmem:s0+$0x13250] =	vst v3  }
0xc4: {  	[tilespmem:s0+$0x9220] =	vst v3  }
0xc5: {  	[tilespmem:s0+$0xB220] =	vst v3  }
0xc6: {  	[tilespmem:s0+$0xD220] =	vst v3  }
0xc7: {  	[tilespmem:s0+$0xF220] =	vst v3  }
0xc8: {  	[tilespmem:s0+$0x13220] =	vst v3  }
0xc9: {  	[tilespmem:s0+$0x9230] =	vst v3  }
0xca: {  	[tilespmem:s0+$0xB230] =	vst v3  }
0xcb: {  	[tilespmem:s0+$0xD230] =	vst v3  }
0xcc: {  	[tilespmem:s0+$0xF230] =	vst v3  }
0xcd: {  	[tilespmem:s0+$0x13230] =	vst v3  }
0xce: {  	[tilespmem:s0+$0x9240] =	vst v3  }
0xcf: {  	[tilespmem:s0+$0xB240] =	vst v3  }
0xd0: {  	[tilespmem:s0+$0xD240] =	vst v3  }
0xd1: {  	[tilespmem:s0+$0xF240] =	vst v3  }
.Ltmp3:
0xd2: {  	[tilespmem:s0+$0x13240] =	vst v3;
	(pc) =	sbr.rel @p0 .LBB2_9-.Ltmp3, $4  }
0xd3: {  	[tilespmem:s0+$0x9250] =	vst v3  }
0xd4: {  	[tilespmem:s0+$0xB250] =	vst v3  }
0xd5: {  	[tilespmem:s0+$0xD250] =	vst v3  }
0xd6: {  	[tilespmem:s0+$0xF250] =	vst v3;
	s0 =	sshra.s32 s1, $0x2;
	s1 =	sadd.s32 $0x100, s1  }
0xd7: {  	[tilespmem:s0+$0x13250] =	vst v3  }
0xd8: {  	[tilespmem:s0+$0x9220] =	vst v3  }
0xd9: {  	[tilespmem:s0+$0xB220] =	vst v3  }
0xda: {  	[tilespmem:s0+$0xD220] =	vst v3  }
0xdb: {  	[tilespmem:s0+$0xF220] =	vst v3  }
0xdc: {  	[tilespmem:s0+$0x13220] =	vst v3  }
0xdd: {  	[tilespmem:s0+$0x9230] =	vst v3  }
0xde: {  	[tilespmem:s0+$0xB230] =	vst v3  }
0xdf: {  	[tilespmem:s0+$0xD230] =	vst v3  }
0xe0: {  	[tilespmem:s0+$0xF230] =	vst v3  }
0xe1: {  	[tilespmem:s0+$0x13230] =	vst v3  }
0xe2: {  	[tilespmem:s0+$0x9240] =	vst v3  }
0xe3: {  	[tilespmem:s0+$0xB240] =	vst v3  }
0xe4: {  	[tilespmem:s0+$0xD240] =	vst v3  }
0xe5: {  	[tilespmem:s0+$0xF240] =	vst v3  }
0xe6: {  	[tilespmem:s0+$0x13240] =	vst v3  }
0xe7: {  	[tilespmem:s0+$0x9250] =	vst v3  }
0xe8: {  	[tilespmem:s0+$0xB250] =	vst v3  }
0xe9: {  	[tilespmem:s0+$0xD250] =	vst v3  }
0xea: {  	[tilespmem:s0+$0xF250] =	vst v3;
	s1 =	simm.s32 $0x700  }
0xeb: {  	[tilespmem:s23], [sflag:$0x3] =	stream.indirect.gather.add.f32 [hbm:s5], $0x40, s1, s16, $0xb8;
	[tilespmem:$0x17220] =	vst v63  }
0xec: {  	s2 =	simm.s32 $0x780  }
0xed: {  	[tilespmem:s25], [sflag:$0x3] =	stream.indirect.gather.add.f32 [hbm:s5], $0x40, s2, s16, $0xb8;
	[tilespmem:$0x17220] =	vst v63  }
0xee: {  	s12 =	simm.s32 $0x800  }
0xef: {  	[tilespmem:s29], [sflag:$0x3] =	stream.indirect.gather.add.f32 [hbm:s5], $0x40, s12, s16, $0xb8;
	[tilespmem:$0x17220] =	vst v63  }
0xf0: {  	s17 =	simm.s32 $0x880  }
0xf1: {  	[tilespmem:s31], [sflag:$0x3] =	stream.indirect.gather.add.f32 [hbm:s5], $0x40, s17, s16, $0xb8;
	[tilespmem:$0x17220] =	vst v63  }
0xf2: {  	s19 =	simm.s32 $0x900  }
0xf3: {  	[tilespmem:s23], [sflag:$0x3] =	stream.indirect.gather.add.f32 [hbm:s6], $0x40, s19, s16, $0xb8;
	[tilespmem:$0x17220] =	vst v63  }
0xf4: {  	s1 =	simm.s32 $0x980  }
0xf5: {  	[tilespmem:s25], [sflag:$0x3] =	stream.indirect.gather.add.f32 [hbm:s6], $0x40, s1, s16, $0xb8;
	[tilespmem:$0x17220] =	vst v63  }
0xf6: {  	s2 =	simm.s32 $0xA00  }
0xf7: {  	[tilespmem:s29], [sflag:$0x3] =	stream.indirect.gather.add.f32 [hbm:s6], $0x40, s2, s16, $0xb8;
	[tilespmem:$0x17220] =	vst v63  }
0xf8: {  	s12 =	simm.s32 $0xA80  }
0xf9: {  	[tilespmem:s31], [sflag:$0x3] =	stream.indirect.gather.add.f32 [hbm:s6], $0x40, s12, s16, $0xb8;
	[tilespmem:$0x17220] =	vst v63  }
0xfa: {  	s17 =	simm.s32 $0xB00  }
0xfb: {  	[tilespmem:s23], [sflag:$0x3] =	stream.indirect.gather.add.f32 [hbm:s7], $0x40, s17, s16, $0xb8;
	[tilespmem:$0x17220] =	vst v63  }
0xfc: {  	s19 =	simm.s32 $0xB80  }
0xfd: {  	[tilespmem:s25], [sflag:$0x3] =	stream.indirect.gather.add.f32 [hbm:s7], $0x40, s19, s16, $0xb8;
	[tilespmem:$0x17220] =	vst v63  }
0xfe: {  	s1 =	simm.s32 $0xC00  }
0xff: {  	[tilespmem:s29], [sflag:$0x3] =	stream.indirect.gather.add.f32 [hbm:s7], $0x40, s1, s16, $0xb8;
	[tilespmem:$0x17220] =	vst v63  }
0x100: {  	s2 =	simm.s32 $0xC80  }
0x101: {  	[tilespmem:s31], [sflag:$0x3] =	stream.indirect.gather.add.f32 [hbm:s7], $0x40, s2, s16, $0xb8;
	[tilespmem:$0x17220] =	vst v63  }
0x102: {  	s12 =	rddreg [dreg:$0x1];
	s1 =	simm.s32 $0xD00  }
0x103: {  	[tilespmem:s3], [sflag:$0x3] =	stream.indirect.gather.add.f32 [hbm:s12], $0x40, s1, s16, $0xb8;
	[tilespmem:$0x17220] =	vst v63  }
0x104: {  	s17 =	simm.s32 $0xD80  }
0x105: {  	[tilespmem:s3], [sflag:$0x3] =	stream.indirect.gather.add.f32 [hbm:s8], $0x40, s17, s16, $0xb8;
	[tilespmem:$0x17220] =	vst v63  }
0x106: {  	_ =	swait.ge [sflag:s24], $0x2000  }
0x107: {  	[sflag:s24] =	ssyncset.done $0x0  }
0x108: {  	[sflag:s24] =	ssyncadd.s32 $0xFFFFE000  }
0x109: {  	_ =	swait.ge [sflag:s24], $0x2000  }
0x10a: {  	[sflag:s24] =	ssyncset.done $0x0  }
0x10b: {  	[sflag:s24] =	ssyncadd.s32 $0xFFFFE000  }
0x10c: {  	_ =	swait.ge [sflag:s24], $0x2000  }
0x10d: {  	[sflag:s24] =	ssyncset.done $0x0  }
0x10e: {  	[sflag:s24] =	ssyncadd.s32 $0xFFFFE000  }
0x10f: {  	_ =	swait.ge [sflag:s24], $0x2000  }
0x110: {  	[sflag:s24] =	ssyncset.done $0x0  }
0x111: {  	[sflag:s24] =	ssyncadd.s32 $0xFFFFE000  }
0x112: {  	_ =	swait.ge [sflag:s24], $0x2000  }
0x113: {  	[sflag:s24] =	ssyncset.done $0x0  }
0x114: {  	[sflag:s24] =	ssyncadd.s32 $0xFFFFE000  }
0x115: {  	_ =	swait.ge [sflag:s24], $0x2000  }
0x116: {  	[sflag:s24] =	ssyncset.done $0x0  }
0x117: {  	[sflag:s24] =	ssyncadd.s32 $0xFFFFE000  }
0x118: {  	_ =	swait.ge [sflag:s24], $0x2000  }
0x119: {  	[sflag:s24] =	ssyncset.done $0x0  }
0x11a: {  	[sflag:s24] =	ssyncadd.s32 $0xFFFFE000  }
0x11b: {  	_ =	swait.ge [sflag:s24], $0x2000  }
0x11c: {  	[sflag:s24] =	ssyncset.done $0x0  }
0x11d: {  	[sflag:s24] =	ssyncadd.s32 $0xFFFFE000  }
0x11e: {  	_ =	swait.ge [sflag:s24], $0x2000  }
0x11f: {  	[sflag:s24] =	ssyncset.done $0x0  }
0x120: {  	[sflag:s24] =	ssyncadd.s32 $0xFFFFE000  }
0x121: {  	_ =	swait.ge [sflag:s24], $0x2000  }
0x122: {  	[sflag:s24] =	ssyncset.done $0x0  }
0x123: {  	[sflag:s24] =	ssyncadd.s32 $0xFFFFE000  }
0x124: {  	_ =	swait.ge [sflag:s24], $0x2000  }
0x125: {  	[sflag:s24] =	ssyncset.done $0x0  }
0x126: {  	[sflag:s24] =	ssyncadd.s32 $0xFFFFE000  }
0x127: {  	_ =	swait.ge [sflag:s24], $0x2000  }
0x128: {  	[sflag:s24] =	ssyncset.done $0x0  }
0x129: {  	p0 =	seq.s32 s11, $0x18;
	s12 =	sshll.u32 s11, $0x1;
	[sflag:s24] =	ssyncadd.s32 $0xFFFFE000  }
0x12a: {  	s0 =	sadd.s32 @!p0 s10, s12;
	_ =	swait.ge [sflag:s24], $0x2000  }
0x12b: {  	s0 =	smul.u32 @!p0 $0x700, s0;
	[sflag:s24] =	ssyncset.done $0x0  }
0x12c: {  	[sflag:s24] =	ssyncadd.s32 $0xFFFFE000  }
0x12d: {  	s0 =	sshrl.u32 @!p0 s0, $0x3;
	_ =	swait.ge [sflag:s24], $0x2000  }
0x12e: {  	s2 =	simm.s32 $0xE00;
	s0 =	sadd.s32 @!p0 s4, s0;
	[sflag:s24] =	ssyncset.done $0x0  }
0x12f: {  	s1 =	simm.s32 @!p0 $0x0;
	s0 =	sadd.s32 @!p0 $0x1C0, s0;
	[sflag:s24] =	ssyncadd.s32 $0xFFFFE000  }
0x130: {  	[tilespmem:s1], [sflag:$0x1] =	stream.linear.gather @!p0 [hbm4b:s0+s1], $0x700, $0x38;
	[tilespmem:$0x17220] =	vst v63  }
0x131: {  	v7 =	vld [tilespmem:s2+$0x0]  }
0x132: {  	s19 =	simm.s32 $0x0  }
0x133: {  	v8 =	vld [tilespmem:s19+$0x1220]  }
0x134: {  	v9 =	vld [tilespmem:s19+$0x11220]  }
0x135: {  	v10 =	vld [tilespmem:s19+$0x3220]  }
0x136: {  	v11 =	vbroadcast v7, $0x0  }
0x137: {  	v12 =	vld [tilespmem:s19+$0x5220]  }
0x138: {  	s0 =	simm.s32 $0x0;
	v13 =	vbroadcast v7, $0x1;
	v8 =	vmul.f32 v8, v11  }
0x139: {  	v14 =	vmov s0;
	v16 =	vld [tilespmem:s19+$0x7220];
	v15 =	vbroadcast v7, $0x2  }
0x13a: {  	v8 =	vadd.f32 v8, v9;
	v9 =	vmul.f32 v10, v13;
	v10 =	vand.u32 $0x7F, v14  }
0x13b: {  	v10 =	vbroadcast v10, $0x0  }
0x13c: {  	v7 =	vbroadcast v7, $0x3;
	v8 =	vadd.f32 v9, v8;
	v9 =	vmul.f32 v12, v15  }
0x13d: {  	v53 =	vor.u32 v0, v10  }
0x13e: {  	v8 =	vadd.f32 v9, v8;
	v9 =	vmul.f32 v16, v7;
	_ =	sdelay $0x1  }
0x13f: {  	v8 =	vadd.f32 v9, v8;
	_ =	sdelay $0x1  }
0x140: {  	[tilespmem:v53+s26+$0x0] =	vst.idx.msk $0xffff, v8  }
0x141: {  	v8 =	vld [tilespmem:s19+$0x1230]  }
0x142: {  	v9 =	vld [tilespmem:s19+$0x3230]  }
0x143: {  	v12 =	vld [tilespmem:s19+$0x11230];
	_ =	sdelay $0x1  }
0x144: {  	v54 =	vld [tilespmem:s19+$0x5230]  }
0x145: {  	v8 =	vmul.f32 v8, v11  }
0x146: {  	v55 =	vld [tilespmem:s19+$0x7230]  }
0x147: {  	v9 =	vmul.f32 v9, v13;
	v8 =	vadd.f32 v8, v12;
	_ =	sdelay $0x1  }
0x148: {  	v8 =	vadd.f32 v9, v8;
	v9 =	vmul.f32 v54, v15  }
0x149: {  	v56 =	vor.u32 v4, v10  }
0x14a: {  	v8 =	vadd.f32 v9, v8;
	v9 =	vmul.f32 v55, v7;
	_ =	sdelay $0x1  }
0x14b: {  	v8 =	vadd.f32 v9, v8;
	_ =	sdelay $0x1  }
0x14c: {  	[tilespmem:v56+s26+$0x0] =	vst.idx.msk $0xffff, v8  }
0x14d: {  	v8 =	vld [tilespmem:s19+$0x1240]  }
0x14e: {  	v9 =	vld [tilespmem:s19+$0x3240]  }
0x14f: {  	v12 =	vld [tilespmem:s19+$0x11240];
	_ =	sdelay $0x1  }
0x150: {  	v57 =	vld [tilespmem:s19+$0x5240]  }
0x151: {  	v8 =	vmul.f32 v8, v11  }
0x152: {  	v58 =	vld [tilespmem:s19+$0x7240]  }
0x153: {  	v9 =	vmul.f32 v9, v13;
	v8 =	vadd.f32 v8, v12;
	_ =	sdelay $0x1  }
0x154: {  	v59 =	vmul.f32 v57, v15;
	v8 =	vadd.f32 v9, v8  }
0x155: {  	v9 =	vor.u32 v5, v10  }
0x156: {  	v60 =	vmul.f32 v58, v7;
	v8 =	vadd.f32 v59, v8;
	_ =	sdelay $0x1  }
0x157: {  	v8 =	vadd.f32 v60, v8;
	_ =	sdelay $0x1  }
0x158: {  	[tilespmem:v9+s26+$0x0] =	vst.idx.msk $0xffff, v8  }
0x159: {  	v8 =	vld [tilespmem:s19+$0x1250]  }
0x15a: {  	v9 =	vld [tilespmem:s19+$0x11250]  }
0x15b: {  	v61 =	vld [tilespmem:s19+$0x3250];
	_ =	sdelay $0x1  }
0x15c: {  	v62 =	vld [tilespmem:s19+$0x5250]  }
0x15d: {  	v8 =	vmul.f32 v8, v11;
	v11 =	vld [tilespmem:s19+$0x7250];
	_ =	sdelay $0x1  }
0x15e: {  	v8 =	vadd.f32 v8, v9;
	v9 =	vmul.f32 v61, v13;
	_ =	sdelay $0x1  }
0x15f: {  	v63 =	vmul.f32 v62, v15;
	v8 =	vadd.f32 v9, v8  }
0x160: {  	v9 =	vmul.f32 v11, v7;
	v7 =	vor.u32 v6, v10  }
0x161: {  	v8 =	vadd.f32 v63, v8;
	_ =	sdelay $0x1  }
0x162: {  	s1 =	simm.s32 $0x100;
	s19 =	sshllo.u32 s11, $0x1;
	v8 =	vadd.f32 v9, v8  }
.LBB2_11:
0x163: {  	_ = 	snop  }
0x164: {  	p1 =	sne.s32 s1, $0x7F00;
	s0 =	sadd.s32 $0x1, s0;
	s2 =	sadd.s32 $0x4, s2;
	[tilespmem:v7+s26+$0x0] =	vst.idx.msk $0xffff, v8  }
0x165: {  	s17 =	smov.u32 s1;
	s1 =	sadd.s32 $0x100, s1;
	v7 =	vld [tilespmem:s2+$0x0]  }
0x166: {  	s17 =	sshra.s32 s17, $0x2  }
0x167: {  	v8 =	vld [tilespmem:s17+$0x1220]  }
0x168: {  	v9 =	vld [tilespmem:s17+$0x11220]  }
0x169: {  	v10 =	vld [tilespmem:s17+$0x3220]  }
0x16a: {  	v11 =	vbroadcast v7, $0x0;
	v12 =	vbroadcast v7, $0x1  }
0x16b: {  	v14 =	vbroadcast v7, $0x3;
	v13 =	vld [tilespmem:s17+$0x5220]  }
0x16c: {  	v8 =	vmul.f32 v8, v11  }
0x16d: {  	v15 =	vmov s0;
	v7 =	vbroadcast v7, $0x2;
	v16 =	vld [tilespmem:s17+$0x7220]  }
0x16e: {  	v8 =	vadd.f32 v8, v9;
	v9 =	vmul.f32 v10, v12;
	v10 =	vand.u32 $0x7F, v15  }
0x16f: {  	v10 =	vbroadcast v10, $0x0  }
0x170: {  	v8 =	vadd.f32 v9, v8;
	v9 =	vmul.f32 v13, v7  }
0x171: {  	v13 =	vor.u32 v0, v10  }
0x172: {  	v8 =	vadd.f32 v9, v8;
	v9 =	vmul.f32 v16, v14;
	_ =	sdelay $0x1  }
0x173: {  	v8 =	vadd.f32 v9, v8;
	_ =	sdelay $0x1  }
0x174: {  	[tilespmem:v13+s26+$0x0] =	vst.idx.msk $0xffff, v8  }
0x175: {  	v8 =	vld [tilespmem:s17+$0x1230]  }
0x176: {  	v9 =	vld [tilespmem:s17+$0x3230]  }
0x177: {  	v13 =	vld [tilespmem:s17+$0x11230];
	_ =	sdelay $0x1  }
0x178: {  	v15 =	vld [tilespmem:s17+$0x5230]  }
0x179: {  	v8 =	vmul.f32 v8, v11  }
0x17a: {  	v9 =	vmul.f32 v9, v12;
	v16 =	vld [tilespmem:s17+$0x7230]  }
0x17b: {  	v8 =	vadd.f32 v8, v13;
	_ =	sdelay $0x1  }
0x17c: {  	v8 =	vadd.f32 v9, v8;
	v9 =	vmul.f32 v15, v7  }
0x17d: {  	v13 =	vor.u32 v4, v10  }
0x17e: {  	v8 =	vadd.f32 v9, v8;
	v9 =	vmul.f32 v16, v14;
	_ =	sdelay $0x1  }
0x17f: {  	v8 =	vadd.f32 v9, v8;
	_ =	sdelay $0x1  }
0x180: {  	[tilespmem:v13+s26+$0x0] =	vst.idx.msk $0xffff, v8  }
0x181: {  	v8 =	vld [tilespmem:s17+$0x1240]  }
0x182: {  	v9 =	vld [tilespmem:s17+$0x3240]  }
0x183: {  	v13 =	vld [tilespmem:s17+$0x11240]  }
0x184: {  	v15 =	vld [tilespmem:s17+$0x5240]  }
0x185: {  	v16 =	vld [tilespmem:s17+$0x7240]  }
0x186: {  	v8 =	vmul.f32 v8, v11  }
0x187: {  	v9 =	vmul.f32 v9, v12  }
0x188: {  	v8 =	vadd.f32 v8, v13  }
0x189: {  	v13 =	vmul.f32 v15, v7  }
0x18a: {  	v8 =	vadd.f32 v9, v8;
	v9 =	vmul.f32 v16, v14  }
0x18b: {  	v15 =	vor.u32 v5, v10  }
0x18c: {  	v8 =	vadd.f32 v13, v8;
	_ =	sdelay $0x1  }
0x18d: {  	v8 =	vadd.f32 v9, v8;
	_ =	sdelay $0x1  }
0x18e: {  	[tilespmem:v15+s26+$0x0] =	vst.idx.msk $0xffff, v8  }
0x18f: {  	v8 =	vld [tilespmem:s17+$0x1250]  }
0x190: {  	v9 =	vld [tilespmem:s17+$0x11250]  }
0x191: {  	v13 =	vld [tilespmem:s17+$0x3250]  }
0x192: {  	v15 =	vld [tilespmem:s17+$0x5250]  }
0x193: {  	v16 =	vld [tilespmem:s17+$0x7250]  }
0x194: {  	v8 =	vmul.f32 v8, v11;
	_ =	sdelay $0x1  }
0x195: {  	v8 =	vadd.f32 v8, v9;
	v9 =	vmul.f32 v13, v12  }
0x196: {  	v11 =	vmul.f32 v15, v7  }
.Ltmp4:
0x197: {  	v8 =	vadd.f32 v9, v8;
	v9 =	vmul.f32 v16, v14;
	(pc) =	sbr.rel @p1 .LBB2_11-.Ltmp4, $3  }
0x198: {  	v7 =	vor.u32 v6, v10  }
0x199: {  	v8 =	vadd.f32 v11, v8;
	_ =	sdelay $0x1  }
0x19a: {  	v8 =	vadd.f32 v9, v8  }
0x19b: {  	s0 =	sadd.s32 s10, s12  }
0x19c: {  	s1 =	sshll.u32 s0, $0x4  }
0x19d: {  	s0 =	sshll.u32 s0, $0xA;
	s1 =	sand.u32 $0x60, s1  }
0x19e: {  	s0 =	sand.u32 $0xFFFE000, s0;
	s1 =	sadd.s32 s9, s1  }
.Ltmp5:
0x19f: {  	[tilespmem:v7+s26+$0x0] =	vst.idx.msk $0xffff, v8;
	s0 =	sadd.s32 s0, s1;
	(pc) =	sbr.rel @p0 .LBB2_18-.Ltmp5, $4  }
0x1a0: {  	[hbm4b:s0+s16] =	stream.strided.scatter [tilespmem:s26], [sflag:$0x4], $0x2000, s28, s16, $0x38;
	[tilespmem:$0x17220] =	vst v63  }
0x1a1: {  	_ =	swait.ge [sflag:s14], $0x2000  }
0x1a2: {  	[sflag:s14] =	ssyncset.done $0x0  }
0x1a3: {  	[sflag:s14] =	ssyncadd.s32 $0xFFFFE000  }
0x1a4: {  	_ =	swait.ge [sflag:s13], $0x700  }
0x1a5: {  	[sflag:s13] =	ssyncset.done $0x0  }
0x1a6: {  	s0 =	simm.s32 $0x100;
	[sflag:s13] =	ssyncadd.s32 $0xFFFFF900  }
0x1a7: {  	v7 =	vld [tilespmem:s0+$0xFFFFFF00]  }
0x1a8: {  	v8 =	vld [tilespmem:s0+$0xFFFFFF80];
	_ =	sdelay $0x1  }
0x1a9: {  	v9 =	vld [tilespmem:s0+$0x0];
	_ =	sdelay $0x1  }
0x1aa: {  	v10 =	vld [tilespmem:s0+$0x80]  }
0x1ab: {  	vm0 =	veq.s32 v7, $0x0;
	vm1 =	veq.s32 v8, $0x0  }
0x1ac: {  	v7 =	vsel vm0, $0x0, v1;
	v8 =	vsel vm1, $0x0, v1  }
0x1ad: {  	vm14 =	veq.s32 v9, $0x0;
	v11 =	vadd.f32 v8, v7  }
0x1ae: {  	v9 =	vsel vm14, $0x0, v1  }
0x1af: {  	vm15 =	veq.s32 v10, $0x0;
	v11 =	vadd.f32 v9, v11  }
0x1b0: {  	v10 =	vsel vm15, $0x0, v1  }
0x1b1: {  	v11 =	vadd.f32 v10, v11;
	_ =	sdelay $0x1  }
0x1b2: {  	v11 =	vmax.f32 v11, $1.000000000e+00  }
0x1b3: {  	(erf) = vrcp.f32 v11;
	_ =	sdelay $0x3  }
0x1b4: {  	s1 =	simm.s32 $0x0  }
0x1b5: {  	v11 =	vmov s1  }
0x1b6: {  	v11 =	vshll.u32 v11, $0x2  }
0x1b7: {  	v11 =	vor.u32 v2, v11;
	_ =	sdelay $0x1  }
0x1b8: {  	v12 =	vor.u32 $0x1, v11;
	v14 =	vpop (erf)  }
0x1b9: {  	v13 =	vor.u32 $0x2, v11;
	v7 =	vmul.f32 v14, v7;
	_ =	sdelay $0x1  }
0x1ba: {  	v8 =	vmul.f32 v14, v8;
	[tilespmem:v11+s15+$0x0] =	vst.idx.msk $0xffff, v7;
	v7 =	vor.u32 $0x3, v11  }
0x1bb: {  	v9 =	vmul.f32 v14, v9  }
0x1bc: {  	[tilespmem:v12+s15+$0x0] =	vst.idx.msk $0xffff, v8  }
0x1bd: {  	s1 =	simm.s32 $0x10;
	v8 =	vmul.f32 v14, v10;
	[tilespmem:v13+s15+$0x0] =	vst.idx.msk $0xffff, v9  }
.LBB2_14:
0x1be: {  	p1 =	sne.s32 s1, $0x70  }
0x1bf: {  	[tilespmem:v7+s15+$0x0] =	vst.idx.msk $0xffff, v8;
	s0 =	sadd.s32 $0x10, s0;
	s2 =	smov.u32 s1;
	s1 =	sadd.s32 $0x10, s1  }
0x1c0: {  	v7 =	vld [tilespmem:s0+$0xFFFFFF00]  }
0x1c1: {  	v8 =	vld [tilespmem:s0+$0xFFFFFF80];
	_ =	sdelay $0x1  }
0x1c2: {  	v9 =	vld [tilespmem:s0+$0x0];
	_ =	sdelay $0x1  }
0x1c3: {  	vm0 =	veq.s32 v7, $0x0;
	v7 =	vld [tilespmem:s0+$0x80]  }
0x1c4: {  	vm1 =	veq.s32 v8, $0x0  }
0x1c5: {  	v8 =	vsel vm0, $0x0, v1;
	v10 =	vsel vm1, $0x0, v1  }
0x1c6: {  	v11 =	vadd.f32 v10, v8;
	vm0 =	veq.s32 v9, $0x0  }
0x1c7: {  	v9 =	vsel vm0, $0x0, v1  }
0x1c8: {  	v11 =	vadd.f32 v9, v11;
	vm0 =	veq.s32 v7, $0x0  }
0x1c9: {  	v12 =	vsel vm0, $0x0, v1  }
0x1ca: {  	v7 =	vadd.f32 v12, v11;
	_ =	sdelay $0x1  }
0x1cb: {  	v7 =	vmax.f32 v7, $1.000000000e+00  }
0x1cc: {  	(erf) = vrcp.f32 v7;
	_ =	sdelay $0x4  }
0x1cd: {  	v7 =	vmov s2  }
0x1ce: {  	v7 =	vshll.u32 v7, $0x2  }
0x1cf: {  	v11 =	vor.u32 v2, v7  }
0x1d0: {  	v13 =	vor.u32 $0x1, v11  }
0x1d1: {  	v14 =	vor.u32 $0x2, v11;
	v15 =	vpop (erf)  }
.Ltmp6:
0x1d2: {  	v7 =	vor.u32 $0x3, v11;
	v8 =	vmul.f32 v15, v8;
	v10 =	vmul.f32 v15, v10;
	(pc) =	sbr.rel @p1 .LBB2_14-.Ltmp6, $4  }
0x1d3: {  	_ = 	snop  }
0x1d4: {  	v9 =	vmul.f32 v15, v9;
	[tilespmem:v11+s15+$0x0] =	vst.idx.msk $0xffff, v8  }
0x1d5: {  	v8 =	vmul.f32 v15, v12;
	[tilespmem:v13+s15+$0x0] =	vst.idx.msk $0xffff, v10  }
0x1d6: {  	[tilespmem:v14+s15+$0x0] =	vst.idx.msk $0xffff, v9  }
0x1d7: {  	_ =	sdelay $0x3  }
0x1d8: {  	[tilespmem:v7+s15+$0x0] =	vst.idx.msk $0xffff, v8;
	s0 =	simm.s32 $0x0;
	s1 =	simm.s32 $0x100  }
.LBB2_16:
0x1d9: {  	p1 =	sne.s32 s1, $0x7F00;
	[tilespmem:s0+$0x11250] =	vst v3  }
0x1da: {  	[tilespmem:s0+$0x1220] =	vst v3  }
0x1db: {  	[tilespmem:s0+$0x3220] =	vst v3  }
0x1dc: {  	[tilespmem:s0+$0x5220] =	vst v3  }
0x1dd: {  	[tilespmem:s0+$0x7220] =	vst v3  }
0x1de: {  	[tilespmem:s0+$0x11220] =	vst v3  }
0x1df: {  	[tilespmem:s0+$0x1230] =	vst v3  }
0x1e0: {  	[tilespmem:s0+$0x3230] =	vst v3  }
0x1e1: {  	[tilespmem:s0+$0x5230] =	vst v3  }
0x1e2: {  	[tilespmem:s0+$0x7230] =	vst v3  }
0x1e3: {  	[tilespmem:s0+$0x11230] =	vst v3  }
0x1e4: {  	[tilespmem:s0+$0x1240] =	vst v3  }
0x1e5: {  	[tilespmem:s0+$0x3240] =	vst v3  }
0x1e6: {  	[tilespmem:s0+$0x5240] =	vst v3  }
0x1e7: {  	[tilespmem:s0+$0x7240] =	vst v3  }
.Ltmp7:
0x1e8: {  	[tilespmem:s0+$0x11240] =	vst v3;
	(pc) =	sbr.rel @p1 .LBB2_16-.Ltmp7, $4  }
0x1e9: {  	[tilespmem:s0+$0x1250] =	vst v3  }
0x1ea: {  	[tilespmem:s0+$0x3250] =	vst v3  }
0x1eb: {  	[tilespmem:s0+$0x5250] =	vst v3  }
0x1ec: {  	[tilespmem:s0+$0x7250] =	vst v3;
	s0 =	sshra.s32 s1, $0x2;
	s1 =	sadd.s32 $0x100, s1  }
0x1ed: {  	[tilespmem:s0+$0x11250] =	vst v3  }
0x1ee: {  	[tilespmem:s0+$0x1220] =	vst v3  }
0x1ef: {  	[tilespmem:s0+$0x3220] =	vst v3  }
0x1f0: {  	[tilespmem:s0+$0x5220] =	vst v3  }
0x1f1: {  	[tilespmem:s0+$0x7220] =	vst v3  }
0x1f2: {  	[tilespmem:s0+$0x11220] =	vst v3  }
0x1f3: {  	[tilespmem:s0+$0x1230] =	vst v3  }
0x1f4: {  	[tilespmem:s0+$0x3230] =	vst v3  }
0x1f5: {  	[tilespmem:s0+$0x5230] =	vst v3  }
0x1f6: {  	[tilespmem:s0+$0x7230] =	vst v3  }
0x1f7: {  	[tilespmem:s0+$0x11230] =	vst v3  }
0x1f8: {  	[tilespmem:s0+$0x1240] =	vst v3  }
0x1f9: {  	[tilespmem:s0+$0x3240] =	vst v3  }
0x1fa: {  	[tilespmem:s0+$0x5240] =	vst v3  }
0x1fb: {  	[tilespmem:s0+$0x7240] =	vst v3  }
0x1fc: {  	[tilespmem:s0+$0x11240] =	vst v3  }
0x1fd: {  	[tilespmem:s0+$0x1250] =	vst v3  }
0x1fe: {  	[tilespmem:s0+$0x3250] =	vst v3  }
0x1ff: {  	[tilespmem:s0+$0x5250] =	vst v3  }
0x200: {  	[tilespmem:s0+$0x7250] =	vst v3;
	s17 =	simm.s32 $0x0;
	s1 =	simm.s32 $0x1220  }
0x201: {  	[tilespmem:s1], [sflag:$0x2] =	stream.indirect.gather.add.f32 [hbm:s5], $0x40, s17, s16, $0xb8;
	[tilespmem:$0x17220] =	vst v63  }
0x202: {  	_ = 	snop  }
0x203: {  	[tilespmem:s18], [sflag:$0x2] =	stream.indirect.gather.add.f32 [hbm:s5], $0x40, s16, s16, $0xb8;
	[tilespmem:$0x17220] =	vst v63  }
0x204: {  	s2 =	simm.s32 $0x100  }
0x205: {  	[tilespmem:s20], [sflag:$0x2] =	stream.indirect.gather.add.f32 [hbm:s5], $0x40, s2, s16, $0xb8;
	[tilespmem:$0x17220] =	vst v63  }
0x206: {  	s12 =	simm.s32 $0x180  }
0x207: {  	[tilespmem:s22], [sflag:$0x2] =	stream.indirect.gather.add.f32 [hbm:s5], $0x40, s12, s16, $0xb8;
	[tilespmem:$0x17220] =	vst v63  }
0x208: {  	s17 =	simm.s32 $0x200  }
0x209: {  	[tilespmem:s1], [sflag:$0x2] =	stream.indirect.gather.add.f32 [hbm:s6], $0x40, s17, s16, $0xb8;
	[tilespmem:$0x17220] =	vst v63  }
0x20a: {  	s2 =	simm.s32 $0x280  }
0x20b: {  	[tilespmem:s18], [sflag:$0x2] =	stream.indirect.gather.add.f32 [hbm:s6], $0x40, s2, s16, $0xb8;
	[tilespmem:$0x17220] =	vst v63  }
0x20c: {  	s12 =	simm.s32 $0x300  }
0x20d: {  	[tilespmem:s20], [sflag:$0x2] =	stream.indirect.gather.add.f32 [hbm:s6], $0x40, s12, s16, $0xb8;
	[tilespmem:$0x17220] =	vst v63  }
0x20e: {  	s17 =	simm.s32 $0x380  }
0x20f: {  	[tilespmem:s22], [sflag:$0x2] =	stream.indirect.gather.add.f32 [hbm:s6], $0x40, s17, s16, $0xb8;
	[tilespmem:$0x17220] =	vst v63  }
0x210: {  	_ = 	snop  }
0x211: {  	[tilespmem:s1], [sflag:$0x2] =	stream.indirect.gather.add.f32 [hbm:s7], $0x40, s28, s16, $0xb8;
	[tilespmem:$0x17220] =	vst v63  }
0x212: {  	s2 =	simm.s32 $0x480  }
0x213: {  	[tilespmem:s18], [sflag:$0x2] =	stream.indirect.gather.add.f32 [hbm:s7], $0x40, s2, s16, $0xb8;
	[tilespmem:$0x17220] =	vst v63  }
0x214: {  	s12 =	simm.s32 $0x500  }
0x215: {  	[tilespmem:s20], [sflag:$0x2] =	stream.indirect.gather.add.f32 [hbm:s7], $0x40, s12, s16, $0xb8;
	[tilespmem:$0x17220] =	vst v63  }
0x216: {  	s17 =	simm.s32 $0x580  }
0x217: {  	[tilespmem:s22], [sflag:$0x2] =	stream.indirect.gather.add.f32 [hbm:s7], $0x40, s17, s16, $0xb8;
	[tilespmem:$0x17220] =	vst v63  }
0x218: {  	s1 =	rddreg [dreg:$0x1];
	s2 =	simm.s32 $0x11220;
	s12 =	simm.s32 $0x600  }
0x219: {  	[tilespmem:s2], [sflag:$0x2] =	stream.indirect.gather.add.f32 [hbm:s1], $0x40, s12, s16, $0xb8;
	[tilespmem:$0x17220] =	vst v63  }
0x21a: {  	s17 =	simm.s32 $0x680  }
0x21b: {  	[tilespmem:s2], [sflag:$0x2] =	stream.indirect.gather.add.f32 [hbm:s8], $0x40, s17, s16, $0xb8;
	[tilespmem:$0x17220] =	vst v63  }
.LBB2_18:
0x21c: {  	_ =	swait.ge [sflag:s30], $0x2000  }
0x21d: {  	[sflag:s30] =	ssyncset.done $0x0  }
0x21e: {  	[sflag:s30] =	ssyncadd.s32 $0xFFFFE000  }
0x21f: {  	_ =	swait.ge [sflag:s30], $0x2000  }
0x220: {  	[sflag:s30] =	ssyncset.done $0x0  }
0x221: {  	[sflag:s30] =	ssyncadd.s32 $0xFFFFE000  }
0x222: {  	_ =	swait.ge [sflag:s30], $0x2000  }
0x223: {  	[sflag:s30] =	ssyncset.done $0x0  }
0x224: {  	[sflag:s30] =	ssyncadd.s32 $0xFFFFE000  }
0x225: {  	_ =	swait.ge [sflag:s30], $0x2000  }
0x226: {  	[sflag:s30] =	ssyncset.done $0x0  }
0x227: {  	[sflag:s30] =	ssyncadd.s32 $0xFFFFE000  }
0x228: {  	_ =	swait.ge [sflag:s30], $0x2000  }
0x229: {  	[sflag:s30] =	ssyncset.done $0x0  }
0x22a: {  	[sflag:s30] =	ssyncadd.s32 $0xFFFFE000  }
0x22b: {  	_ =	swait.ge [sflag:s30], $0x2000  }
0x22c: {  	[sflag:s30] =	ssyncset.done $0x0  }
0x22d: {  	[sflag:s30] =	ssyncadd.s32 $0xFFFFE000  }
0x22e: {  	_ =	swait.ge [sflag:s30], $0x2000  }
0x22f: {  	[sflag:s30] =	ssyncset.done $0x0  }
0x230: {  	[sflag:s30] =	ssyncadd.s32 $0xFFFFE000  }
0x231: {  	_ =	swait.ge [sflag:s30], $0x2000  }
0x232: {  	[sflag:s30] =	ssyncset.done $0x0  }
0x233: {  	[sflag:s30] =	ssyncadd.s32 $0xFFFFE000  }
0x234: {  	_ =	swait.ge [sflag:s30], $0x2000  }
0x235: {  	[sflag:s30] =	ssyncset.done $0x0  }
0x236: {  	[sflag:s30] =	ssyncadd.s32 $0xFFFFE000  }
0x237: {  	_ =	swait.ge [sflag:s30], $0x2000  }
0x238: {  	[sflag:s30] =	ssyncset.done $0x0  }
0x239: {  	[sflag:s30] =	ssyncadd.s32 $0xFFFFE000  }
0x23a: {  	_ =	swait.ge [sflag:s30], $0x2000  }
0x23b: {  	[sflag:s30] =	ssyncset.done $0x0  }
0x23c: {  	[sflag:s30] =	ssyncadd.s32 $0xFFFFE000  }
0x23d: {  	_ =	swait.ge [sflag:s30], $0x2000  }
0x23e: {  	[sflag:s30] =	ssyncset.done $0x0  }
0x23f: {  	[sflag:s30] =	ssyncadd.s32 $0xFFFFE000  }
0x240: {  	s0 =	sadd.s32 @!p0 s10, s19;
	_ =	swait.ge [sflag:s30], $0x2000  }
0x241: {  	s0 =	smul.u32 @!p0 $0x700, s0;
	[sflag:s30] =	ssyncset.done $0x0  }
0x242: {  	[sflag:s30] =	ssyncadd.s32 $0xFFFFE000  }
0x243: {  	s0 =	sshrl.u32 @!p0 s0, $0x3;
	_ =	swait.ge [sflag:s30], $0x2000  }
0x244: {  	s1 =	simm.s32 @!p0 $0x0;
	s0 =	sadd.s32 @!p0 s4, s0;
	[sflag:s30] =	ssyncset.done $0x0  }
0x245: {  	s2 =	simm.s32 @!p0 $0x700;
	s0 =	sadd.s32 @!p0 $0x1C0, s0;
	[sflag:s30] =	ssyncadd.s32 $0xFFFFE000  }
0x246: {  	[tilespmem:s2], [sflag:$0x1] =	stream.linear.gather @!p0 [hbm4b:s0+s1], $0x700, $0x38;
	[tilespmem:$0x17220] =	vst v63  }
0x247: {  	s2 =	simm.s32 $0x1010  }
0x248: {  	v7 =	vld [tilespmem:s2+$0x0]  }
0x249: {  	s17 =	simm.s32 $0x0  }
0x24a: {  	v8 =	vld [tilespmem:s17+$0x9220]  }
0x24b: {  	v9 =	vld [tilespmem:s17+$0x13220]  }
0x24c: {  	v10 =	vld [tilespmem:s17+$0xB220]  }
0x24d: {  	v11 =	vbroadcast v7, $0x0  }
0x24e: {  	v12 =	vld [tilespmem:s17+$0xD220]  }
0x24f: {  	s0 =	simm.s32 $0x0;
	v13 =	vbroadcast v7, $0x1;
	v8 =	vmul.f32 v8, v11  }
0x250: {  	v14 =	vmov s0;
	v16 =	vld [tilespmem:s17+$0xF220];
	v15 =	vbroadcast v7, $0x2  }
0x251: {  	v8 =	vadd.f32 v8, v9;
	v9 =	vmul.f32 v10, v13;
	v10 =	vand.u32 $0x7F, v14  }
0x252: {  	v10 =	vbroadcast v10, $0x0  }
0x253: {  	v7 =	vbroadcast v7, $0x3;
	v8 =	vadd.f32 v9, v8;
	v9 =	vmul.f32 v12, v15  }
0x254: {  	v53 =	vor.u32 v0, v10  }
0x255: {  	v8 =	vadd.f32 v9, v8;
	v9 =	vmul.f32 v16, v7;
	_ =	sdelay $0x1  }
0x256: {  	v8 =	vadd.f32 v9, v8;
	_ =	sdelay $0x1  }
0x257: {  	[tilespmem:v53+s26+$0x0] =	vst.idx.msk $0xffff, v8  }
0x258: {  	v8 =	vld [tilespmem:s17+$0x9230]  }
0x259: {  	v9 =	vld [tilespmem:s17+$0xB230]  }
0x25a: {  	v12 =	vld [tilespmem:s17+$0x13230];
	_ =	sdelay $0x1  }
0x25b: {  	v54 =	vld [tilespmem:s17+$0xD230]  }
0x25c: {  	v8 =	vmul.f32 v8, v11  }
0x25d: {  	v55 =	vld [tilespmem:s17+$0xF230]  }
0x25e: {  	v9 =	vmul.f32 v9, v13;
	v8 =	vadd.f32 v8, v12;
	_ =	sdelay $0x1  }
0x25f: {  	v8 =	vadd.f32 v9, v8;
	v9 =	vmul.f32 v54, v15  }
0x260: {  	v56 =	vor.u32 v4, v10  }
0x261: {  	v8 =	vadd.f32 v9, v8;
	v9 =	vmul.f32 v55, v7;
	_ =	sdelay $0x1  }
0x262: {  	v8 =	vadd.f32 v9, v8;
	_ =	sdelay $0x1  }
0x263: {  	[tilespmem:v56+s26+$0x0] =	vst.idx.msk $0xffff, v8  }
0x264: {  	v8 =	vld [tilespmem:s17+$0x9240]  }
0x265: {  	v9 =	vld [tilespmem:s17+$0xB240]  }
0x266: {  	v12 =	vld [tilespmem:s17+$0x13240];
	_ =	sdelay $0x1  }
0x267: {  	v57 =	vld [tilespmem:s17+$0xD240]  }
0x268: {  	v8 =	vmul.f32 v8, v11  }
0x269: {  	v58 =	vld [tilespmem:s17+$0xF240]  }
0x26a: {  	v9 =	vmul.f32 v9, v13;
	v8 =	vadd.f32 v8, v12;
	_ =	sdelay $0x1  }
0x26b: {  	v59 =	vmul.f32 v57, v15;
	v8 =	vadd.f32 v9, v8  }
0x26c: {  	v9 =	vor.u32 v5, v10  }
0x26d: {  	v60 =	vmul.f32 v58, v7;
	v8 =	vadd.f32 v59, v8;
	_ =	sdelay $0x1  }
0x26e: {  	v8 =	vadd.f32 v60, v8;
	_ =	sdelay $0x1  }
0x26f: {  	[tilespmem:v9+s26+$0x0] =	vst.idx.msk $0xffff, v8  }
0x270: {  	v8 =	vld [tilespmem:s17+$0x9250]  }
0x271: {  	v9 =	vld [tilespmem:s17+$0x13250]  }
0x272: {  	v61 =	vld [tilespmem:s17+$0xB250];
	_ =	sdelay $0x1  }
0x273: {  	v62 =	vld [tilespmem:s17+$0xD250]  }
0x274: {  	v8 =	vmul.f32 v8, v11;
	v11 =	vld [tilespmem:s17+$0xF250];
	_ =	sdelay $0x1  }
0x275: {  	v8 =	vadd.f32 v8, v9;
	v9 =	vmul.f32 v61, v13;
	_ =	sdelay $0x1  }
0x276: {  	v63 =	vmul.f32 v62, v15;
	v8 =	vadd.f32 v9, v8  }
0x277: {  	v9 =	vmul.f32 v11, v7;
	v7 =	vor.u32 v6, v10  }
0x278: {  	v8 =	vadd.f32 v63, v8;
	_ =	sdelay $0x1  }
0x279: {  	s1 =	simm.s32 $0x100;
	v8 =	vadd.f32 v9, v8  }
.LBB2_19:
0x27a: {  	_ = 	snop  }
0x27b: {  	p0 =	sne.s32 s1, $0x7F00;
	s0 =	sadd.s32 $0x1, s0;
	s2 =	sadd.s32 $0x4, s2;
	[tilespmem:v7+s26+$0x0] =	vst.idx.msk $0xffff, v8  }
0x27c: {  	s12 =	smov.u32 s1;
	s1 =	sadd.s32 $0x100, s1;
	v7 =	vld [tilespmem:s2+$0x0]  }
0x27d: {  	s12 =	sshra.s32 s12, $0x2  }
0x27e: {  	v8 =	vld [tilespmem:s12+$0x9220]  }
0x27f: {  	v9 =	vld [tilespmem:s12+$0x13220]  }
0x280: {  	v10 =	vld [tilespmem:s12+$0xB220]  }
0x281: {  	v11 =	vbroadcast v7, $0x0;
	v12 =	vbroadcast v7, $0x1  }
0x282: {  	v14 =	vbroadcast v7, $0x3;
	v13 =	vld [tilespmem:s12+$0xD220]  }
0x283: {  	v8 =	vmul.f32 v8, v11  }
0x284: {  	v15 =	vmov s0;
	v7 =	vbroadcast v7, $0x2;
	v16 =	vld [tilespmem:s12+$0xF220]  }
0x285: {  	v8 =	vadd.f32 v8, v9;
	v9 =	vmul.f32 v10, v12;
	v10 =	vand.u32 $0x7F, v15  }
0x286: {  	v10 =	vbroadcast v10, $0x0  }
0x287: {  	v8 =	vadd.f32 v9, v8;
	v9 =	vmul.f32 v13, v7  }
0x288: {  	v13 =	vor.u32 v0, v10  }
0x289: {  	v8 =	vadd.f32 v9, v8;
	v9 =	vmul.f32 v16, v14;
	_ =	sdelay $0x1  }
0x28a: {  	v8 =	vadd.f32 v9, v8;
	_ =	sdelay $0x1  }
0x28b: {  	[tilespmem:v13+s26+$0x0] =	vst.idx.msk $0xffff, v8  }
0x28c: {  	v8 =	vld [tilespmem:s12+$0x9230]  }
0x28d: {  	v9 =	vld [tilespmem:s12+$0xB230]  }
0x28e: {  	v13 =	vld [tilespmem:s12+$0x13230];
	_ =	sdelay $0x1  }
0x28f: {  	v15 =	vld [tilespmem:s12+$0xD230]  }
0x290: {  	v8 =	vmul.f32 v8, v11  }
0x291: {  	v9 =	vmul.f32 v9, v12;
	v16 =	vld [tilespmem:s12+$0xF230]  }
0x292: {  	v8 =	vadd.f32 v8, v13;
	_ =	sdelay $0x1  }
0x293: {  	v8 =	vadd.f32 v9, v8;
	v9 =	vmul.f32 v15, v7  }
0x294: {  	v13 =	vor.u32 v4, v10  }
0x295: {  	v8 =	vadd.f32 v9, v8;
	v9 =	vmul.f32 v16, v14;
	_ =	sdelay $0x1  }
0x296: {  	v8 =	vadd.f32 v9, v8;
	_ =	sdelay $0x1  }
0x297: {  	[tilespmem:v13+s26+$0x0] =	vst.idx.msk $0xffff, v8  }
0x298: {  	v8 =	vld [tilespmem:s12+$0x9240]  }
0x299: {  	v9 =	vld [tilespmem:s12+$0xB240]  }
0x29a: {  	v13 =	vld [tilespmem:s12+$0x13240]  }
0x29b: {  	v15 =	vld [tilespmem:s12+$0xD240]  }
0x29c: {  	v16 =	vld [tilespmem:s12+$0xF240]  }
0x29d: {  	v8 =	vmul.f32 v8, v11  }
0x29e: {  	v9 =	vmul.f32 v9, v12  }
0x29f: {  	v8 =	vadd.f32 v8, v13  }
0x2a0: {  	v13 =	vmul.f32 v15, v7  }
0x2a1: {  	v8 =	vadd.f32 v9, v8;
	v9 =	vmul.f32 v16, v14  }
0x2a2: {  	v15 =	vor.u32 v5, v10  }
0x2a3: {  	v8 =	vadd.f32 v13, v8;
	_ =	sdelay $0x1  }
0x2a4: {  	v8 =	vadd.f32 v9, v8;
	_ =	sdelay $0x1  }
0x2a5: {  	[tilespmem:v15+s26+$0x0] =	vst.idx.msk $0xffff, v8  }
0x2a6: {  	v8 =	vld [tilespmem:s12+$0x9250]  }
0x2a7: {  	v9 =	vld [tilespmem:s12+$0x13250]  }
0x2a8: {  	v13 =	vld [tilespmem:s12+$0xB250]  }
0x2a9: {  	v15 =	vld [tilespmem:s12+$0xD250]  }
0x2aa: {  	v16 =	vld [tilespmem:s12+$0xF250]  }
0x2ab: {  	v8 =	vmul.f32 v8, v11;
	_ =	sdelay $0x1  }
0x2ac: {  	v8 =	vadd.f32 v8, v9;
	v9 =	vmul.f32 v13, v12  }
0x2ad: {  	v11 =	vmul.f32 v15, v7  }
.Ltmp8:
0x2ae: {  	v8 =	vadd.f32 v9, v8;
	v9 =	vmul.f32 v16, v14;
	(pc) =	sbr.rel @p0 .LBB2_19-.Ltmp8, $3  }
0x2af: {  	v7 =	vor.u32 v6, v10  }
0x2b0: {  	v8 =	vadd.f32 v11, v8;
	_ =	sdelay $0x1  }
0x2b1: {  	v8 =	vadd.f32 v9, v8  }
0x2b2: {  	s0 =	sadd.s32 s10, s19  }
0x2b3: {  	s1 =	sshll.u32 s0, $0x4  }
0x2b4: {  	s11 =	sadd.s32 $0x1, s11;
	s0 =	sshll.u32 s0, $0xA;
	s1 =	sand.u32 $0x70, s1  }
0x2b5: {  	p0 =	sne.s32 s11, $0x19;
	s0 =	sand.u32 $0xFFFE000, s0;
	s1 =	sadd.s32 s9, s1  }
.Ltmp9:
0x2b6: {  	[tilespmem:v7+s26+$0x0] =	vst.idx.msk $0xffff, v8;
	s0 =	sadd.s32 s0, s1;
	(pc) =	sbr.rel @p0 .LBB2_6-.Ltmp9, $4  }
0x2b7: {  	[hbm4b:s0+s16] =	stream.strided.scatter [tilespmem:s26], [sflag:$0x4], $0x2000, s28, s16, $0x38;
	[tilespmem:$0x17220] =	vst v63  }
0x2b8: {  	_ =	swait.ge [sflag:s14], $0x2000  }
0x2b9: {  	[sflag:s14] =	ssyncset.done $0x0  }
0x2ba: {  	[sflag:s14] =	ssyncadd.s32 $0xFFFFE000  }
0x2bb: {  	s1 =	rddreg [dreg:$0x6]  }
0x2bc: {  	s0 =	rddreg [dreg:$0x5];
	s1 =	sadd.s32 $0x1, s1  }
0x2bd: {  	p0 =	sne.s32 s1, s0  }
.Ltmp10:
0x2be: {  	_ = 	snop;
	(pc) =	sbr.rel @p0 .LBB2_1-.Ltmp10, $1  }
0x2bf: {  	_ =	sdelay $0x3  }
0x2c0: {  	_ =	sfence.sel $0x180000  }
0x2c1: {  	[bflag:$0x0] =	sbarrier.arrive $0xFFFF  }
0x2c2: {  	_ =	strace $0x90000047  }
0x2c3: {  	s0 =	stileid.u32;
	[bflag:$0x2] =	sbarrier.arrive $0xFFFF  }
0x2c4: {  	p0 =	sne.s32 s0, $0x0;
	s0 =	rddreg [dreg:$0x2]  }
0x2c5: {  	s0 =	sadd.s32 @!p0 $0x100000, s0  }
0x2c6: {  	[sflag:s0] =	ssyncadd.tile.s32 @!p0 $0x1;
	_ =	shalt  }
.Lfunc_end2:
_tile_overlayer_lowered:
.L_overlay_start_2:
0x2c7: {  	(tag) =	ssettag $0x2  }
0x2c8: {  	s0 =	rddreg [dreg:$0x0];
	s2 =	stileid.u32  }
0x2c9: {  	s1 =	rddreg [dreg:$0x1];
	p0 =	sne.s32 s2, $0x0  }
0x2ca: {  	s3 =	rddreg [dreg:$0x2];
	[bflag:$0x3] =	sbarrier.arrive $0xFFFF;
	s2 =	simm.s32 @!p0 $0x1C04  }
0x2cb: {  	[timem:s3], [sflag:s2] =	dma.local @!p0 [hbm:s0], s1  }
0x2cc: {  	s0 =	simm.s32 @!p0 $0x4  }
0x2cd: {  	_ =	swait.ge @!p0 [sflag:s0], s1  }
0x2ce: {  	s1 =	ssub.s32 @!p0 $0x0, s1;
	[sflag:s0] =	ssyncset.done @!p0 $0x0  }
0x2cf: {  	[sflag:s0] =	ssyncadd.s32 @!p0 s1  }
0x2d0: {  	[bflag:$0x3] =	sbarrier.arrive $0xFFFF  }
0x2d1: {  	_ =	shalt  }

</sc_bundles>
